<compile_context>
chip_gen: v7x
topology: tpu7x:2x2x1
jax: 0.10.2.dev20260603
libtpu: 0.0.44.dev20260713+nightly
codegen_flags: <defaults>
</compile_context>

<pallas_src>
import functools

import jax
import jax.numpy as jnp
from jax import lax
from jax.experimental import pallas as pl
from jax.experimental.pallas import tpu as pltpu
from jax.experimental.pallas import tpu_sc as plsc

BATCH = 4
SEQ = 2048
D = 1024
NC, NS, L = 2, 16, 16
NW = NC * NS
SB = SEQ // NW
CHUNK = 16
NCH = SB // CHUNK
NT = NCH * BATCH
NBUF = 5


def _emb_body(x_hbm, table_hbm, pe_hbm, out_hbm, idx_v, pe_v, rows_v,
              gsems, ssems, psems):
    wid = lax.axis_index("c") * NS + lax.axis_index("s")
    s0 = wid * SB

    def start_pe(c):
        src = pe_hbm.at[pl.ds(s0 + c * CHUNK, CHUNK)]
        return pltpu.async_copy(src, pe_v.at[c % 2], psems[c % 2])

    def start_gather(t):
        c, b = divmod(t, BATCH)
        idx_sl = idx_v.at[pl.ds(b * SB + c * CHUNK, CHUNK)]
        return pltpu.async_copy(table_hbm.at[idx_sl], rows_v.at[t % NBUF],
                                gsems[t % NBUF])

    def add_pe(t):
        c = t // BATCH
        k, kp = t % NBUF, c % 2
        vpr = D // L

        @plsc.parallel_loop(0, CHUNK * vpr, unroll=8)
        def _(i):
            r = i >> 6
            sl = pl.ds((i & (vpr - 1)) * L, L)
            plsc.addupdate(rows_v.at[k, r, sl], pe_v[kp, r, sl])

    def start_store(t):
        c, b = divmod(t, BATCH)
        dst = out_hbm.at[b, pl.ds(s0 + c * CHUNK, CHUNK)]
        return pltpu.async_copy(rows_v.at[t % NBUF], dst, ssems[t % NBUF])

    pe_d = {0: start_pe(0)}
    gather_d = {}
    for b in range(BATCH):
        pltpu.sync_copy(x_hbm.at[b, pl.ds(s0, SB)],
                        idx_v.at[pl.ds(b * SB, SB)])
        if b < NBUF - 1:
            gather_d[b] = start_gather(b)
    store_d = {}

    for t in range(NT):
        tg = t + NBUF - 1
        if tg < NT:
            if tg - NBUF >= 0:
                store_d.pop(tg - NBUF).wait()
            gather_d[tg] = start_gather(tg)
        c, b = divmod(t, BATCH)
        if b == 0:
            if c + 1 < NCH:
                pe_d[c + 1] = start_pe(c + 1)
            pe_d.pop(c).wait()
        gather_d.pop(t).wait()
        add_pe(t)
        store_d[t] = start_store(t)
    for d in store_d.values():
        d.wait()


@functools.partial(
    pl.kernel,
    mesh=plsc.VectorSubcoreMesh(core_axis_name="c", subcore_axis_name="s"),
    out_type=jax.ShapeDtypeStruct((BATCH, SEQ, D), jnp.float32),
    scratch_types=[
        pltpu.VMEM((BATCH * SB,), jnp.int32),
        pltpu.VMEM((2, CHUNK, D), jnp.float32),
        pltpu.VMEM((NBUF, CHUNK, D), jnp.float32),
        tuple(pltpu.SemaphoreType.DMA for _ in range(NBUF)),
        tuple(pltpu.SemaphoreType.DMA for _ in range(NBUF)),
        (pltpu.SemaphoreType.DMA, pltpu.SemaphoreType.DMA),
    ],
)
def _emb_call(x_hbm, table_hbm, pe_hbm, out_hbm, idx_v, pe_v, rows_v,
              gsems, ssems, psems):
    _emb_body(x_hbm, table_hbm, pe_hbm, out_hbm, idx_v, pe_v, rows_v,
              gsems, ssems, psems)


def kernel(x, table, pe):
    return _emb_call(x.astype(jnp.int32), table, pe)

# --- scband reference (transcript-rebuilt; emitter-appended) ---
"""Pipeline reference for scband-embedding-6279242187114 (READ-ONLY COPY).

The authoritative reference and input builder live on the scoring server;
editing this copy changes nothing except your own understanding.
"""

import jax, jax.numpy as jnp
import numpy as np

VOCAB = 100000
D_MODEL = 1024
MAX_SEQ = 2048
BATCH = 4
SEQ = 2048


def pos_sinusoid_embedding(d_model, seq_len):
    pos = jnp.arange(seq_len, dtype=jnp.float32)[:, None]
    i = jnp.arange(d_model)[None, :]
    denom = jnp.power(10000.0, 2 * (i // 2) / d_model).astype(jnp.float32)
    angle = pos / denom
    emb = jnp.where(i % 2 == 0, jnp.sin(angle), jnp.cos(angle))
    return emb.astype(jnp.float32)


def setup_inputs(seed: int = 0) -> dict:
    key = jax.random.key(seed)
    k1, k2 = jax.random.split(key)
    x = jax.random.randint(k1, (BATCH, SEQ), 0, VOCAB, dtype=jnp.int64 if jax.config.read('jax_enable_x64') else jnp.int32)
    table = jax.random.normal(k2, (VOCAB, D_MODEL), dtype=jnp.float32)
    pe = pos_sinusoid_embedding(D_MODEL, MAX_SEQ)
    return {"x": x, "table": table, "pe": pe}


def reference(x, table, pe):
    # token embedding lookup (gather)
    emb = jnp.take(table, x, axis=0)  # [B, S, D]
    # add positional encoding for first seq_len positions
    out = emb + pe[: x.shape[1], :]
    # dropout in eval mode -> identity
    return out

if __name__ == "__main__":
    import jax
    _d = setup_inputs()
    print(jax.jit(kernel)(*tuple(_d.values())))

</pallas_src>

<mosaic_0001>
#map = affine_map<(d0, d1) -> (0, 0)>
#map1 = affine_map<(d0, d1) -> (0, 0, 0)>
module attributes {stable_mosaic.version = 14 : i64} {
  func.func @_emb_call(%arg0: i32, %arg1: i32, %arg2: memref<4x2048xi32, #tpu.memory_space<hbm>>, %arg3: memref<100000x1024xf32, #tpu.memory_space<hbm>>, %arg4: memref<2048x1024xf32, #tpu.memory_space<hbm>>, %arg5: memref<4x2048x1024xf32, #tpu.memory_space<hbm>>, %arg6: memref<256xi32, #tpu.memory_space<vmem>>, %arg7: memref<2x16x1024xf32, #tpu.memory_space<vmem>>, %arg8: memref<5x16x1024xf32, #tpu.memory_space<vmem>>, %arg9: memref<!tpu.dma_semaphore, #tpu.memory_space<semaphore_mem>>, %arg10: memref<!tpu.dma_semaphore, #tpu.memory_space<semaphore_mem>>, %arg11: memref<!tpu.dma_semaphore, #tpu.memory_space<semaphore_mem>>, %arg12: memref<!tpu.dma_semaphore, #tpu.memory_space<semaphore_mem>>, %arg13: memref<!tpu.dma_semaphore, #tpu.memory_space<semaphore_mem>>, %arg14: memref<!tpu.dma_semaphore, #tpu.memory_space<semaphore_mem>>, %arg15: memref<!tpu.dma_semaphore, #tpu.memory_space<semaphore_mem>>, %arg16: memref<!tpu.dma_semaphore, #tpu.memory_space<semaphore_mem>>, %arg17: memref<!tpu.dma_semaphore, #tpu.memory_space<semaphore_mem>>, %arg18: memref<!tpu.dma_semaphore, #tpu.memory_space<semaphore_mem>>, %arg19: memref<!tpu.dma_semaphore, #tpu.memory_space<semaphore_mem>>, %arg20: memref<!tpu.dma_semaphore, #tpu.memory_space<semaphore_mem>>) attributes {dimension_semantics = [#tpu.dimension_semantics<core_parallel>, #tpu.dimension_semantics<subcore_parallel>], iteration_bounds = array<i64: 2, 16>, scalar_prefetch = 0 : i64, scratch_operands = 15 : i64, tpu.core_type = #tpu.core_type<sc_vector_subcore>, window_params = [{transform_indices = #map}, {transform_indices = #map}, {transform_indices = #map}, {transform_indices = #map1}]} {
    %mul3A = arith.constant 16 : i32
    %mul3A_0 = arith.muli %arg0, %mul3A : i32
    %add3A = arith.addi %mul3A_0, %arg1 : i32
    %mul3A_1 = arith.constant 64 : i32
    %mul3A_2 = arith.muli %add3A, %mul3A_1 : i32
    %add3A_3 = arith.constant 0 : i32
    %add3A_4 = arith.addi %mul3A_2, %add3A_3 : i32
    %dma_start3A = arith.constant 0 : i32
    %dma_start3A_5 = arith.constant 0 : i32
    %dma_start3A_6 = arith.constant 0 : i32
    %dma_start3A_7 = tpu.memref_slice %arg7[%dma_start3A, %dma_start3A_5, %dma_start3A_6] : memref<2x16x1024xf32, #tpu.memory_space<vmem>> -> memref<1x16x1024xf32, #tpu.memory_space<vmem>>
    %dma_start3A_8 = tpu.memref_squeeze %dma_start3A_7 : memref<1x16x1024xf32, #tpu.memory_space<vmem>> -> memref<16x1024xf32, #tpu.memory_space<vmem>>
    %dma_start3A_9 = arith.constant 0 : i32
    %dma_start3A_10 = tpu.memref_slice %arg4[%add3A_4, %dma_start3A_9] : memref<2048x1024xf32, #tpu.memory_space<hbm>> -> memref<16x1024xf32, #tpu.memory_space<hbm>>
    %dma_start3A_11 = arith.constant 0 : i32
    %dma_start3A_12 = arith.constant 0 : i32
    %dma_start3A_13 = tpu.memref_slice %arg7[%dma_start3A, %dma_start3A_11, %dma_start3A_12] : memref<2x16x1024xf32, #tpu.memory_space<vmem>> -> memref<1x16x1024xf32, #tpu.memory_space<vmem>>
    %dma_start3A_14 = tpu.memref_squeeze %dma_start3A_13 : memref<1x16x1024xf32, #tpu.memory_space<vmem>> -> memref<16x1024xf32, #tpu.memory_space<vmem>>
    %dma_start3A_15 = arith.constant 0 : i32
    %dma_start3A_16 = tpu.memref_slice %arg4[%add3A_4, %dma_start3A_15] : memref<2048x1024xf32, #tpu.memory_space<hbm>> -> memref<16x1024xf32, #tpu.memory_space<hbm>>
    tpu.enqueue_dma source(%dma_start3A_16 : memref<16x1024xf32, #tpu.memory_space<hbm>>) target(%dma_start3A_14 : memref<16x1024xf32, #tpu.memory_space<vmem>>) target_semaphore(%arg19 : memref<!tpu.dma_semaphore, #tpu.memory_space<semaphore_mem>>)
    %run_scoped3A = arith.constant 0 : i32
    "tpu.region"() ({
      %run_scoped3A_1027 = tpu.sem_alloc : memref<!tpu.dma_semaphore, #tpu.memory_space<semaphore_mem>>
      %dma_start3A_1028 = arith.constant 0 : i32
      %dma_start3A_1029 = tpu.memref_slice %arg6[%dma_start3A_1028] : memref<256xi32, #tpu.memory_space<vmem>> -> memref<64xi32, #tpu.memory_space<vmem>>
      %dma_start3A_1030 = tpu.memref_slice %arg2[%run_scoped3A, %mul3A_2] : memref<4x2048xi32, #tpu.memory_space<hbm>> -> memref<1x64xi32, #tpu.memory_space<hbm>>
      %dma_start3A_1031 = tpu.memref_squeeze %dma_start3A_1030 : memref<1x64xi32, #tpu.memory_space<hbm>> -> memref<64xi32, #tpu.memory_space<hbm>>
      %dma_start3A_1032 = arith.constant 0 : i32
      %dma_start3A_1033 = tpu.memref_slice %arg6[%dma_start3A_1032] : memref<256xi32, #tpu.memory_space<vmem>> -> memref<64xi32, #tpu.memory_space<vmem>>
      %dma_start3A_1034 = tpu.memref_slice %arg2[%run_scoped3A, %mul3A_2] : memref<4x2048xi32, #tpu.memory_space<hbm>> -> memref<1x64xi32, #tpu.memory_space<hbm>>
      %dma_start3A_1035 = tpu.memref_squeeze %dma_start3A_1034 : memref<1x64xi32, #tpu.memory_space<hbm>> -> memref<64xi32, #tpu.memory_space<hbm>>
      tpu.enqueue_dma source(%dma_start3A_1035 : memref<64xi32, #tpu.memory_space<hbm>>) target(%dma_start3A_1033 : memref<64xi32, #tpu.memory_space<vmem>>) target_semaphore(%run_scoped3A_1027 : memref<!tpu.dma_semaphore, #tpu.memory_space<semaphore_mem>>)
      %dma_wait3A_1036 = arith.constant 0 : i32
      %dma_wait3A_1037 = tpu.memref_slice %arg6[%dma_wait3A_1036] : memref<256xi32, #tpu.memory_space<vmem>> -> memref<64xi32, #tpu.memory_space<vmem>>
      %dma_wait3A_1038 = tpu.memref_slice %arg2[%run_scoped3A, %mul3A_2] : memref<4x2048xi32, #tpu.memory_space<hbm>> -> memref<1x64xi32, #tpu.memory_space<hbm>>
      %dma_wait3A_1039 = tpu.memref_squeeze %dma_wait3A_1038 : memref<1x64xi32, #tpu.memory_space<hbm>> -> memref<64xi32, #tpu.memory_space<hbm>>
      %dma_wait3A_1040 = arith.constant 0 : i32
      %dma_wait3A_1041 = tpu.memref_slice %arg6[%dma_wait3A_1040] : memref<256xi32, #tpu.memory_space<vmem>> -> memref<64xi32, #tpu.memory_space<vmem>>
      %dma_wait3A_1042 = tpu.memref_slice %arg2[%run_scoped3A, %mul3A_2] : memref<4x2048xi32, #tpu.memory_space<hbm>> -> memref<1x64xi32, #tpu.memory_space<hbm>>
      %dma_wait3A_1043 = tpu.memref_squeeze %dma_wait3A_1042 : memref<1x64xi32, #tpu.memory_space<hbm>> -> memref<64xi32, #tpu.memory_space<hbm>>
      tpu.wait_dma2 semaphore(%run_scoped3A_1027 : memref<!tpu.dma_semaphore, #tpu.memory_space<semaphore_mem>>) src(%dma_wait3A_1043 : memref<64xi32, #tpu.memory_space<hbm>>) dst(%dma_wait3A_1041 : memref<64xi32, #tpu.memory_space<vmem>>)
      tpu.yield
    }) : () -> ()
    %dma_start3A_17 = arith.constant 0 : i32
    %dma_start3A_18 = arith.constant 0 : i32
    %dma_start3A_19 = arith.constant 0 : i32
    %dma_start3A_20 = tpu.memref_slice %arg8[%dma_start3A_17, %dma_start3A_18, %dma_start3A_19] : memref<5x16x1024xf32, #tpu.memory_space<vmem>> -> memref<1x16x1024xf32, #tpu.memory_space<vmem>>
    %dma_start3A_21 = tpu.memref_squeeze %dma_start3A_20 : memref<1x16x1024xf32, #tpu.memory_space<vmem>> -> memref<16x1024xf32, #tpu.memory_space<vmem>>
    %dma_start3A_22 = arith.constant 0 : i32
    %dma_start3A_23 = tpu.memref_slice %arg6[%dma_start3A_22] : memref<256xi32, #tpu.memory_space<vmem>> -> memref<16xi32, #tpu.memory_space<vmem>>
    %dma_start3A_24 = arith.constant 0 : i32
    %dma_start3A_25 = arith.constant 0 : i32
    %dma_start3A_26 = tpu.memref_slice %arg3[%dma_start3A_24, %dma_start3A_25] : memref<100000x1024xf32, #tpu.memory_space<hbm>> -> memref<100000x1024xf32, #tpu.memory_space<hbm>>
    tpu.enqueue_indirect_dma source(%dma_start3A_26 : memref<100000x1024xf32, #tpu.memory_space<hbm>>) target(%dma_start3A_21 : memref<16x1024xf32, #tpu.memory_space<vmem>>) offsets(%dma_start3A_23 : memref<16xi32, #tpu.memory_space<vmem>>) semaphore(%arg9 : memref<!tpu.dma_semaphore, #tpu.memory_space<semaphore_mem>>)
    %run_scoped3A_27 = arith.constant 1 : i32
    "tpu.region"() ({
      %run_scoped3A_1027 = tpu.sem_alloc : memref<!tpu.dma_semaphore, #tpu.memory_space<semaphore_mem>>
      %dma_start3A_1028 = arith.constant 64 : i32
      %dma_start3A_1029 = tpu.memref_slice %arg6[%dma_start3A_1028] : memref<256xi32, #tpu.memory_space<vmem>> -> memref<64xi32, #tpu.memory_space<vmem>>
      %dma_start3A_1030 = tpu.memref_slice %arg2[%run_scoped3A_27, %mul3A_2] : memref<4x2048xi32, #tpu.memory_space<hbm>> -> memref<1x64xi32, #tpu.memory_space<hbm>>
      %dma_start3A_1031 = tpu.memref_squeeze %dma_start3A_1030 : memref<1x64xi32, #tpu.memory_space<hbm>> -> memref<64xi32, #tpu.memory_space<hbm>>
      %dma_start3A_1032 = arith.constant 64 : i32
      %dma_start3A_1033 = tpu.memref_slice %arg6[%dma_start3A_1032] : memref<256xi32, #tpu.memory_space<vmem>> -> memref<64xi32, #tpu.memory_space<vmem>>
      %dma_start3A_1034 = tpu.memref_slice %arg2[%run_scoped3A_27, %mul3A_2] : memref<4x2048xi32, #tpu.memory_space<hbm>> -> memref<1x64xi32, #tpu.memory_space<hbm>>
      %dma_start3A_1035 = tpu.memref_squeeze %dma_start3A_1034 : memref<1x64xi32, #tpu.memory_space<hbm>> -> memref<64xi32, #tpu.memory_space<hbm>>
      tpu.enqueue_dma source(%dma_start3A_1035 : memref<64xi32, #tpu.memory_space<hbm>>) target(%dma_start3A_1033 : memref<64xi32, #tpu.memory_space<vmem>>) target_semaphore(%run_scoped3A_1027 : memref<!tpu.dma_semaphore, #tpu.memory_space<semaphore_mem>>)
      %dma_wait3A_1036 = arith.constant 64 : i32
      %dma_wait3A_1037 = tpu.memref_slice %arg6[%dma_wait3A_1036] : memref<256xi32, #tpu.memory_space<vmem>> -> memref<64xi32, #tpu.memory_space<vmem>>
      %dma_wait3A_1038 = tpu.memref_slice %arg2[%run_scoped3A_27, %mul3A_2] : memref<4x2048xi32, #tpu.memory_space<hbm>> -> memref<1x64xi32, #tpu.memory_space<hbm>>
      %dma_wait3A_1039 = tpu.memref_squeeze %dma_wait3A_1038 : memref<1x64xi32, #tpu.memory_space<hbm>> -> memref<64xi32, #tpu.memory_space<hbm>>
      %dma_wait3A_1040 = arith.constant 64 : i32
      %dma_wait3A_1041 = tpu.memref_slice %arg6[%dma_wait3A_1040] : memref<256xi32, #tpu.memory_space<vmem>> -> memref<64xi32, #tpu.memory_space<vmem>>
      %dma_wait3A_1042 = tpu.memref_slice %arg2[%run_scoped3A_27, %mul3A_2] : memref<4x2048xi32, #tpu.memory_space<hbm>> -> memref<1x64xi32, #tpu.memory_space<hbm>>
      %dma_wait3A_1043 = tpu.memref_squeeze %dma_wait3A_1042 : memref<1x64xi32, #tpu.memory_space<hbm>> -> memref<64xi32, #tpu.memory_space<hbm>>
      tpu.wait_dma2 semaphore(%run_scoped3A_1027 : memref<!tpu.dma_semaphore, #tpu.memory_space<semaphore_mem>>) src(%dma_wait3A_1043 : memref<64xi32, #tpu.memory_space<hbm>>) dst(%dma_wait3A_1041 : memref<64xi32, #tpu.memory_space<vmem>>)
      tpu.yield
    }) : () -> ()
    %dma_start3A_28 = arith.constant 1 : i32
    %dma_start3A_29 = arith.constant 0 : i32
    %dma_start3A_30 = arith.constant 0 : i32
    %dma_start3A_31 = tpu.memref_slice %arg8[%dma_start3A_28, %dma_start3A_29, %dma_start3A_30] : memref<5x16x1024xf32, #tpu.memory_space<vmem>> -> memref<1x16x1024xf32, #tpu.memory_space<vmem>>
    %dma_start3A_32 = tpu.memref_squeeze %dma_start3A_31 : memref<1x16x1024xf32, #tpu.memory_space<vmem>> -> memref<16x1024xf32, #tpu.memory_space<vmem>>
    %dma_start3A_33 = arith.constant 64 : i32
    %dma_start3A_34 = tpu.memref_slice %arg6[%dma_start3A_33] : memref<256xi32, #tpu.memory_space<vmem>> -> memref<16xi32, #tpu.memory_space<vmem>>
    %dma_start3A_35 = arith.constant 0 : i32
    %dma_start3A_36 = arith.constant 0 : i32
    %dma_start3A_37 = tpu.memref_slice %arg3[%dma_start3A_35, %dma_start3A_36] : memref<100000x1024xf32, #tpu.memory_space<hbm>> -> memref<100000x1024xf32, #tpu.memory_space<hbm>>
    tpu.enqueue_indirect_dma source(%dma_start3A_37 : memref<100000x1024xf32, #tpu.memory_space<hbm>>) target(%dma_start3A_32 : memref<16x1024xf32, #tpu.memory_space<vmem>>) offsets(%dma_start3A_34 : memref<16xi32, #tpu.memory_space<vmem>>) semaphore(%arg10 : memref<!tpu.dma_semaphore, #tpu.memory_space<semaphore_mem>>)
    %run_scoped3A_38 = arith.constant 2 : i32
    "tpu.region"() ({
      %run_scoped3A_1027 = tpu.sem_alloc : memref<!tpu.dma_semaphore, #tpu.memory_space<semaphore_mem>>
      %dma_start3A_1028 = arith.constant 128 : i32
      %dma_start3A_1029 = tpu.memref_slice %arg6[%dma_start3A_1028] : memref<256xi32, #tpu.memory_space<vmem>> -> memref<64xi32, #tpu.memory_space<vmem>>
      %dma_start3A_1030 = tpu.memref_slice %arg2[%run_scoped3A_38, %mul3A_2] : memref<4x2048xi32, #tpu.memory_space<hbm>> -> memref<1x64xi32, #tpu.memory_space<hbm>>
      %dma_start3A_1031 = tpu.memref_squeeze %dma_start3A_1030 : memref<1x64xi32, #tpu.memory_space<hbm>> -> memref<64xi32, #tpu.memory_space<hbm>>
      %dma_start3A_1032 = arith.constant 128 : i32
      %dma_start3A_1033 = tpu.memref_slice %arg6[%dma_start3A_1032] : memref<256xi32, #tpu.memory_space<vmem>> -> memref<64xi32, #tpu.memory_space<vmem>>
      %dma_start3A_1034 = tpu.memref_slice %arg2[%run_scoped3A_38, %mul3A_2] : memref<4x2048xi32, #tpu.memory_space<hbm>> -> memref<1x64xi32, #tpu.memory_space<hbm>>
      %dma_start3A_1035 = tpu.memref_squeeze %dma_start3A_1034 : memref<1x64xi32, #tpu.memory_space<hbm>> -> memref<64xi32, #tpu.memory_space<hbm>>
      tpu.enqueue_dma source(%dma_start3A_1035 : memref<64xi32, #tpu.memory_space<hbm>>) target(%dma_start3A_1033 : memref<64xi32, #tpu.memory_space<vmem>>) target_semaphore(%run_scoped3A_1027 : memref<!tpu.dma_semaphore, #tpu.memory_space<semaphore_mem>>)
      %dma_wait3A_1036 = arith.constant 128 : i32
      %dma_wait3A_1037 = tpu.memref_slice %arg6[%dma_wait3A_1036] : memref<256xi32, #tpu.memory_space<vmem>> -> memref<64xi32, #tpu.memory_space<vmem>>
      %dma_wait3A_1038 = tpu.memref_slice %arg2[%run_scoped3A_38, %mul3A_2] : memref<4x2048xi32, #tpu.memory_space<hbm>> -> memref<1x64xi32, #tpu.memory_space<hbm>>
      %dma_wait3A_1039 = tpu.memref_squeeze %dma_wait3A_1038 : memref<1x64xi32, #tpu.memory_space<hbm>> -> memref<64xi32, #tpu.memory_space<hbm>>
      %dma_wait3A_1040 = arith.constant 128 : i32
      %dma_wait3A_1041 = tpu.memref_slice %arg6[%dma_wait3A_1040] : memref<256xi32, #tpu.memory_space<vmem>> -> memref<64xi32, #tpu.memory_space<vmem>>
      %dma_wait3A_1042 = tpu.memref_slice %arg2[%run_scoped3A_38, %mul3A_2] : memref<4x2048xi32, #tpu.memory_space<hbm>> -> memref<1x64xi32, #tpu.memory_space<hbm>>
      %dma_wait3A_1043 = tpu.memref_squeeze %dma_wait3A_1042 : memref<1x64xi32, #tpu.memory_space<hbm>> -> memref<64xi32, #tpu.memory_space<hbm>>
      tpu.wait_dma2 semaphore(%run_scoped3A_1027 : memref<!tpu.dma_semaphore, #tpu.memory_space<semaphore_mem>>) src(%dma_wait3A_1043 : memref<64xi32, #tpu.memory_space<hbm>>) dst(%dma_wait3A_1041 : memref<64xi32, #tpu.memory_space<vmem>>)
      tpu.yield
    }) : () -> ()
    %dma_start3A_39 = arith.constant 2 : i32
    %dma_start3A_40 = arith.constant 0 : i32
    %dma_start3A_41 = arith.constant 0 : i32
    %dma_start3A_42 = tpu.memref_slice %arg8[%dma_start3A_39, %dma_start3A_40, %dma_start3A_41] : memref<5x16x1024xf32, #tpu.memory_space<vmem>> -> memref<1x16x1024xf32, #tpu.memory_space<vmem>>
    %dma_start3A_43 = tpu.memref_squeeze %dma_start3A_42 : memref<1x16x1024xf32, #tpu.memory_space<vmem>> -> memref<16x1024xf32, #tpu.memory_space<vmem>>
    %dma_start3A_44 = arith.constant 128 : i32
    %dma_start3A_45 = tpu.memref_slice %arg6[%dma_start3A_44] : memref<256xi32, #tpu.memory_space<vmem>> -> memref<16xi32, #tpu.memory_space<vmem>>
    %dma_start3A_46 = arith.constant 0 : i32
    %dma_start3A_47 = arith.constant 0 : i32
    %dma_start3A_48 = tpu.memref_slice %arg3[%dma_start3A_46, %dma_start3A_47] : memref<100000x1024xf32, #tpu.memory_space<hbm>> -> memref<100000x1024xf32, #tpu.memory_space<hbm>>
    tpu.enqueue_indirect_dma source(%dma_start3A_48 : memref<100000x1024xf32, #tpu.memory_space<hbm>>) target(%dma_start3A_43 : memref<16x1024xf32, #tpu.memory_space<vmem>>) offsets(%dma_start3A_45 : memref<16xi32, #tpu.memory_space<vmem>>) semaphore(%arg11 : memref<!tpu.dma_semaphore, #tpu.memory_space<semaphore_mem>>)
    %run_scoped3A_49 = arith.constant 3 : i32
    "tpu.region"() ({
      %run_scoped3A_1027 = tpu.sem_alloc : memref<!tpu.dma_semaphore, #tpu.memory_space<semaphore_mem>>
      %dma_start3A_1028 = arith.constant 192 : i32
      %dma_start3A_1029 = tpu.memref_slice %arg6[%dma_start3A_1028] : memref<256xi32, #tpu.memory_space<vmem>> -> memref<64xi32, #tpu.memory_space<vmem>>
      %dma_start3A_1030 = tpu.memref_slice %arg2[%run_scoped3A_49, %mul3A_2] : memref<4x2048xi32, #tpu.memory_space<hbm>> -> memref<1x64xi32, #tpu.memory_space<hbm>>
      %dma_start3A_1031 = tpu.memref_squeeze %dma_start3A_1030 : memref<1x64xi32, #tpu.memory_space<hbm>> -> memref<64xi32, #tpu.memory_space<hbm>>
      %dma_start3A_1032 = arith.constant 192 : i32
      %dma_start3A_1033 = tpu.memref_slice %arg6[%dma_start3A_1032] : memref<256xi32, #tpu.memory_space<vmem>> -> memref<64xi32, #tpu.memory_space<vmem>>
      %dma_start3A_1034 = tpu.memref_slice %arg2[%run_scoped3A_49, %mul3A_2] : memref<4x2048xi32, #tpu.memory_space<hbm>> -> memref<1x64xi32, #tpu.memory_space<hbm>>
      %dma_start3A_1035 = tpu.memref_squeeze %dma_start3A_1034 : memref<1x64xi32, #tpu.memory_space<hbm>> -> memref<64xi32, #tpu.memory_space<hbm>>
      tpu.enqueue_dma source(%dma_start3A_1035 : memref<64xi32, #tpu.memory_space<hbm>>) target(%dma_start3A_1033 : memref<64xi32, #tpu.memory_space<vmem>>) target_semaphore(%run_scoped3A_1027 : memref<!tpu.dma_semaphore, #tpu.memory_space<semaphore_mem>>)
      %dma_wait3A_1036 = arith.constant 192 : i32
      %dma_wait3A_1037 = tpu.memref_slice %arg6[%dma_wait3A_1036] : memref<256xi32, #tpu.memory_space<vmem>> -> memref<64xi32, #tpu.memory_space<vmem>>
      %dma_wait3A_1038 = tpu.memref_slice %arg2[%run_scoped3A_49, %mul3A_2] : memref<4x2048xi32, #tpu.memory_space<hbm>> -> memref<1x64xi32, #tpu.memory_space<hbm>>
      %dma_wait3A_1039 = tpu.memref_squeeze %dma_wait3A_1038 : memref<1x64xi32, #tpu.memory_space<hbm>> -> memref<64xi32, #tpu.memory_space<hbm>>
      %dma_wait3A_1040 = arith.constant 192 : i32
      %dma_wait3A_1041 = tpu.memref_slice %arg6[%dma_wait3A_1040] : memref<256xi32, #tpu.memory_space<vmem>> -> memref<64xi32, #tpu.memory_space<vmem>>
      %dma_wait3A_1042 = tpu.memref_slice %arg2[%run_scoped3A_49, %mul3A_2] : memref<4x2048xi32, #tpu.memory_space<hbm>> -> memref<1x64xi32, #tpu.memory_space<hbm>>
      %dma_wait3A_1043 = tpu.memref_squeeze %dma_wait3A_1042 : memref<1x64xi32, #tpu.memory_space<hbm>> -> memref<64xi32, #tpu.memory_space<hbm>>
      tpu.wait_dma2 semaphore(%run_scoped3A_1027 : memref<!tpu.dma_semaphore, #tpu.memory_space<semaphore_mem>>) src(%dma_wait3A_1043 : memref<64xi32, #tpu.memory_space<hbm>>) dst(%dma_wait3A_1041 : memref<64xi32, #tpu.memory_space<vmem>>)
      tpu.yield
    }) : () -> ()
    %dma_start3A_50 = arith.constant 3 : i32
    %dma_start3A_51 = arith.constant 0 : i32
    %dma_start3A_52 = arith.constant 0 : i32
    %dma_start3A_53 = tpu.memref_slice %arg8[%dma_start3A_50, %dma_start3A_51, %dma_start3A_52] : memref<5x16x1024xf32, #tpu.memory_space<vmem>> -> memref<1x16x1024xf32, #tpu.memory_space<vmem>>
    %dma_start3A_54 = tpu.memref_squeeze %dma_start3A_53 : memref<1x16x1024xf32, #tpu.memory_space<vmem>> -> memref<16x1024xf32, #tpu.memory_space<vmem>>
    %dma_start3A_55 = arith.constant 192 : i32
    %dma_start3A_56 = tpu.memref_slice %arg6[%dma_start3A_55] : memref<256xi32, #tpu.memory_space<vmem>> -> memref<16xi32, #tpu.memory_space<vmem>>
    %dma_start3A_57 = arith.constant 0 : i32
    %dma_start3A_58 = arith.constant 0 : i32
    %dma_start3A_59 = tpu.memref_slice %arg3[%dma_start3A_57, %dma_start3A_58] : memref<100000x1024xf32, #tpu.memory_space<hbm>> -> memref<100000x1024xf32, #tpu.memory_space<hbm>>
    tpu.enqueue_indirect_dma source(%dma_start3A_59 : memref<100000x1024xf32, #tpu.memory_space<hbm>>) target(%dma_start3A_54 : memref<16x1024xf32, #tpu.memory_space<vmem>>) offsets(%dma_start3A_56 : memref<16xi32, #tpu.memory_space<vmem>>) semaphore(%arg12 : memref<!tpu.dma_semaphore, #tpu.memory_space<semaphore_mem>>)
    %dma_start3A_60 = arith.constant 4 : i32
    %dma_start3A_61 = arith.constant 0 : i32
    %dma_start3A_62 = arith.constant 0 : i32
    %dma_start3A_63 = tpu.memref_slice %arg8[%dma_start3A_60, %dma_start3A_61, %dma_start3A_62] : memref<5x16x1024xf32, #tpu.memory_space<vmem>> -> memref<1x16x1024xf32, #tpu.memory_space<vmem>>
    %dma_start3A_64 = tpu.memref_squeeze %dma_start3A_63 : memref<1x16x1024xf32, #tpu.memory_space<vmem>> -> memref<16x1024xf32, #tpu.memory_space<vmem>>
    %dma_start3A_65 = arith.constant 16 : i32
    %dma_start3A_66 = tpu.memref_slice %arg6[%dma_start3A_65] : memref<256xi32, #tpu.memory_space<vmem>> -> memref<16xi32, #tpu.memory_space<vmem>>
    %dma_start3A_67 = arith.constant 0 : i32
    %dma_start3A_68 = arith.constant 0 : i32
    %dma_start3A_69 = tpu.memref_slice %arg3[%dma_start3A_67, %dma_start3A_68] : memref<100000x1024xf32, #tpu.memory_space<hbm>> -> memref<100000x1024xf32, #tpu.memory_space<hbm>>
    tpu.enqueue_indirect_dma source(%dma_start3A_69 : memref<100000x1024xf32, #tpu.memory_space<hbm>>) target(%dma_start3A_64 : memref<16x1024xf32, #tpu.memory_space<vmem>>) offsets(%dma_start3A_66 : memref<16xi32, #tpu.memory_space<vmem>>) semaphore(%arg13 : memref<!tpu.dma_semaphore, #tpu.memory_space<semaphore_mem>>)
    %add3A_70 = arith.constant 16 : i32
    %add3A_71 = arith.addi %mul3A_2, %add3A_70 : i32
    %dma_start3A_72 = arith.constant 1 : i32
    %dma_start3A_73 = arith.constant 0 : i32
    %dma_start3A_74 = arith.constant 0 : i32
    %dma_start3A_75 = tpu.memref_slice %arg7[%dma_start3A_72, %dma_start3A_73, %dma_start3A_74] : memref<2x16x1024xf32, #tpu.memory_space<vmem>> -> memref<1x16x1024xf32, #tpu.memory_space<vmem>>
    %dma_start3A_76 = tpu.memref_squeeze %dma_start3A_75 : memref<1x16x1024xf32, #tpu.memory_space<vmem>> -> memref<16x1024xf32, #tpu.memory_space<vmem>>
    %dma_start3A_77 = arith.constant 0 : i32
    %dma_start3A_78 = tpu.memref_slice %arg4[%add3A_71, %dma_start3A_77] : memref<2048x1024xf32, #tpu.memory_space<hbm>> -> memref<16x1024xf32, #tpu.memory_space<hbm>>
    %dma_start3A_79 = arith.constant 0 : i32
    %dma_start3A_80 = arith.constant 0 : i32
    %dma_start3A_81 = tpu.memref_slice %arg7[%dma_start3A_72, %dma_start3A_79, %dma_start3A_80] : memref<2x16x1024xf32, #tpu.memory_space<vmem>> -> memref<1x16x1024xf32, #tpu.memory_space<vmem>>
    %dma_start3A_82 = tpu.memref_squeeze %dma_start3A_81 : memref<1x16x1024xf32, #tpu.memory_space<vmem>> -> memref<16x1024xf32, #tpu.memory_space<vmem>>
    %dma_start3A_83 = arith.constant 0 : i32
    %dma_start3A_84 = tpu.memref_slice %arg4[%add3A_71, %dma_start3A_83] : memref<2048x1024xf32, #tpu.memory_space<hbm>> -> memref<16x1024xf32, #tpu.memory_space<hbm>>
    tpu.enqueue_dma source(%dma_start3A_84 : memref<16x1024xf32, #tpu.memory_space<hbm>>) target(%dma_start3A_82 : memref<16x1024xf32, #tpu.memory_space<vmem>>) target_semaphore(%arg20 : memref<!tpu.dma_semaphore, #tpu.memory_space<semaphore_mem>>)
    %dma_wait3A = arith.constant 0 : i32
    %dma_wait3A_85 = arith.constant 0 : i32
    %dma_wait3A_86 = arith.constant 0 : i32
    %dma_wait3A_87 = tpu.memref_slice %arg7[%dma_wait3A, %dma_wait3A_85, %dma_wait3A_86] : memref<2x16x1024xf32, #tpu.memory_space<vmem>> -> memref<1x16x1024xf32, #tpu.memory_space<vmem>>
    %dma_wait3A_88 = tpu.memref_squeeze %dma_wait3A_87 : memref<1x16x1024xf32, #tpu.memory_space<vmem>> -> memref<16x1024xf32, #tpu.memory_space<vmem>>
    %dma_wait3A_89 = arith.constant 0 : i32
    %dma_wait3A_90 = tpu.memref_slice %arg4[%add3A_4, %dma_wait3A_89] : memref<2048x1024xf32, #tpu.memory_space<hbm>> -> memref<16x1024xf32, #tpu.memory_space<hbm>>
    %dma_wait3A_91 = arith.constant 0 : i32
    %dma_wait3A_92 = arith.constant 0 : i32
    %dma_wait3A_93 = tpu.memref_slice %arg7[%dma_wait3A, %dma_wait3A_91, %dma_wait3A_92] : memref<2x16x1024xf32, #tpu.memory_space<vmem>> -> memref<1x16x1024xf32, #tpu.memory_space<vmem>>
    %dma_wait3A_94 = tpu.memref_squeeze %dma_wait3A_93 : memref<1x16x1024xf32, #tpu.memory_space<vmem>> -> memref<16x1024xf32, #tpu.memory_space<vmem>>
    %dma_wait3A_95 = arith.constant 0 : i32
    %dma_wait3A_96 = tpu.memref_slice %arg4[%add3A_4, %dma_wait3A_95] : memref<2048x1024xf32, #tpu.memory_space<hbm>> -> memref<16x1024xf32, #tpu.memory_space<hbm>>
    tpu.wait_dma2 semaphore(%arg19 : memref<!tpu.dma_semaphore, #tpu.memory_space<semaphore_mem>>) src(%dma_wait3A_96 : memref<16x1024xf32, #tpu.memory_space<hbm>>) dst(%dma_wait3A_94 : memref<16x1024xf32, #tpu.memory_space<vmem>>)
    %dma_wait3A_97 = arith.constant 0 : i32
    %dma_wait3A_98 = arith.constant 0 : i32
    %dma_wait3A_99 = arith.constant 0 : i32
    %dma_wait3A_100 = tpu.memref_slice %arg8[%dma_wait3A_97, %dma_wait3A_98, %dma_wait3A_99] : memref<5x16x1024xf32, #tpu.memory_space<vmem>> -> memref<1x16x1024xf32, #tpu.memory_space<vmem>>
    %dma_wait3A_101 = tpu.memref_squeeze %dma_wait3A_100 : memref<1x16x1024xf32, #tpu.memory_space<vmem>> -> memref<16x1024xf32, #tpu.memory_space<vmem>>
    %dma_wait3A_102 = arith.constant 0 : i32
    %dma_wait3A_103 = tpu.memref_slice %arg6[%dma_wait3A_102] : memref<256xi32, #tpu.memory_space<vmem>> -> memref<16xi32, #tpu.memory_space<vmem>>
    %dma_wait3A_104 = arith.constant 0 : i32
    %dma_wait3A_105 = arith.constant 0 : i32
    %dma_wait3A_106 = tpu.memref_slice %arg3[%dma_wait3A_104, %dma_wait3A_105] : memref<100000x1024xf32, #tpu.memory_space<hbm>> -> memref<100000x1024xf32, #tpu.memory_space<hbm>>
    tpu.wait_indirect_dma semaphore(%arg9 : memref<!tpu.dma_semaphore, #tpu.memory_space<semaphore_mem>>) src(%dma_wait3A_106 : memref<100000x1024xf32, #tpu.memory_space<hbm>>) dst(%dma_wait3A_101 : memref<16x1024xf32, #tpu.memory_space<vmem>>)
    %parallel_loop3A = arith.constant 0 : i32
    %parallel_loop3A_107 = arith.constant 1024 : i32
    %parallel_loop3A_108 = arith.constant 1 : i32
    scf.for %parallel_loop3A_1027 = %parallel_loop3A to %parallel_loop3A_107 step %parallel_loop3A_108  : i32 {
      %parallel_loop3A_1028 = arith.constant 6 : i32
      %parallel_loop3A_1029 = arith.shrsi %parallel_loop3A_1027, %parallel_loop3A_1028 : i32
      %parallel_loop3A_1030 = arith.constant 63 : i32
      %parallel_loop3A_1031 = arith.andi %parallel_loop3A_1027, %parallel_loop3A_1030 : i32
      %parallel_loop3A_1032 = arith.constant 16 : i32
      %parallel_loop3A_1033 = arith.muli %parallel_loop3A_1031, %parallel_loop3A_1032 : i32
      %parallel_loop3A_1034 = arith.constant 0 : i32
      %parallel_loop3A_1035 = arith.index_cast %parallel_loop3A_1034 : i32 to index
      %parallel_loop3A_1036 = arith.index_cast %parallel_loop3A_1029 : i32 to index
      %parallel_loop3A_1037 = arith.index_cast %parallel_loop3A_1033 : i32 to index
      %parallel_loop3A_1038 = tpu.vector_load %arg7[%parallel_loop3A_1035, %parallel_loop3A_1036, %parallel_loop3A_1037] {strides = array<i32>} : memref<2x16x1024xf32, #tpu.memory_space<vmem>>, vector<1x1x16xf32>,
      %parallel_loop3A_1039 = vector.shape_cast %parallel_loop3A_1038 : vector<1x1x16xf32> to vector<16xf32>
      %parallel_loop3A_1040 = arith.constant 0 : i32
      %parallel_loop3A_1041 = arith.index_cast %parallel_loop3A_1040 : i32 to index
      %parallel_loop3A_1042 = arith.index_cast %parallel_loop3A_1029 : i32 to index
      %parallel_loop3A_1043 = arith.index_cast %parallel_loop3A_1033 : i32 to index
      %parallel_loop3A_1044 = tpu.vector_load %arg8[%parallel_loop3A_1041, %parallel_loop3A_1042, %parallel_loop3A_1043] {strides = array<i32>} : memref<5x16x1024xf32, #tpu.memory_space<vmem>>, vector<1x1x16xf32>,
      %parallel_loop3A_1045 = vector.shape_cast %parallel_loop3A_1044 : vector<1x1x16xf32> to vector<16xf32>
      %parallel_loop3A_1046 = vector.shape_cast %parallel_loop3A_1039 : vector<16xf32> to vector<1x1x16xf32>
      tpu.vector_store %arg8[%parallel_loop3A_1041, %parallel_loop3A_1042, %parallel_loop3A_1043], %parallel_loop3A_1046 {add = true, strides = array<i32>} : memref<5x16x1024xf32, #tpu.memory_space<vmem>>, vector<1x1x16xf32>,
    } {sc.loop_unroll_factor = 8 : i64, sc.parallel_access}
    %add3A_109 = arith.constant 0 : i32
    %add3A_110 = arith.addi %mul3A_2, %add3A_109 : i32
    %dma_start3A_111 = arith.constant 0 : i32
    %dma_start3A_112 = arith.constant 0 : i32
    %dma_start3A_113 = arith.constant 0 : i32
    %dma_start3A_114 = arith.constant 0 : i32
    %dma_start3A_115 = tpu.memref_slice %arg8[%dma_start3A_111, %dma_start3A_113, %dma_start3A_114] : memref<5x16x1024xf32, #tpu.memory_space<vmem>> -> memref<1x16x1024xf32, #tpu.memory_space<vmem>>
    %dma_start3A_116 = tpu.memref_squeeze %dma_start3A_115 : memref<1x16x1024xf32, #tpu.memory_space<vmem>> -> memref<16x1024xf32, #tpu.memory_space<vmem>>
    %dma_start3A_117 = arith.constant 0 : i32
    %dma_start3A_118 = tpu.memref_slice %arg5[%dma_start3A_112, %add3A_110, %dma_start3A_117] : memref<4x2048x1024xf32, #tpu.memory_space<hbm>> -> memref<1x16x1024xf32, #tpu.memory_space<hbm>>
    %dma_start3A_119 = tpu.memref_squeeze %dma_start3A_118 : memref<1x16x1024xf32, #tpu.memory_space<hbm>> -> memref<16x1024xf32, #tpu.memory_space<hbm>>
    %dma_start3A_120 = arith.constant 0 : i32
    %dma_start3A_121 = tpu.memref_slice %arg5[%dma_start3A_112, %add3A_110, %dma_start3A_120] : memref<4x2048x1024xf32, #tpu.memory_space<hbm>> -> memref<1x16x1024xf32, #tpu.memory_space<hbm>>
    %dma_start3A_122 = tpu.memref_squeeze %dma_start3A_121 : memref<1x16x1024xf32, #tpu.memory_space<hbm>> -> memref<16x1024xf32, #tpu.memory_space<hbm>>
    %dma_start3A_123 = arith.constant 0 : i32
    %dma_start3A_124 = arith.constant 0 : i32
    %dma_start3A_125 = tpu.memref_slice %arg8[%dma_start3A_111, %dma_start3A_123, %dma_start3A_124] : memref<5x16x1024xf32, #tpu.memory_space<vmem>> -> memref<1x16x1024xf32, #tpu.memory_space<vmem>>
    %dma_start3A_126 = tpu.memref_squeeze %dma_start3A_125 : memref<1x16x1024xf32, #tpu.memory_space<vmem>> -> memref<16x1024xf32, #tpu.memory_space<vmem>>
    tpu.enqueue_dma source(%dma_start3A_126 : memref<16x1024xf32, #tpu.memory_space<vmem>>) target(%dma_start3A_122 : memref<16x1024xf32, #tpu.memory_space<hbm>>) target_semaphore(%arg14 : memref<!tpu.dma_semaphore, #tpu.memory_space<semaphore_mem>>)
    %dma_wait3A_127 = arith.constant 0 : i32
    %dma_wait3A_128 = arith.constant 0 : i32
    %dma_wait3A_129 = arith.constant 0 : i32
    %dma_wait3A_130 = arith.constant 0 : i32
    %dma_wait3A_131 = tpu.memref_slice %arg8[%dma_wait3A_127, %dma_wait3A_129, %dma_wait3A_130] : memref<5x16x1024xf32, #tpu.memory_space<vmem>> -> memref<1x16x1024xf32, #tpu.memory_space<vmem>>
    %dma_wait3A_132 = tpu.memref_squeeze %dma_wait3A_131 : memref<1x16x1024xf32, #tpu.memory_space<vmem>> -> memref<16x1024xf32, #tpu.memory_space<vmem>>
    %dma_wait3A_133 = arith.constant 0 : i32
    %dma_wait3A_134 = tpu.memref_slice %arg5[%dma_wait3A_128, %add3A_110, %dma_wait3A_133] : memref<4x2048x1024xf32, #tpu.memory_space<hbm>> -> memref<1x16x1024xf32, #tpu.memory_space<hbm>>
    %dma_wait3A_135 = tpu.memref_squeeze %dma_wait3A_134 : memref<1x16x1024xf32, #tpu.memory_space<hbm>> -> memref<16x1024xf32, #tpu.memory_space<hbm>>
    %dma_wait3A_136 = arith.constant 0 : i32
    %dma_wait3A_137 = tpu.memref_slice %arg5[%dma_wait3A_128, %add3A_110, %dma_wait3A_136] : memref<4x2048x1024xf32, #tpu.memory_space<hbm>> -> memref<1x16x1024xf32, #tpu.memory_space<hbm>>
    %dma_wait3A_138 = tpu.memref_squeeze %dma_wait3A_137 : memref<1x16x1024xf32, #tpu.memory_space<hbm>> -> memref<16x1024xf32, #tpu.memory_space<hbm>>
    %dma_wait3A_139 = arith.constant 0 : i32
    %dma_wait3A_140 = arith.constant 0 : i32
    %dma_wait3A_141 = tpu.memref_slice %arg8[%dma_wait3A_127, %dma_wait3A_139, %dma_wait3A_140] : memref<5x16x1024xf32, #tpu.memory_space<vmem>> -> memref<1x16x1024xf32, #tpu.memory_space<vmem>>
    %dma_wait3A_142 = tpu.memref_squeeze %dma_wait3A_141 : memref<1x16x1024xf32, #tpu.memory_space<vmem>> -> memref<16x1024xf32, #tpu.memory_space<vmem>>
    tpu.wait_dma2 semaphore(%arg14 : memref<!tpu.dma_semaphore, #tpu.memory_space<semaphore_mem>>) src(%dma_wait3A_142 : memref<16x1024xf32, #tpu.memory_space<vmem>>) dst(%dma_wait3A_138 : memref<16x1024xf32, #tpu.memory_space<hbm>>)
    %dma_start3A_143 = arith.constant 0 : i32
    %dma_start3A_144 = arith.constant 0 : i32
    %dma_start3A_145 = arith.constant 0 : i32
    %dma_start3A_146 = tpu.memref_slice %arg8[%dma_start3A_143, %dma_start3A_144, %dma_start3A_145] : memref<5x16x1024xf32, #tpu.memory_space<vmem>> -> memref<1x16x1024xf32, #tpu.memory_space<vmem>>
    %dma_start3A_147 = tpu.memref_squeeze %dma_start3A_146 : memref<1x16x1024xf32, #tpu.memory_space<vmem>> -> memref<16x1024xf32, #tpu.memory_space<vmem>>
    %dma_start3A_148 = arith.constant 80 : i32
    %dma_start3A_149 = tpu.memref_slice %arg6[%dma_start3A_148] : memref<256xi32, #tpu.memory_space<vmem>> -> memref<16xi32, #tpu.memory_space<vmem>>
    %dma_start3A_150 = arith.constant 0 : i32
    %dma_start3A_151 = arith.constant 0 : i32
    %dma_start3A_152 = tpu.memref_slice %arg3[%dma_start3A_150, %dma_start3A_151] : memref<100000x1024xf32, #tpu.memory_space<hbm>> -> memref<100000x1024xf32, #tpu.memory_space<hbm>>
    tpu.enqueue_indirect_dma source(%dma_start3A_152 : memref<100000x1024xf32, #tpu.memory_space<hbm>>) target(%dma_start3A_147 : memref<16x1024xf32, #tpu.memory_space<vmem>>) offsets(%dma_start3A_149 : memref<16xi32, #tpu.memory_space<vmem>>) semaphore(%arg9 : memref<!tpu.dma_semaphore, #tpu.memory_space<semaphore_mem>>)
    %dma_wait3A_153 = arith.constant 1 : i32
    %dma_wait3A_154 = arith.constant 0 : i32
    %dma_wait3A_155 = arith.constant 0 : i32
    %dma_wait3A_156 = tpu.memref_slice %arg8[%dma_wait3A_153, %dma_wait3A_154, %dma_wait3A_155] : memref<5x16x1024xf32, #tpu.memory_space<vmem>> -> memref<1x16x1024xf32, #tpu.memory_space<vmem>>
    %dma_wait3A_157 = tpu.memref_squeeze %dma_wait3A_156 : memref<1x16x1024xf32, #tpu.memory_space<vmem>> -> memref<16x1024xf32, #tpu.memory_space<vmem>>
    %dma_wait3A_158 = arith.constant 64 : i32
    %dma_wait3A_159 = tpu.memref_slice %arg6[%dma_wait3A_158] : memref<256xi32, #tpu.memory_space<vmem>> -> memref<16xi32, #tpu.memory_space<vmem>>
    %dma_wait3A_160 = arith.constant 0 : i32
    %dma_wait3A_161 = arith.constant 0 : i32
    %dma_wait3A_162 = tpu.memref_slice %arg3[%dma_wait3A_160, %dma_wait3A_161] : memref<100000x1024xf32, #tpu.memory_space<hbm>> -> memref<100000x1024xf32, #tpu.memory_space<hbm>>
    tpu.wait_indirect_dma semaphore(%arg10 : memref<!tpu.dma_semaphore, #tpu.memory_space<semaphore_mem>>) src(%dma_wait3A_162 : memref<100000x1024xf32, #tpu.memory_space<hbm>>) dst(%dma_wait3A_157 : memref<16x1024xf32, #tpu.memory_space<vmem>>)
    %parallel_loop3A_163 = arith.constant 0 : i32
    %parallel_loop3A_164 = arith.constant 1024 : i32
    %parallel_loop3A_165 = arith.constant 1 : i32
    scf.for %parallel_loop3A_1027 = %parallel_loop3A_163 to %parallel_loop3A_164 step %parallel_loop3A_165  : i32 {
      %parallel_loop3A_1028 = arith.constant 6 : i32
      %parallel_loop3A_1029 = arith.shrsi %parallel_loop3A_1027, %parallel_loop3A_1028 : i32
      %parallel_loop3A_1030 = arith.constant 63 : i32
      %parallel_loop3A_1031 = arith.andi %parallel_loop3A_1027, %parallel_loop3A_1030 : i32
      %parallel_loop3A_1032 = arith.constant 16 : i32
      %parallel_loop3A_1033 = arith.muli %parallel_loop3A_1031, %parallel_loop3A_1032 : i32
      %parallel_loop3A_1034 = arith.constant 0 : i32
      %parallel_loop3A_1035 = arith.index_cast %parallel_loop3A_1034 : i32 to index
      %parallel_loop3A_1036 = arith.index_cast %parallel_loop3A_1029 : i32 to index
      %parallel_loop3A_1037 = arith.index_cast %parallel_loop3A_1033 : i32 to index
      %parallel_loop3A_1038 = tpu.vector_load %arg7[%parallel_loop3A_1035, %parallel_loop3A_1036, %parallel_loop3A_1037] {strides = array<i32>} : memref<2x16x1024xf32, #tpu.memory_space<vmem>>, vector<1x1x16xf32>,
      %parallel_loop3A_1039 = vector.shape_cast %parallel_loop3A_1038 : vector<1x1x16xf32> to vector<16xf32>
      %parallel_loop3A_1040 = arith.constant 1 : i32
      %parallel_loop3A_1041 = arith.index_cast %parallel_loop3A_1040 : i32 to index
      %parallel_loop3A_1042 = arith.index_cast %parallel_loop3A_1029 : i32 to index
      %parallel_loop3A_1043 = arith.index_cast %parallel_loop3A_1033 : i32 to index
      %parallel_loop3A_1044 = tpu.vector_load %arg8[%parallel_loop3A_1041, %parallel_loop3A_1042, %parallel_loop3A_1043] {strides = array<i32>} : memref<5x16x1024xf32, #tpu.memory_space<vmem>>, vector<1x1x16xf32>,
      %parallel_loop3A_1045 = vector.shape_cast %parallel_loop3A_1044 : vector<1x1x16xf32> to vector<16xf32>
      %parallel_loop3A_1046 = vector.shape_cast %parallel_loop3A_1039 : vector<16xf32> to vector<1x1x16xf32>
      tpu.vector_store %arg8[%parallel_loop3A_1041, %parallel_loop3A_1042, %parallel_loop3A_1043], %parallel_loop3A_1046 {add = true, strides = array<i32>} : memref<5x16x1024xf32, #tpu.memory_space<vmem>>, vector<1x1x16xf32>,
    } {sc.loop_unroll_factor = 8 : i64, sc.parallel_access}
    %add3A_166 = arith.constant 0 : i32
    %add3A_167 = arith.addi %mul3A_2, %add3A_166 : i32
    %dma_start3A_168 = arith.constant 1 : i32
    %dma_start3A_169 = arith.constant 1 : i32
    %dma_start3A_170 = arith.constant 0 : i32
    %dma_start3A_171 = arith.constant 0 : i32
    %dma_start3A_172 = tpu.memref_slice %arg8[%dma_start3A_168, %dma_start3A_170, %dma_start3A_171] : memref<5x16x1024xf32, #tpu.memory_space<vmem>> -> memref<1x16x1024xf32, #tpu.memory_space<vmem>>
    %dma_start3A_173 = tpu.memref_squeeze %dma_start3A_172 : memref<1x16x1024xf32, #tpu.memory_space<vmem>> -> memref<16x1024xf32, #tpu.memory_space<vmem>>
    %dma_start3A_174 = arith.constant 0 : i32
    %dma_start3A_175 = tpu.memref_slice %arg5[%dma_start3A_169, %add3A_167, %dma_start3A_174] : memref<4x2048x1024xf32, #tpu.memory_space<hbm>> -> memref<1x16x1024xf32, #tpu.memory_space<hbm>>
    %dma_start3A_176 = tpu.memref_squeeze %dma_start3A_175 : memref<1x16x1024xf32, #tpu.memory_space<hbm>> -> memref<16x1024xf32, #tpu.memory_space<hbm>>
    %dma_start3A_177 = arith.constant 0 : i32
    %dma_start3A_178 = tpu.memref_slice %arg5[%dma_start3A_169, %add3A_167, %dma_start3A_177] : memref<4x2048x1024xf32, #tpu.memory_space<hbm>> -> memref<1x16x1024xf32, #tpu.memory_space<hbm>>
    %dma_start3A_179 = tpu.memref_squeeze %dma_start3A_178 : memref<1x16x1024xf32, #tpu.memory_space<hbm>> -> memref<16x1024xf32, #tpu.memory_space<hbm>>
    %dma_start3A_180 = arith.constant 0 : i32
    %dma_start3A_181 = arith.constant 0 : i32
    %dma_start3A_182 = tpu.memref_slice %arg8[%dma_start3A_168, %dma_start3A_180, %dma_start3A_181] : memref<5x16x1024xf32, #tpu.memory_space<vmem>> -> memref<1x16x1024xf32, #tpu.memory_space<vmem>>
    %dma_start3A_183 = tpu.memref_squeeze %dma_start3A_182 : memref<1x16x1024xf32, #tpu.memory_space<vmem>> -> memref<16x1024xf32, #tpu.memory_space<vmem>>
    tpu.enqueue_dma source(%dma_start3A_183 : memref<16x1024xf32, #tpu.memory_space<vmem>>) target(%dma_start3A_179 : memref<16x1024xf32, #tpu.memory_space<hbm>>) target_semaphore(%arg15 : memref<!tpu.dma_semaphore, #tpu.memory_space<semaphore_mem>>)
    %dma_wait3A_184 = arith.constant 1 : i32
    %dma_wait3A_185 = arith.constant 1 : i32
    %dma_wait3A_186 = arith.constant 0 : i32
    %dma_wait3A_187 = arith.constant 0 : i32
    %dma_wait3A_188 = tpu.memref_slice %arg8[%dma_wait3A_184, %dma_wait3A_186, %dma_wait3A_187] : memref<5x16x1024xf32, #tpu.memory_space<vmem>> -> memref<1x16x1024xf32, #tpu.memory_space<vmem>>
    %dma_wait3A_189 = tpu.memref_squeeze %dma_wait3A_188 : memref<1x16x1024xf32, #tpu.memory_space<vmem>> -> memref<16x1024xf32, #tpu.memory_space<vmem>>
    %dma_wait3A_190 = arith.constant 0 : i32
    %dma_wait3A_191 = tpu.memref_slice %arg5[%dma_wait3A_185, %add3A_167, %dma_wait3A_190] : memref<4x2048x1024xf32, #tpu.memory_space<hbm>> -> memref<1x16x1024xf32, #tpu.memory_space<hbm>>
    %dma_wait3A_192 = tpu.memref_squeeze %dma_wait3A_191 : memref<1x16x1024xf32, #tpu.memory_space<hbm>> -> memref<16x1024xf32, #tpu.memory_space<hbm>>
    %dma_wait3A_193 = arith.constant 0 : i32
    %dma_wait3A_194 = tpu.memref_slice %arg5[%dma_wait3A_185, %add3A_167, %dma_wait3A_193] : memref<4x2048x1024xf32, #tpu.memory_space<hbm>> -> memref<1x16x1024xf32, #tpu.memory_space<hbm>>
    %dma_wait3A_195 = tpu.memref_squeeze %dma_wait3A_194 : memref<1x16x1024xf32, #tpu.memory_space<hbm>> -> memref<16x1024xf32, #tpu.memory_space<hbm>>
    %dma_wait3A_196 = arith.constant 0 : i32
    %dma_wait3A_197 = arith.constant 0 : i32
    %dma_wait3A_198 = tpu.memref_slice %arg8[%dma_wait3A_184, %dma_wait3A_196, %dma_wait3A_197] : memref<5x16x1024xf32, #tpu.memory_space<vmem>> -> memref<1x16x1024xf32, #tpu.memory_space<vmem>>
    %dma_wait3A_199 = tpu.memref_squeeze %dma_wait3A_198 : memref<1x16x1024xf32, #tpu.memory_space<vmem>> -> memref<16x1024xf32, #tpu.memory_space<vmem>>
    tpu.wait_dma2 semaphore(%arg15 : memref<!tpu.dma_semaphore, #tpu.memory_space<semaphore_mem>>) src(%dma_wait3A_199 : memref<16x1024xf32, #tpu.memory_space<vmem>>) dst(%dma_wait3A_195 : memref<16x1024xf32, #tpu.memory_space<hbm>>)
    %dma_start3A_200 = arith.constant 1 : i32
    %dma_start3A_201 = arith.constant 0 : i32
    %dma_start3A_202 = arith.constant 0 : i32
    %dma_start3A_203 = tpu.memref_slice %arg8[%dma_start3A_200, %dma_start3A_201, %dma_start3A_202] : memref<5x16x1024xf32, #tpu.memory_space<vmem>> -> memref<1x16x1024xf32, #tpu.memory_space<vmem>>
    %dma_start3A_204 = tpu.memref_squeeze %dma_start3A_203 : memref<1x16x1024xf32, #tpu.memory_space<vmem>> -> memref<16x1024xf32, #tpu.memory_space<vmem>>
    %dma_start3A_205 = arith.constant 144 : i32
    %dma_start3A_206 = tpu.memref_slice %arg6[%dma_start3A_205] : memref<256xi32, #tpu.memory_space<vmem>> -> memref<16xi32, #tpu.memory_space<vmem>>
    %dma_start3A_207 = arith.constant 0 : i32
    %dma_start3A_208 = arith.constant 0 : i32
    %dma_start3A_209 = tpu.memref_slice %arg3[%dma_start3A_207, %dma_start3A_208] : memref<100000x1024xf32, #tpu.memory_space<hbm>> -> memref<100000x1024xf32, #tpu.memory_space<hbm>>
    tpu.enqueue_indirect_dma source(%dma_start3A_209 : memref<100000x1024xf32, #tpu.memory_space<hbm>>) target(%dma_start3A_204 : memref<16x1024xf32, #tpu.memory_space<vmem>>) offsets(%dma_start3A_206 : memref<16xi32, #tpu.memory_space<vmem>>) semaphore(%arg10 : memref<!tpu.dma_semaphore, #tpu.memory_space<semaphore_mem>>)
    %dma_wait3A_210 = arith.constant 2 : i32
    %dma_wait3A_211 = arith.constant 0 : i32
    %dma_wait3A_212 = arith.constant 0 : i32
    %dma_wait3A_213 = tpu.memref_slice %arg8[%dma_wait3A_210, %dma_wait3A_211, %dma_wait3A_212] : memref<5x16x1024xf32, #tpu.memory_space<vmem>> -> memref<1x16x1024xf32, #tpu.memory_space<vmem>>
    %dma_wait3A_214 = tpu.memref_squeeze %dma_wait3A_213 : memref<1x16x1024xf32, #tpu.memory_space<vmem>> -> memref<16x1024xf32, #tpu.memory_space<vmem>>
    %dma_wait3A_215 = arith.constant 128 : i32
    %dma_wait3A_216 = tpu.memref_slice %arg6[%dma_wait3A_215] : memref<256xi32, #tpu.memory_space<vmem>> -> memref<16xi32, #tpu.memory_space<vmem>>
    %dma_wait3A_217 = arith.constant 0 : i32
    %dma_wait3A_218 = arith.constant 0 : i32
    %dma_wait3A_219 = tpu.memref_slice %arg3[%dma_wait3A_217, %dma_wait3A_218] : memref<100000x1024xf32, #tpu.memory_space<hbm>> -> memref<100000x1024xf32, #tpu.memory_space<hbm>>
    tpu.wait_indirect_dma semaphore(%arg11 : memref<!tpu.dma_semaphore, #tpu.memory_space<semaphore_mem>>) src(%dma_wait3A_219 : memref<100000x1024xf32, #tpu.memory_space<hbm>>) dst(%dma_wait3A_214 : memref<16x1024xf32, #tpu.memory_space<vmem>>)
    %parallel_loop3A_220 = arith.constant 0 : i32
    %parallel_loop3A_221 = arith.constant 1024 : i32
    %parallel_loop3A_222 = arith.constant 1 : i32
    scf.for %parallel_loop3A_1027 = %parallel_loop3A_220 to %parallel_loop3A_221 step %parallel_loop3A_222  : i32 {
      %parallel_loop3A_1028 = arith.constant 6 : i32
      %parallel_loop3A_1029 = arith.shrsi %parallel_loop3A_1027, %parallel_loop3A_1028 : i32
      %parallel_loop3A_1030 = arith.constant 63 : i32
      %parallel_loop3A_1031 = arith.andi %parallel_loop3A_1027, %parallel_loop3A_1030 : i32
      %parallel_loop3A_1032 = arith.constant 16 : i32
      %parallel_loop3A_1033 = arith.muli %parallel_loop3A_1031, %parallel_loop3A_1032 : i32
      %parallel_loop3A_1034 = arith.constant 0 : i32
      %parallel_loop3A_1035 = arith.index_cast %parallel_loop3A_1034 : i32 to index
      %parallel_loop3A_1036 = arith.index_cast %parallel_loop3A_1029 : i32 to index
      %parallel_loop3A_1037 = arith.index_cast %parallel_loop3A_1033 : i32 to index
      %parallel_loop3A_1038 = tpu.vector_load %arg7[%parallel_loop3A_1035, %parallel_loop3A_1036, %parallel_loop3A_1037] {strides = array<i32>} : memref<2x16x1024xf32, #tpu.memory_space<vmem>>, vector<1x1x16xf32>,
      %parallel_loop3A_1039 = vector.shape_cast %parallel_loop3A_1038 : vector<1x1x16xf32> to vector<16xf32>
      %parallel_loop3A_1040 = arith.constant 2 : i32
      %parallel_loop3A_1041 = arith.index_cast %parallel_loop3A_1040 : i32 to index
      %parallel_loop3A_1042 = arith.index_cast %parallel_loop3A_1029 : i32 to index
      %parallel_loop3A_1043 = arith.index_cast %parallel_loop3A_1033 : i32 to index
      %parallel_loop3A_1044 = tpu.vector_load %arg8[%parallel_loop3A_1041, %parallel_loop3A_1042, %parallel_loop3A_1043] {strides = array<i32>} : memref<5x16x1024xf32, #tpu.memory_space<vmem>>, vector<1x1x16xf32>,
      %parallel_loop3A_1045 = vector.shape_cast %parallel_loop3A_1044 : vector<1x1x16xf32> to vector<16xf32>
      %parallel_loop3A_1046 = vector.shape_cast %parallel_loop3A_1039 : vector<16xf32> to vector<1x1x16xf32>
      tpu.vector_store %arg8[%parallel_loop3A_1041, %parallel_loop3A_1042, %parallel_loop3A_1043], %parallel_loop3A_1046 {add = true, strides = array<i32>} : memref<5x16x1024xf32, #tpu.memory_space<vmem>>, vector<1x1x16xf32>,
    } {sc.loop_unroll_factor = 8 : i64, sc.parallel_access}
    %add3A_223 = arith.constant 0 : i32
    %add3A_224 = arith.addi %mul3A_2, %add3A_223 : i32
    %dma_start3A_225 = arith.constant 2 : i32
    %dma_start3A_226 = arith.constant 2 : i32
    %dma_start3A_227 = arith.constant 0 : i32
    %dma_start3A_228 = arith.constant 0 : i32
    %dma_start3A_229 = tpu.memref_slice %arg8[%dma_start3A_225, %dma_start3A_227, %dma_start3A_228] : memref<5x16x1024xf32, #tpu.memory_space<vmem>> -> memref<1x16x1024xf32, #tpu.memory_space<vmem>>
    %dma_start3A_230 = tpu.memref_squeeze %dma_start3A_229 : memref<1x16x1024xf32, #tpu.memory_space<vmem>> -> memref<16x1024xf32, #tpu.memory_space<vmem>>
    %dma_start3A_231 = arith.constant 0 : i32
    %dma_start3A_232 = tpu.memref_slice %arg5[%dma_start3A_226, %add3A_224, %dma_start3A_231] : memref<4x2048x1024xf32, #tpu.memory_space<hbm>> -> memref<1x16x1024xf32, #tpu.memory_space<hbm>>
    %dma_start3A_233 = tpu.memref_squeeze %dma_start3A_232 : memref<1x16x1024xf32, #tpu.memory_space<hbm>> -> memref<16x1024xf32, #tpu.memory_space<hbm>>
    %dma_start3A_234 = arith.constant 0 : i32
    %dma_start3A_235 = tpu.memref_slice %arg5[%dma_start3A_226, %add3A_224, %dma_start3A_234] : memref<4x2048x1024xf32, #tpu.memory_space<hbm>> -> memref<1x16x1024xf32, #tpu.memory_space<hbm>>
    %dma_start3A_236 = tpu.memref_squeeze %dma_start3A_235 : memref<1x16x1024xf32, #tpu.memory_space<hbm>> -> memref<16x1024xf32, #tpu.memory_space<hbm>>
    %dma_start3A_237 = arith.constant 0 : i32
    %dma_start3A_238 = arith.constant 0 : i32
    %dma_start3A_239 = tpu.memref_slice %arg8[%dma_start3A_225, %dma_start3A_237, %dma_start3A_238] : memref<5x16x1024xf32, #tpu.memory_space<vmem>> -> memref<1x16x1024xf32, #tpu.memory_space<vmem>>
    %dma_start3A_240 = tpu.memref_squeeze %dma_start3A_239 : memref<1x16x1024xf32, #tpu.memory_space<vmem>> -> memref<16x1024xf32, #tpu.memory_space<vmem>>
    tpu.enqueue_dma source(%dma_start3A_240 : memref<16x1024xf32, #tpu.memory_space<vmem>>) target(%dma_start3A_236 : memref<16x1024xf32, #tpu.memory_space<hbm>>) target_semaphore(%arg16 : memref<!tpu.dma_semaphore, #tpu.memory_space<semaphore_mem>>)
    %dma_wait3A_241 = arith.constant 2 : i32
    %dma_wait3A_242 = arith.constant 2 : i32
    %dma_wait3A_243 = arith.constant 0 : i32
    %dma_wait3A_244 = arith.constant 0 : i32
    %dma_wait3A_245 = tpu.memref_slice %arg8[%dma_wait3A_241, %dma_wait3A_243, %dma_wait3A_244] : memref<5x16x1024xf32, #tpu.memory_space<vmem>> -> memref<1x16x1024xf32, #tpu.memory_space<vmem>>
    %dma_wait3A_246 = tpu.memref_squeeze %dma_wait3A_245 : memref<1x16x1024xf32, #tpu.memory_space<vmem>> -> memref<16x1024xf32, #tpu.memory_space<vmem>>
    %dma_wait3A_247 = arith.constant 0 : i32
    %dma_wait3A_248 = tpu.memref_slice %arg5[%dma_wait3A_242, %add3A_224, %dma_wait3A_247] : memref<4x2048x1024xf32, #tpu.memory_space<hbm>> -> memref<1x16x1024xf32, #tpu.memory_space<hbm>>
    %dma_wait3A_249 = tpu.memref_squeeze %dma_wait3A_248 : memref<1x16x1024xf32, #tpu.memory_space<hbm>> -> memref<16x1024xf32, #tpu.memory_space<hbm>>
    %dma_wait3A_250 = arith.constant 0 : i32
    %dma_wait3A_251 = tpu.memref_slice %arg5[%dma_wait3A_242, %add3A_224, %dma_wait3A_250] : memref<4x2048x1024xf32, #tpu.memory_space<hbm>> -> memref<1x16x1024xf32, #tpu.memory_space<hbm>>
    %dma_wait3A_252 = tpu.memref_squeeze %dma_wait3A_251 : memref<1x16x1024xf32, #tpu.memory_space<hbm>> -> memref<16x1024xf32, #tpu.memory_space<hbm>>
    %dma_wait3A_253 = arith.constant 0 : i32
    %dma_wait3A_254 = arith.constant 0 : i32
    %dma_wait3A_255 = tpu.memref_slice %arg8[%dma_wait3A_241, %dma_wait3A_253, %dma_wait3A_254] : memref<5x16x1024xf32, #tpu.memory_space<vmem>> -> memref<1x16x1024xf32, #tpu.memory_space<vmem>>
    %dma_wait3A_256 = tpu.memref_squeeze %dma_wait3A_255 : memref<1x16x1024xf32, #tpu.memory_space<vmem>> -> memref<16x1024xf32, #tpu.memory_space<vmem>>
    tpu.wait_dma2 semaphore(%arg16 : memref<!tpu.dma_semaphore, #tpu.memory_space<semaphore_mem>>) src(%dma_wait3A_256 : memref<16x1024xf32, #tpu.memory_space<vmem>>) dst(%dma_wait3A_252 : memref<16x1024xf32, #tpu.memory_space<hbm>>)
    %dma_start3A_257 = arith.constant 2 : i32
    %dma_start3A_258 = arith.constant 0 : i32
    %dma_start3A_259 = arith.constant 0 : i32
    %dma_start3A_260 = tpu.memref_slice %arg8[%dma_start3A_257, %dma_start3A_258, %dma_start3A_259] : memref<5x16x1024xf32, #tpu.memory_space<vmem>> -> memref<1x16x1024xf32, #tpu.memory_space<vmem>>
    %dma_start3A_261 = tpu.memref_squeeze %dma_start3A_260 : memref<1x16x1024xf32, #tpu.memory_space<vmem>> -> memref<16x1024xf32, #tpu.memory_space<vmem>>
    %dma_start3A_262 = arith.constant 208 : i32
    %dma_start3A_263 = tpu.memref_slice %arg6[%dma_start3A_262] : memref<256xi32, #tpu.memory_space<vmem>> -> memref<16xi32, #tpu.memory_space<vmem>>
    %dma_start3A_264 = arith.constant 0 : i32
    %dma_start3A_265 = arith.constant 0 : i32
    %dma_start3A_266 = tpu.memref_slice %arg3[%dma_start3A_264, %dma_start3A_265] : memref<100000x1024xf32, #tpu.memory_space<hbm>> -> memref<100000x1024xf32, #tpu.memory_space<hbm>>
    tpu.enqueue_indirect_dma source(%dma_start3A_266 : memref<100000x1024xf32, #tpu.memory_space<hbm>>) target(%dma_start3A_261 : memref<16x1024xf32, #tpu.memory_space<vmem>>) offsets(%dma_start3A_263 : memref<16xi32, #tpu.memory_space<vmem>>) semaphore(%arg11 : memref<!tpu.dma_semaphore, #tpu.memory_space<semaphore_mem>>)
    %dma_wait3A_267 = arith.constant 3 : i32
    %dma_wait3A_268 = arith.constant 0 : i32
    %dma_wait3A_269 = arith.constant 0 : i32
    %dma_wait3A_270 = tpu.memref_slice %arg8[%dma_wait3A_267, %dma_wait3A_268, %dma_wait3A_269] : memref<5x16x1024xf32, #tpu.memory_space<vmem>> -> memref<1x16x1024xf32, #tpu.memory_space<vmem>>
    %dma_wait3A_271 = tpu.memref_squeeze %dma_wait3A_270 : memref<1x16x1024xf32, #tpu.memory_space<vmem>> -> memref<16x1024xf32, #tpu.memory_space<vmem>>
    %dma_wait3A_272 = arith.constant 192 : i32
    %dma_wait3A_273 = tpu.memref_slice %arg6[%dma_wait3A_272] : memref<256xi32, #tpu.memory_space<vmem>> -> memref<16xi32, #tpu.memory_space<vmem>>
    %dma_wait3A_274 = arith.constant 0 : i32
    %dma_wait3A_275 = arith.constant 0 : i32
    %dma_wait3A_276 = tpu.memref_slice %arg3[%dma_wait3A_274, %dma_wait3A_275] : memref<100000x1024xf32, #tpu.memory_space<hbm>> -> memref<100000x1024xf32, #tpu.memory_space<hbm>>
    tpu.wait_indirect_dma semaphore(%arg12 : memref<!tpu.dma_semaphore, #tpu.memory_space<semaphore_mem>>) src(%dma_wait3A_276 : memref<100000x1024xf32, #tpu.memory_space<hbm>>) dst(%dma_wait3A_271 : memref<16x1024xf32, #tpu.memory_space<vmem>>)
    %parallel_loop3A_277 = arith.constant 0 : i32
    %parallel_loop3A_278 = arith.constant 1024 : i32
    %parallel_loop3A_279 = arith.constant 1 : i32
    scf.for %parallel_loop3A_1027 = %parallel_loop3A_277 to %parallel_loop3A_278 step %parallel_loop3A_279  : i32 {
      %parallel_loop3A_1028 = arith.constant 6 : i32
      %parallel_loop3A_1029 = arith.shrsi %parallel_loop3A_1027, %parallel_loop3A_1028 : i32
      %parallel_loop3A_1030 = arith.constant 63 : i32
      %parallel_loop3A_1031 = arith.andi %parallel_loop3A_1027, %parallel_loop3A_1030 : i32
      %parallel_loop3A_1032 = arith.constant 16 : i32
      %parallel_loop3A_1033 = arith.muli %parallel_loop3A_1031, %parallel_loop3A_1032 : i32
      %parallel_loop3A_1034 = arith.constant 0 : i32
      %parallel_loop3A_1035 = arith.index_cast %parallel_loop3A_1034 : i32 to index
      %parallel_loop3A_1036 = arith.index_cast %parallel_loop3A_1029 : i32 to index
      %parallel_loop3A_1037 = arith.index_cast %parallel_loop3A_1033 : i32 to index
      %parallel_loop3A_1038 = tpu.vector_load %arg7[%parallel_loop3A_1035, %parallel_loop3A_1036, %parallel_loop3A_1037] {strides = array<i32>} : memref<2x16x1024xf32, #tpu.memory_space<vmem>>, vector<1x1x16xf32>,
      %parallel_loop3A_1039 = vector.shape_cast %parallel_loop3A_1038 : vector<1x1x16xf32> to vector<16xf32>
      %parallel_loop3A_1040 = arith.constant 3 : i32
      %parallel_loop3A_1041 = arith.index_cast %parallel_loop3A_1040 : i32 to index
      %parallel_loop3A_1042 = arith.index_cast %parallel_loop3A_1029 : i32 to index
      %parallel_loop3A_1043 = arith.index_cast %parallel_loop3A_1033 : i32 to index
      %parallel_loop3A_1044 = tpu.vector_load %arg8[%parallel_loop3A_1041, %parallel_loop3A_1042, %parallel_loop3A_1043] {strides = array<i32>} : memref<5x16x1024xf32, #tpu.memory_space<vmem>>, vector<1x1x16xf32>,
      %parallel_loop3A_1045 = vector.shape_cast %parallel_loop3A_1044 : vector<1x1x16xf32> to vector<16xf32>
      %parallel_loop3A_1046 = vector.shape_cast %parallel_loop3A_1039 : vector<16xf32> to vector<1x1x16xf32>
      tpu.vector_store %arg8[%parallel_loop3A_1041, %parallel_loop3A_1042, %parallel_loop3A_1043], %parallel_loop3A_1046 {add = true, strides = array<i32>} : memref<5x16x1024xf32, #tpu.memory_space<vmem>>, vector<1x1x16xf32>,
    } {sc.loop_unroll_factor = 8 : i64, sc.parallel_access}
    %add3A_280 = arith.constant 0 : i32
    %add3A_281 = arith.addi %mul3A_2, %add3A_280 : i32
    %dma_start3A_282 = arith.constant 3 : i32
    %dma_start3A_283 = arith.constant 3 : i32
    %dma_start3A_284 = arith.constant 0 : i32
    %dma_start3A_285 = arith.constant 0 : i32
    %dma_start3A_286 = tpu.memref_slice %arg8[%dma_start3A_282, %dma_start3A_284, %dma_start3A_285] : memref<5x16x1024xf32, #tpu.memory_space<vmem>> -> memref<1x16x1024xf32, #tpu.memory_space<vmem>>
    %dma_start3A_287 = tpu.memref_squeeze %dma_start3A_286 : memref<1x16x1024xf32, #tpu.memory_space<vmem>> -> memref<16x1024xf32, #tpu.memory_space<vmem>>
    %dma_start3A_288 = arith.constant 0 : i32
    %dma_start3A_289 = tpu.memref_slice %arg5[%dma_start3A_283, %add3A_281, %dma_start3A_288] : memref<4x2048x1024xf32, #tpu.memory_space<hbm>> -> memref<1x16x1024xf32, #tpu.memory_space<hbm>>
    %dma_start3A_290 = tpu.memref_squeeze %dma_start3A_289 : memref<1x16x1024xf32, #tpu.memory_space<hbm>> -> memref<16x1024xf32, #tpu.memory_space<hbm>>
    %dma_start3A_291 = arith.constant 0 : i32
    %dma_start3A_292 = tpu.memref_slice %arg5[%dma_start3A_283, %add3A_281, %dma_start3A_291] : memref<4x2048x1024xf32, #tpu.memory_space<hbm>> -> memref<1x16x1024xf32, #tpu.memory_space<hbm>>
    %dma_start3A_293 = tpu.memref_squeeze %dma_start3A_292 : memref<1x16x1024xf32, #tpu.memory_space<hbm>> -> memref<16x1024xf32, #tpu.memory_space<hbm>>
    %dma_start3A_294 = arith.constant 0 : i32
    %dma_start3A_295 = arith.constant 0 : i32
    %dma_start3A_296 = tpu.memref_slice %arg8[%dma_start3A_282, %dma_start3A_294, %dma_start3A_295] : memref<5x16x1024xf32, #tpu.memory_space<vmem>> -> memref<1x16x1024xf32, #tpu.memory_space<vmem>>
    %dma_start3A_297 = tpu.memref_squeeze %dma_start3A_296 : memref<1x16x1024xf32, #tpu.memory_space<vmem>> -> memref<16x1024xf32, #tpu.memory_space<vmem>>
    tpu.enqueue_dma source(%dma_start3A_297 : memref<16x1024xf32, #tpu.memory_space<vmem>>) target(%dma_start3A_293 : memref<16x1024xf32, #tpu.memory_space<hbm>>) target_semaphore(%arg17 : memref<!tpu.dma_semaphore, #tpu.memory_space<semaphore_mem>>)
    %dma_wait3A_298 = arith.constant 3 : i32
    %dma_wait3A_299 = arith.constant 3 : i32
    %dma_wait3A_300 = arith.constant 0 : i32
    %dma_wait3A_301 = arith.constant 0 : i32
    %dma_wait3A_302 = tpu.memref_slice %arg8[%dma_wait3A_298, %dma_wait3A_300, %dma_wait3A_301] : memref<5x16x1024xf32, #tpu.memory_space<vmem>> -> memref<1x16x1024xf32, #tpu.memory_space<vmem>>
    %dma_wait3A_303 = tpu.memref_squeeze %dma_wait3A_302 : memref<1x16x1024xf32, #tpu.memory_space<vmem>> -> memref<16x1024xf32, #tpu.memory_space<vmem>>
    %dma_wait3A_304 = arith.constant 0 : i32
    %dma_wait3A_305 = tpu.memref_slice %arg5[%dma_wait3A_299, %add3A_281, %dma_wait3A_304] : memref<4x2048x1024xf32, #tpu.memory_space<hbm>> -> memref<1x16x1024xf32, #tpu.memory_space<hbm>>
    %dma_wait3A_306 = tpu.memref_squeeze %dma_wait3A_305 : memref<1x16x1024xf32, #tpu.memory_space<hbm>> -> memref<16x1024xf32, #tpu.memory_space<hbm>>
    %dma_wait3A_307 = arith.constant 0 : i32
    %dma_wait3A_308 = tpu.memref_slice %arg5[%dma_wait3A_299, %add3A_281, %dma_wait3A_307] : memref<4x2048x1024xf32, #tpu.memory_space<hbm>> -> memref<1x16x1024xf32, #tpu.memory_space<hbm>>
    %dma_wait3A_309 = tpu.memref_squeeze %dma_wait3A_308 : memref<1x16x1024xf32, #tpu.memory_space<hbm>> -> memref<16x1024xf32, #tpu.memory_space<hbm>>
    %dma_wait3A_310 = arith.constant 0 : i32
    %dma_wait3A_311 = arith.constant 0 : i32
    %dma_wait3A_312 = tpu.memref_slice %arg8[%dma_wait3A_298, %dma_wait3A_310, %dma_wait3A_311] : memref<5x16x1024xf32, #tpu.memory_space<vmem>> -> memref<1x16x1024xf32, #tpu.memory_space<vmem>>
    %dma_wait3A_313 = tpu.memref_squeeze %dma_wait3A_312 : memref<1x16x1024xf32, #tpu.memory_space<vmem>> -> memref<16x1024xf32, #tpu.memory_space<vmem>>
    tpu.wait_dma2 semaphore(%arg17 : memref<!tpu.dma_semaphore, #tpu.memory_space<semaphore_mem>>) src(%dma_wait3A_313 : memref<16x1024xf32, #tpu.memory_space<vmem>>) dst(%dma_wait3A_309 : memref<16x1024xf32, #tpu.memory_space<hbm>>)
    %dma_start3A_314 = arith.constant 3 : i32
    %dma_start3A_315 = arith.constant 0 : i32
    %dma_start3A_316 = arith.constant 0 : i32
    %dma_start3A_317 = tpu.memref_slice %arg8[%dma_start3A_314, %dma_start3A_315, %dma_start3A_316] : memref<5x16x1024xf32, #tpu.memory_space<vmem>> -> memref<1x16x1024xf32, #tpu.memory_space<vmem>>
    %dma_start3A_318 = tpu.memref_squeeze %dma_start3A_317 : memref<1x16x1024xf32, #tpu.memory_space<vmem>> -> memref<16x1024xf32, #tpu.memory_space<vmem>>
    %dma_start3A_319 = arith.constant 32 : i32
    %dma_start3A_320 = tpu.memref_slice %arg6[%dma_start3A_319] : memref<256xi32, #tpu.memory_space<vmem>> -> memref<16xi32, #tpu.memory_space<vmem>>
    %dma_start3A_321 = arith.constant 0 : i32
    %dma_start3A_322 = arith.constant 0 : i32
    %dma_start3A_323 = tpu.memref_slice %arg3[%dma_start3A_321, %dma_start3A_322] : memref<100000x1024xf32, #tpu.memory_space<hbm>> -> memref<100000x1024xf32, #tpu.memory_space<hbm>>
    tpu.enqueue_indirect_dma source(%dma_start3A_323 : memref<100000x1024xf32, #tpu.memory_space<hbm>>) target(%dma_start3A_318 : memref<16x1024xf32, #tpu.memory_space<vmem>>) offsets(%dma_start3A_320 : memref<16xi32, #tpu.memory_space<vmem>>) semaphore(%arg12 : memref<!tpu.dma_semaphore, #tpu.memory_space<semaphore_mem>>)
    %add3A_324 = arith.constant 32 : i32
    %add3A_325 = arith.addi %mul3A_2, %add3A_324 : i32
    %dma_start3A_326 = arith.constant 0 : i32
    %dma_start3A_327 = arith.constant 0 : i32
    %dma_start3A_328 = arith.constant 0 : i32
    %dma_start3A_329 = tpu.memref_slice %arg7[%dma_start3A_326, %dma_start3A_327, %dma_start3A_328] : memref<2x16x1024xf32, #tpu.memory_space<vmem>> -> memref<1x16x1024xf32, #tpu.memory_space<vmem>>
    %dma_start3A_330 = tpu.memref_squeeze %dma_start3A_329 : memref<1x16x1024xf32, #tpu.memory_space<vmem>> -> memref<16x1024xf32, #tpu.memory_space<vmem>>
    %dma_start3A_331 = arith.constant 0 : i32
    %dma_start3A_332 = tpu.memref_slice %arg4[%add3A_325, %dma_start3A_331] : memref<2048x1024xf32, #tpu.memory_space<hbm>> -> memref<16x1024xf32, #tpu.memory_space<hbm>>
    %dma_start3A_333 = arith.constant 0 : i32
    %dma_start3A_334 = arith.constant 0 : i32
    %dma_start3A_335 = tpu.memref_slice %arg7[%dma_start3A_326, %dma_start3A_333, %dma_start3A_334] : memref<2x16x1024xf32, #tpu.memory_space<vmem>> -> memref<1x16x1024xf32, #tpu.memory_space<vmem>>
    %dma_start3A_336 = tpu.memref_squeeze %dma_start3A_335 : memref<1x16x1024xf32, #tpu.memory_space<vmem>> -> memref<16x1024xf32, #tpu.memory_space<vmem>>
    %dma_start3A_337 = arith.constant 0 : i32
    %dma_start3A_338 = tpu.memref_slice %arg4[%add3A_325, %dma_start3A_337] : memref<2048x1024xf32, #tpu.memory_space<hbm>> -> memref<16x1024xf32, #tpu.memory_space<hbm>>
    tpu.enqueue_dma source(%dma_start3A_338 : memref<16x1024xf32, #tpu.memory_space<hbm>>) target(%dma_start3A_336 : memref<16x1024xf32, #tpu.memory_space<vmem>>) target_semaphore(%arg19 : memref<!tpu.dma_semaphore, #tpu.memory_space<semaphore_mem>>)
    %dma_wait3A_339 = arith.constant 1 : i32
    %dma_wait3A_340 = arith.constant 0 : i32
    %dma_wait3A_341 = arith.constant 0 : i32
    %dma_wait3A_342 = tpu.memref_slice %arg7[%dma_wait3A_339, %dma_wait3A_340, %dma_wait3A_341] : memref<2x16x1024xf32, #tpu.memory_space<vmem>> -> memref<1x16x1024xf32, #tpu.memory_space<vmem>>
    %dma_wait3A_343 = tpu.memref_squeeze %dma_wait3A_342 : memref<1x16x1024xf32, #tpu.memory_space<vmem>> -> memref<16x1024xf32, #tpu.memory_space<vmem>>
    %dma_wait3A_344 = arith.constant 0 : i32
    %dma_wait3A_345 = tpu.memref_slice %arg4[%add3A_71, %dma_wait3A_344] : memref<2048x1024xf32, #tpu.memory_space<hbm>> -> memref<16x1024xf32, #tpu.memory_space<hbm>>
    %dma_wait3A_346 = arith.constant 0 : i32
    %dma_wait3A_347 = arith.constant 0 : i32
    %dma_wait3A_348 = tpu.memref_slice %arg7[%dma_wait3A_339, %dma_wait3A_346, %dma_wait3A_347] : memref<2x16x1024xf32, #tpu.memory_space<vmem>> -> memref<1x16x1024xf32, #tpu.memory_space<vmem>>
    %dma_wait3A_349 = tpu.memref_squeeze %dma_wait3A_348 : memref<1x16x1024xf32, #tpu.memory_space<vmem>> -> memref<16x1024xf32, #tpu.memory_space<vmem>>
    %dma_wait3A_350 = arith.constant 0 : i32
    %dma_wait3A_351 = tpu.memref_slice %arg4[%add3A_71, %dma_wait3A_350] : memref<2048x1024xf32, #tpu.memory_space<hbm>> -> memref<16x1024xf32, #tpu.memory_space<hbm>>
    tpu.wait_dma2 semaphore(%arg20 : memref<!tpu.dma_semaphore, #tpu.memory_space<semaphore_mem>>) src(%dma_wait3A_351 : memref<16x1024xf32, #tpu.memory_space<hbm>>) dst(%dma_wait3A_349 : memref<16x1024xf32, #tpu.memory_space<vmem>>)
    %dma_wait3A_352 = arith.constant 4 : i32
    %dma_wait3A_353 = arith.constant 0 : i32
    %dma_wait3A_354 = arith.constant 0 : i32
    %dma_wait3A_355 = tpu.memref_slice %arg8[%dma_wait3A_352, %dma_wait3A_353, %dma_wait3A_354] : memref<5x16x1024xf32, #tpu.memory_space<vmem>> -> memref<1x16x1024xf32, #tpu.memory_space<vmem>>
    %dma_wait3A_356 = tpu.memref_squeeze %dma_wait3A_355 : memref<1x16x1024xf32, #tpu.memory_space<vmem>> -> memref<16x1024xf32, #tpu.memory_space<vmem>>
    %dma_wait3A_357 = arith.constant 16 : i32
    %dma_wait3A_358 = tpu.memref_slice %arg6[%dma_wait3A_357] : memref<256xi32, #tpu.memory_space<vmem>> -> memref<16xi32, #tpu.memory_space<vmem>>
    %dma_wait3A_359 = arith.constant 0 : i32
    %dma_wait3A_360 = arith.constant 0 : i32
    %dma_wait3A_361 = tpu.memref_slice %arg3[%dma_wait3A_359, %dma_wait3A_360] : memref<100000x1024xf32, #tpu.memory_space<hbm>> -> memref<100000x1024xf32, #tpu.memory_space<hbm>>
    tpu.wait_indirect_dma semaphore(%arg13 : memref<!tpu.dma_semaphore, #tpu.memory_space<semaphore_mem>>) src(%dma_wait3A_361 : memref<100000x1024xf32, #tpu.memory_space<hbm>>) dst(%dma_wait3A_356 : memref<16x1024xf32, #tpu.memory_space<vmem>>)
    %parallel_loop3A_362 = arith.constant 0 : i32
    %parallel_loop3A_363 = arith.constant 1024 : i32
    %parallel_loop3A_364 = arith.constant 1 : i32
    scf.for %parallel_loop3A_1027 = %parallel_loop3A_362 to %parallel_loop3A_363 step %parallel_loop3A_364  : i32 {
      %parallel_loop3A_1028 = arith.constant 6 : i32
      %parallel_loop3A_1029 = arith.shrsi %parallel_loop3A_1027, %parallel_loop3A_1028 : i32
      %parallel_loop3A_1030 = arith.constant 63 : i32
      %parallel_loop3A_1031 = arith.andi %parallel_loop3A_1027, %parallel_loop3A_1030 : i32
      %parallel_loop3A_1032 = arith.constant 16 : i32
      %parallel_loop3A_1033 = arith.muli %parallel_loop3A_1031, %parallel_loop3A_1032 : i32
      %parallel_loop3A_1034 = arith.constant 1 : i32
      %parallel_loop3A_1035 = arith.index_cast %parallel_loop3A_1034 : i32 to index
      %parallel_loop3A_1036 = arith.index_cast %parallel_loop3A_1029 : i32 to index
      %parallel_loop3A_1037 = arith.index_cast %parallel_loop3A_1033 : i32 to index
      %parallel_loop3A_1038 = tpu.vector_load %arg7[%parallel_loop3A_1035, %parallel_loop3A_1036, %parallel_loop3A_1037] {strides = array<i32>} : memref<2x16x1024xf32, #tpu.memory_space<vmem>>, vector<1x1x16xf32>,
      %parallel_loop3A_1039 = vector.shape_cast %parallel_loop3A_1038 : vector<1x1x16xf32> to vector<16xf32>
      %parallel_loop3A_1040 = arith.constant 4 : i32
      %parallel_loop3A_1041 = arith.index_cast %parallel_loop3A_1040 : i32 to index
      %parallel_loop3A_1042 = arith.index_cast %parallel_loop3A_1029 : i32 to index
      %parallel_loop3A_1043 = arith.index_cast %parallel_loop3A_1033 : i32 to index
      %parallel_loop3A_1044 = tpu.vector_load %arg8[%parallel_loop3A_1041, %parallel_loop3A_1042, %parallel_loop3A_1043] {strides = array<i32>} : memref<5x16x1024xf32, #tpu.memory_space<vmem>>, vector<1x1x16xf32>,
      %parallel_loop3A_1045 = vector.shape_cast %parallel_loop3A_1044 : vector<1x1x16xf32> to vector<16xf32>
      %parallel_loop3A_1046 = vector.shape_cast %parallel_loop3A_1039 : vector<16xf32> to vector<1x1x16xf32>
      tpu.vector_store %arg8[%parallel_loop3A_1041, %parallel_loop3A_1042, %parallel_loop3A_1043], %parallel_loop3A_1046 {add = true, strides = array<i32>} : memref<5x16x1024xf32, #tpu.memory_space<vmem>>, vector<1x1x16xf32>,
    } {sc.loop_unroll_factor = 8 : i64, sc.parallel_access}
    %add3A_365 = arith.constant 16 : i32
    %add3A_366 = arith.addi %mul3A_2, %add3A_365 : i32
    %dma_start3A_367 = arith.constant 4 : i32
    %dma_start3A_368 = arith.constant 0 : i32
    %dma_start3A_369 = arith.constant 0 : i32
    %dma_start3A_370 = arith.constant 0 : i32
    %dma_start3A_371 = tpu.memref_slice %arg8[%dma_start3A_367, %dma_start3A_369, %dma_start3A_370] : memref<5x16x1024xf32, #tpu.memory_space<vmem>> -> memref<1x16x1024xf32, #tpu.memory_space<vmem>>
    %dma_start3A_372 = tpu.memref_squeeze %dma_start3A_371 : memref<1x16x1024xf32, #tpu.memory_space<vmem>> -> memref<16x1024xf32, #tpu.memory_space<vmem>>
    %dma_start3A_373 = arith.constant 0 : i32
    %dma_start3A_374 = tpu.memref_slice %arg5[%dma_start3A_368, %add3A_366, %dma_start3A_373] : memref<4x2048x1024xf32, #tpu.memory_space<hbm>> -> memref<1x16x1024xf32, #tpu.memory_space<hbm>>
    %dma_start3A_375 = tpu.memref_squeeze %dma_start3A_374 : memref<1x16x1024xf32, #tpu.memory_space<hbm>> -> memref<16x1024xf32, #tpu.memory_space<hbm>>
    %dma_start3A_376 = arith.constant 0 : i32
    %dma_start3A_377 = tpu.memref_slice %arg5[%dma_start3A_368, %add3A_366, %dma_start3A_376] : memref<4x2048x1024xf32, #tpu.memory_space<hbm>> -> memref<1x16x1024xf32, #tpu.memory_space<hbm>>
    %dma_start3A_378 = tpu.memref_squeeze %dma_start3A_377 : memref<1x16x1024xf32, #tpu.memory_space<hbm>> -> memref<16x1024xf32, #tpu.memory_space<hbm>>
    %dma_start3A_379 = arith.constant 0 : i32
    %dma_start3A_380 = arith.constant 0 : i32
    %dma_start3A_381 = tpu.memref_slice %arg8[%dma_start3A_367, %dma_start3A_379, %dma_start3A_380] : memref<5x16x1024xf32, #tpu.memory_space<vmem>> -> memref<1x16x1024xf32, #tpu.memory_space<vmem>>
    %dma_start3A_382 = tpu.memref_squeeze %dma_start3A_381 : memref<1x16x1024xf32, #tpu.memory_space<vmem>> -> memref<16x1024xf32, #tpu.memory_space<vmem>>
    tpu.enqueue_dma source(%dma_start3A_382 : memref<16x1024xf32, #tpu.memory_space<vmem>>) target(%dma_start3A_378 : memref<16x1024xf32, #tpu.memory_space<hbm>>) target_semaphore(%arg18 : memref<!tpu.dma_semaphore, #tpu.memory_space<semaphore_mem>>)
    %dma_wait3A_383 = arith.constant 4 : i32
    %dma_wait3A_384 = arith.constant 0 : i32
    %dma_wait3A_385 = arith.constant 0 : i32
    %dma_wait3A_386 = arith.constant 0 : i32
    %dma_wait3A_387 = tpu.memref_slice %arg8[%dma_wait3A_383, %dma_wait3A_385, %dma_wait3A_386] : memref<5x16x1024xf32, #tpu.memory_space<vmem>> -> memref<1x16x1024xf32, #tpu.memory_space<vmem>>
    %dma_wait3A_388 = tpu.memref_squeeze %dma_wait3A_387 : memref<1x16x1024xf32, #tpu.memory_space<vmem>> -> memref<16x1024xf32, #tpu.memory_space<vmem>>
    %dma_wait3A_389 = arith.constant 0 : i32
    %dma_wait3A_390 = tpu.memref_slice %arg5[%dma_wait3A_384, %add3A_366, %dma_wait3A_389] : memref<4x2048x1024xf32, #tpu.memory_space<hbm>> -> memref<1x16x1024xf32, #tpu.memory_space<hbm>>
    %dma_wait3A_391 = tpu.memref_squeeze %dma_wait3A_390 : memref<1x16x1024xf32, #tpu.memory_space<hbm>> -> memref<16x1024xf32, #tpu.memory_space<hbm>>
    %dma_wait3A_392 = arith.constant 0 : i32
    %dma_wait3A_393 = tpu.memref_slice %arg5[%dma_wait3A_384, %add3A_366, %dma_wait3A_392] : memref<4x2048x1024xf32, #tpu.memory_space<hbm>> -> memref<1x16x1024xf32, #tpu.memory_space<hbm>>
    %dma_wait3A_394 = tpu.memref_squeeze %dma_wait3A_393 : memref<1x16x1024xf32, #tpu.memory_space<hbm>> -> memref<16x1024xf32, #tpu.memory_space<hbm>>
    %dma_wait3A_395 = arith.constant 0 : i32
    %dma_wait3A_396 = arith.constant 0 : i32
    %dma_wait3A_397 = tpu.memref_slice %arg8[%dma_wait3A_383, %dma_wait3A_395, %dma_wait3A_396] : memref<5x16x1024xf32, #tpu.memory_space<vmem>> -> memref<1x16x1024xf32, #tpu.memory_space<vmem>>
    %dma_wait3A_398 = tpu.memref_squeeze %dma_wait3A_397 : memref<1x16x1024xf32, #tpu.memory_space<vmem>> -> memref<16x1024xf32, #tpu.memory_space<vmem>>
    tpu.wait_dma2 semaphore(%arg18 : memref<!tpu.dma_semaphore, #tpu.memory_space<semaphore_mem>>) src(%dma_wait3A_398 : memref<16x1024xf32, #tpu.memory_space<vmem>>) dst(%dma_wait3A_394 : memref<16x1024xf32, #tpu.memory_space<hbm>>)
    %dma_start3A_399 = arith.constant 4 : i32
    %dma_start3A_400 = arith.constant 0 : i32
    %dma_start3A_401 = arith.constant 0 : i32
    %dma_start3A_402 = tpu.memref_slice %arg8[%dma_start3A_399, %dma_start3A_400, %dma_start3A_401] : memref<5x16x1024xf32, #tpu.memory_space<vmem>> -> memref<1x16x1024xf32, #tpu.memory_space<vmem>>
    %dma_start3A_403 = tpu.memref_squeeze %dma_start3A_402 : memref<1x16x1024xf32, #tpu.memory_space<vmem>> -> memref<16x1024xf32, #tpu.memory_space<vmem>>
    %dma_start3A_404 = arith.constant 96 : i32
    %dma_start3A_405 = tpu.memref_slice %arg6[%dma_start3A_404] : memref<256xi32, #tpu.memory_space<vmem>> -> memref<16xi32, #tpu.memory_space<vmem>>
    %dma_start3A_406 = arith.constant 0 : i32
    %dma_start3A_407 = arith.constant 0 : i32
    %dma_start3A_408 = tpu.memref_slice %arg3[%dma_start3A_406, %dma_start3A_407] : memref<100000x1024xf32, #tpu.memory_space<hbm>> -> memref<100000x1024xf32, #tpu.memory_space<hbm>>
    tpu.enqueue_indirect_dma source(%dma_start3A_408 : memref<100000x1024xf32, #tpu.memory_space<hbm>>) target(%dma_start3A_403 : memref<16x1024xf32, #tpu.memory_space<vmem>>) offsets(%dma_start3A_405 : memref<16xi32, #tpu.memory_space<vmem>>) semaphore(%arg13 : memref<!tpu.dma_semaphore, #tpu.memory_space<semaphore_mem>>)
    %dma_wait3A_409 = arith.constant 0 : i32
    %dma_wait3A_410 = arith.constant 0 : i32
    %dma_wait3A_411 = arith.constant 0 : i32
    %dma_wait3A_412 = tpu.memref_slice %arg8[%dma_wait3A_409, %dma_wait3A_410, %dma_wait3A_411] : memref<5x16x1024xf32, #tpu.memory_space<vmem>> -> memref<1x16x1024xf32, #tpu.memory_space<vmem>>
    %dma_wait3A_413 = tpu.memref_squeeze %dma_wait3A_412 : memref<1x16x1024xf32, #tpu.memory_space<vmem>> -> memref<16x1024xf32, #tpu.memory_space<vmem>>
    %dma_wait3A_414 = arith.constant 80 : i32
    %dma_wait3A_415 = tpu.memref_slice %arg6[%dma_wait3A_414] : memref<256xi32, #tpu.memory_space<vmem>> -> memref<16xi32, #tpu.memory_space<vmem>>
    %dma_wait3A_416 = arith.constant 0 : i32
    %dma_wait3A_417 = arith.constant 0 : i32
    %dma_wait3A_418 = tpu.memref_slice %arg3[%dma_wait3A_416, %dma_wait3A_417] : memref<100000x1024xf32, #tpu.memory_space<hbm>> -> memref<100000x1024xf32, #tpu.memory_space<hbm>>
    tpu.wait_indirect_dma semaphore(%arg9 : memref<!tpu.dma_semaphore, #tpu.memory_space<semaphore_mem>>) src(%dma_wait3A_418 : memref<100000x1024xf32, #tpu.memory_space<hbm>>) dst(%dma_wait3A_413 : memref<16x1024xf32, #tpu.memory_space<vmem>>)
    %parallel_loop3A_419 = arith.constant 0 : i32
    %parallel_loop3A_420 = arith.constant 1024 : i32
    %parallel_loop3A_421 = arith.constant 1 : i32
    scf.for %parallel_loop3A_1027 = %parallel_loop3A_419 to %parallel_loop3A_420 step %parallel_loop3A_421  : i32 {
      %parallel_loop3A_1028 = arith.constant 6 : i32
      %parallel_loop3A_1029 = arith.shrsi %parallel_loop3A_1027, %parallel_loop3A_1028 : i32
      %parallel_loop3A_1030 = arith.constant 63 : i32
      %parallel_loop3A_1031 = arith.andi %parallel_loop3A_1027, %parallel_loop3A_1030 : i32
      %parallel_loop3A_1032 = arith.constant 16 : i32
      %parallel_loop3A_1033 = arith.muli %parallel_loop3A_1031, %parallel_loop3A_1032 : i32
      %parallel_loop3A_1034 = arith.constant 1 : i32
      %parallel_loop3A_1035 = arith.index_cast %parallel_loop3A_1034 : i32 to index
      %parallel_loop3A_1036 = arith.index_cast %parallel_loop3A_1029 : i32 to index
      %parallel_loop3A_1037 = arith.index_cast %parallel_loop3A_1033 : i32 to index
      %parallel_loop3A_1038 = tpu.vector_load %arg7[%parallel_loop3A_1035, %parallel_loop3A_1036, %parallel_loop3A_1037] {strides = array<i32>} : memref<2x16x1024xf32, #tpu.memory_space<vmem>>, vector<1x1x16xf32>,
      %parallel_loop3A_1039 = vector.shape_cast %parallel_loop3A_1038 : vector<1x1x16xf32> to vector<16xf32>
      %parallel_loop3A_1040 = arith.constant 0 : i32
      %parallel_loop3A_1041 = arith.index_cast %parallel_loop3A_1040 : i32 to index
      %parallel_loop3A_1042 = arith.index_cast %parallel_loop3A_1029 : i32 to index
      %parallel_loop3A_1043 = arith.index_cast %parallel_loop3A_1033 : i32 to index
      %parallel_loop3A_1044 = tpu.vector_load %arg8[%parallel_loop3A_1041, %parallel_loop3A_1042, %parallel_loop3A_1043] {strides = array<i32>} : memref<5x16x1024xf32, #tpu.memory_space<vmem>>, vector<1x1x16xf32>,
      %parallel_loop3A_1045 = vector.shape_cast %parallel_loop3A_1044 : vector<1x1x16xf32> to vector<16xf32>
      %parallel_loop3A_1046 = vector.shape_cast %parallel_loop3A_1039 : vector<16xf32> to vector<1x1x16xf32>
      tpu.vector_store %arg8[%parallel_loop3A_1041, %parallel_loop3A_1042, %parallel_loop3A_1043], %parallel_loop3A_1046 {add = true, strides = array<i32>} : memref<5x16x1024xf32, #tpu.memory_space<vmem>>, vector<1x1x16xf32>,
    } {sc.loop_unroll_factor = 8 : i64, sc.parallel_access}
    %add3A_422 = arith.constant 16 : i32
    %add3A_423 = arith.addi %mul3A_2, %add3A_422 : i32
    %dma_start3A_424 = arith.constant 0 : i32
    %dma_start3A_425 = arith.constant 1 : i32
    %dma_start3A_426 = arith.constant 0 : i32
    %dma_start3A_427 = arith.constant 0 : i32
    %dma_start3A_428 = tpu.memref_slice %arg8[%dma_start3A_424, %dma_start3A_426, %dma_start3A_427] : memref<5x16x1024xf32, #tpu.memory_space<vmem>> -> memref<1x16x1024xf32, #tpu.memory_space<vmem>>
    %dma_start3A_429 = tpu.memref_squeeze %dma_start3A_428 : memref<1x16x1024xf32, #tpu.memory_space<vmem>> -> memref<16x1024xf32, #tpu.memory_space<vmem>>
    %dma_start3A_430 = arith.constant 0 : i32
    %dma_start3A_431 = tpu.memref_slice %arg5[%dma_start3A_425, %add3A_423, %dma_start3A_430] : memref<4x2048x1024xf32, #tpu.memory_space<hbm>> -> memref<1x16x1024xf32, #tpu.memory_space<hbm>>
    %dma_start3A_432 = tpu.memref_squeeze %dma_start3A_431 : memref<1x16x1024xf32, #tpu.memory_space<hbm>> -> memref<16x1024xf32, #tpu.memory_space<hbm>>
    %dma_start3A_433 = arith.constant 0 : i32
    %dma_start3A_434 = tpu.memref_slice %arg5[%dma_start3A_425, %add3A_423, %dma_start3A_433] : memref<4x2048x1024xf32, #tpu.memory_space<hbm>> -> memref<1x16x1024xf32, #tpu.memory_space<hbm>>
    %dma_start3A_435 = tpu.memref_squeeze %dma_start3A_434 : memref<1x16x1024xf32, #tpu.memory_space<hbm>> -> memref<16x1024xf32, #tpu.memory_space<hbm>>
    %dma_start3A_436 = arith.constant 0 : i32
    %dma_start3A_437 = arith.constant 0 : i32
    %dma_start3A_438 = tpu.memref_slice %arg8[%dma_start3A_424, %dma_start3A_436, %dma_start3A_437] : memref<5x16x1024xf32, #tpu.memory_space<vmem>> -> memref<1x16x1024xf32, #tpu.memory_space<vmem>>
    %dma_start3A_439 = tpu.memref_squeeze %dma_start3A_438 : memref<1x16x1024xf32, #tpu.memory_space<vmem>> -> memref<16x1024xf32, #tpu.memory_space<vmem>>
    tpu.enqueue_dma source(%dma_start3A_439 : memref<16x1024xf32, #tpu.memory_space<vmem>>) target(%dma_start3A_435 : memref<16x1024xf32, #tpu.memory_space<hbm>>) target_semaphore(%arg14 : memref<!tpu.dma_semaphore, #tpu.memory_space<semaphore_mem>>)
    %dma_wait3A_440 = arith.constant 0 : i32
    %dma_wait3A_441 = arith.constant 1 : i32
    %dma_wait3A_442 = arith.constant 0 : i32
    %dma_wait3A_443 = arith.constant 0 : i32
    %dma_wait3A_444 = tpu.memref_slice %arg8[%dma_wait3A_440, %dma_wait3A_442, %dma_wait3A_443] : memref<5x16x1024xf32, #tpu.memory_space<vmem>> -> memref<1x16x1024xf32, #tpu.memory_space<vmem>>
    %dma_wait3A_445 = tpu.memref_squeeze %dma_wait3A_444 : memref<1x16x1024xf32, #tpu.memory_space<vmem>> -> memref<16x1024xf32, #tpu.memory_space<vmem>>
    %dma_wait3A_446 = arith.constant 0 : i32
    %dma_wait3A_447 = tpu.memref_slice %arg5[%dma_wait3A_441, %add3A_423, %dma_wait3A_446] : memref<4x2048x1024xf32, #tpu.memory_space<hbm>> -> memref<1x16x1024xf32, #tpu.memory_space<hbm>>
    %dma_wait3A_448 = tpu.memref_squeeze %dma_wait3A_447 : memref<1x16x1024xf32, #tpu.memory_space<hbm>> -> memref<16x1024xf32, #tpu.memory_space<hbm>>
    %dma_wait3A_449 = arith.constant 0 : i32
    %dma_wait3A_450 = tpu.memref_slice %arg5[%dma_wait3A_441, %add3A_423, %dma_wait3A_449] : memref<4x2048x1024xf32, #tpu.memory_space<hbm>> -> memref<1x16x1024xf32, #tpu.memory_space<hbm>>
    %dma_wait3A_451 = tpu.memref_squeeze %dma_wait3A_450 : memref<1x16x1024xf32, #tpu.memory_space<hbm>> -> memref<16x1024xf32, #tpu.memory_space<hbm>>
    %dma_wait3A_452 = arith.constant 0 : i32
    %dma_wait3A_453 = arith.constant 0 : i32
    %dma_wait3A_454 = tpu.memref_slice %arg8[%dma_wait3A_440, %dma_wait3A_452, %dma_wait3A_453] : memref<5x16x1024xf32, #tpu.memory_space<vmem>> -> memref<1x16x1024xf32, #tpu.memory_space<vmem>>
    %dma_wait3A_455 = tpu.memref_squeeze %dma_wait3A_454 : memref<1x16x1024xf32, #tpu.memory_space<vmem>> -> memref<16x1024xf32, #tpu.memory_space<vmem>>
    tpu.wait_dma2 semaphore(%arg14 : memref<!tpu.dma_semaphore, #tpu.memory_space<semaphore_mem>>) src(%dma_wait3A_455 : memref<16x1024xf32, #tpu.memory_space<vmem>>) dst(%dma_wait3A_451 : memref<16x1024xf32, #tpu.memory_space<hbm>>)
    %dma_start3A_456 = arith.constant 0 : i32
    %dma_start3A_457 = arith.constant 0 : i32
    %dma_start3A_458 = arith.constant 0 : i32
    %dma_start3A_459 = tpu.memref_slice %arg8[%dma_start3A_456, %dma_start3A_457, %dma_start3A_458] : memref<5x16x1024xf32, #tpu.memory_space<vmem>> -> memref<1x16x1024xf32, #tpu.memory_space<vmem>>
    %dma_start3A_460 = tpu.memref_squeeze %dma_start3A_459 : memref<1x16x1024xf32, #tpu.memory_space<vmem>> -> memref<16x1024xf32, #tpu.memory_space<vmem>>
    %dma_start3A_461 = arith.constant 160 : i32
    %dma_start3A_462 = tpu.memref_slice %arg6[%dma_start3A_461] : memref<256xi32, #tpu.memory_space<vmem>> -> memref<16xi32, #tpu.memory_space<vmem>>
    %dma_start3A_463 = arith.constant 0 : i32
    %dma_start3A_464 = arith.constant 0 : i32
    %dma_start3A_465 = tpu.memref_slice %arg3[%dma_start3A_463, %dma_start3A_464] : memref<100000x1024xf32, #tpu.memory_space<hbm>> -> memref<100000x1024xf32, #tpu.memory_space<hbm>>
    tpu.enqueue_indirect_dma source(%dma_start3A_465 : memref<100000x1024xf32, #tpu.memory_space<hbm>>) target(%dma_start3A_460 : memref<16x1024xf32, #tpu.memory_space<vmem>>) offsets(%dma_start3A_462 : memref<16xi32, #tpu.memory_space<vmem>>) semaphore(%arg9 : memref<!tpu.dma_semaphore, #tpu.memory_space<semaphore_mem>>)
    %dma_wait3A_466 = arith.constant 1 : i32
    %dma_wait3A_467 = arith.constant 0 : i32
    %dma_wait3A_468 = arith.constant 0 : i32
    %dma_wait3A_469 = tpu.memref_slice %arg8[%dma_wait3A_466, %dma_wait3A_467, %dma_wait3A_468] : memref<5x16x1024xf32, #tpu.memory_space<vmem>> -> memref<1x16x1024xf32, #tpu.memory_space<vmem>>
    %dma_wait3A_470 = tpu.memref_squeeze %dma_wait3A_469 : memref<1x16x1024xf32, #tpu.memory_space<vmem>> -> memref<16x1024xf32, #tpu.memory_space<vmem>>
    %dma_wait3A_471 = arith.constant 144 : i32
    %dma_wait3A_472 = tpu.memref_slice %arg6[%dma_wait3A_471] : memref<256xi32, #tpu.memory_space<vmem>> -> memref<16xi32, #tpu.memory_space<vmem>>
    %dma_wait3A_473 = arith.constant 0 : i32
    %dma_wait3A_474 = arith.constant 0 : i32
    %dma_wait3A_475 = tpu.memref_slice %arg3[%dma_wait3A_473, %dma_wait3A_474] : memref<100000x1024xf32, #tpu.memory_space<hbm>> -> memref<100000x1024xf32, #tpu.memory_space<hbm>>
    tpu.wait_indirect_dma semaphore(%arg10 : memref<!tpu.dma_semaphore, #tpu.memory_space<semaphore_mem>>) src(%dma_wait3A_475 : memref<100000x1024xf32, #tpu.memory_space<hbm>>) dst(%dma_wait3A_470 : memref<16x1024xf32, #tpu.memory_space<vmem>>)
    %parallel_loop3A_476 = arith.constant 0 : i32
    %parallel_loop3A_477 = arith.constant 1024 : i32
    %parallel_loop3A_478 = arith.constant 1 : i32
    scf.for %parallel_loop3A_1027 = %parallel_loop3A_476 to %parallel_loop3A_477 step %parallel_loop3A_478  : i32 {
      %parallel_loop3A_1028 = arith.constant 6 : i32
      %parallel_loop3A_1029 = arith.shrsi %parallel_loop3A_1027, %parallel_loop3A_1028 : i32
      %parallel_loop3A_1030 = arith.constant 63 : i32
      %parallel_loop3A_1031 = arith.andi %parallel_loop3A_1027, %parallel_loop3A_1030 : i32
      %parallel_loop3A_1032 = arith.constant 16 : i32
      %parallel_loop3A_1033 = arith.muli %parallel_loop3A_1031, %parallel_loop3A_1032 : i32
      %parallel_loop3A_1034 = arith.constant 1 : i32
      %parallel_loop3A_1035 = arith.index_cast %parallel_loop3A_1034 : i32 to index
      %parallel_loop3A_1036 = arith.index_cast %parallel_loop3A_1029 : i32 to index
      %parallel_loop3A_1037 = arith.index_cast %parallel_loop3A_1033 : i32 to index
      %parallel_loop3A_1038 = tpu.vector_load %arg7[%parallel_loop3A_1035, %parallel_loop3A_1036, %parallel_loop3A_1037] {strides = array<i32>} : memref<2x16x1024xf32, #tpu.memory_space<vmem>>, vector<1x1x16xf32>,
      %parallel_loop3A_1039 = vector.shape_cast %parallel_loop3A_1038 : vector<1x1x16xf32> to vector<16xf32>
      %parallel_loop3A_1040 = arith.constant 1 : i32
      %parallel_loop3A_1041 = arith.index_cast %parallel_loop3A_1040 : i32 to index
      %parallel_loop3A_1042 = arith.index_cast %parallel_loop3A_1029 : i32 to index
      %parallel_loop3A_1043 = arith.index_cast %parallel_loop3A_1033 : i32 to index
      %parallel_loop3A_1044 = tpu.vector_load %arg8[%parallel_loop3A_1041, %parallel_loop3A_1042, %parallel_loop3A_1043] {strides = array<i32>} : memref<5x16x1024xf32, #tpu.memory_space<vmem>>, vector<1x1x16xf32>,
      %parallel_loop3A_1045 = vector.shape_cast %parallel_loop3A_1044 : vector<1x1x16xf32> to vector<16xf32>
      %parallel_loop3A_1046 = vector.shape_cast %parallel_loop3A_1039 : vector<16xf32> to vector<1x1x16xf32>
      tpu.vector_store %arg8[%parallel_loop3A_1041, %parallel_loop3A_1042, %parallel_loop3A_1043], %parallel_loop3A_1046 {add = true, strides = array<i32>} : memref<5x16x1024xf32, #tpu.memory_space<vmem>>, vector<1x1x16xf32>,
    } {sc.loop_unroll_factor = 8 : i64, sc.parallel_access}
    %add3A_479 = arith.constant 16 : i32
    %add3A_480 = arith.addi %mul3A_2, %add3A_479 : i32
    %dma_start3A_481 = arith.constant 1 : i32
    %dma_start3A_482 = arith.constant 2 : i32
    %dma_start3A_483 = arith.constant 0 : i32
    %dma_start3A_484 = arith.constant 0 : i32
    %dma_start3A_485 = tpu.memref_slice %arg8[%dma_start3A_481, %dma_start3A_483, %dma_start3A_484] : memref<5x16x1024xf32, #tpu.memory_space<vmem>> -> memref<1x16x1024xf32, #tpu.memory_space<vmem>>
    %dma_start3A_486 = tpu.memref_squeeze %dma_start3A_485 : memref<1x16x1024xf32, #tpu.memory_space<vmem>> -> memref<16x1024xf32, #tpu.memory_space<vmem>>
    %dma_start3A_487 = arith.constant 0 : i32
    %dma_start3A_488 = tpu.memref_slice %arg5[%dma_start3A_482, %add3A_480, %dma_start3A_487] : memref<4x2048x1024xf32, #tpu.memory_space<hbm>> -> memref<1x16x1024xf32, #tpu.memory_space<hbm>>
    %dma_start3A_489 = tpu.memref_squeeze %dma_start3A_488 : memref<1x16x1024xf32, #tpu.memory_space<hbm>> -> memref<16x1024xf32, #tpu.memory_space<hbm>>
    %dma_start3A_490 = arith.constant 0 : i32
    %dma_start3A_491 = tpu.memref_slice %arg5[%dma_start3A_482, %add3A_480, %dma_start3A_490] : memref<4x2048x1024xf32, #tpu.memory_space<hbm>> -> memref<1x16x1024xf32, #tpu.memory_space<hbm>>
    %dma_start3A_492 = tpu.memref_squeeze %dma_start3A_491 : memref<1x16x1024xf32, #tpu.memory_space<hbm>> -> memref<16x1024xf32, #tpu.memory_space<hbm>>
    %dma_start3A_493 = arith.constant 0 : i32
    %dma_start3A_494 = arith.constant 0 : i32
    %dma_start3A_495 = tpu.memref_slice %arg8[%dma_start3A_481, %dma_start3A_493, %dma_start3A_494] : memref<5x16x1024xf32, #tpu.memory_space<vmem>> -> memref<1x16x1024xf32, #tpu.memory_space<vmem>>
    %dma_start3A_496 = tpu.memref_squeeze %dma_start3A_495 : memref<1x16x1024xf32, #tpu.memory_space<vmem>> -> memref<16x1024xf32, #tpu.memory_space<vmem>>
    tpu.enqueue_dma source(%dma_start3A_496 : memref<16x1024xf32, #tpu.memory_space<vmem>>) target(%dma_start3A_492 : memref<16x1024xf32, #tpu.memory_space<hbm>>) target_semaphore(%arg15 : memref<!tpu.dma_semaphore, #tpu.memory_space<semaphore_mem>>)
    %dma_wait3A_497 = arith.constant 1 : i32
    %dma_wait3A_498 = arith.constant 2 : i32
    %dma_wait3A_499 = arith.constant 0 : i32
    %dma_wait3A_500 = arith.constant 0 : i32
    %dma_wait3A_501 = tpu.memref_slice %arg8[%dma_wait3A_497, %dma_wait3A_499, %dma_wait3A_500] : memref<5x16x1024xf32, #tpu.memory_space<vmem>> -> memref<1x16x1024xf32, #tpu.memory_space<vmem>>
    %dma_wait3A_502 = tpu.memref_squeeze %dma_wait3A_501 : memref<1x16x1024xf32, #tpu.memory_space<vmem>> -> memref<16x1024xf32, #tpu.memory_space<vmem>>
    %dma_wait3A_503 = arith.constant 0 : i32
    %dma_wait3A_504 = tpu.memref_slice %arg5[%dma_wait3A_498, %add3A_480, %dma_wait3A_503] : memref<4x2048x1024xf32, #tpu.memory_space<hbm>> -> memref<1x16x1024xf32, #tpu.memory_space<hbm>>
    %dma_wait3A_505 = tpu.memref_squeeze %dma_wait3A_504 : memref<1x16x1024xf32, #tpu.memory_space<hbm>> -> memref<16x1024xf32, #tpu.memory_space<hbm>>
    %dma_wait3A_506 = arith.constant 0 : i32
    %dma_wait3A_507 = tpu.memref_slice %arg5[%dma_wait3A_498, %add3A_480, %dma_wait3A_506] : memref<4x2048x1024xf32, #tpu.memory_space<hbm>> -> memref<1x16x1024xf32, #tpu.memory_space<hbm>>
    %dma_wait3A_508 = tpu.memref_squeeze %dma_wait3A_507 : memref<1x16x1024xf32, #tpu.memory_space<hbm>> -> memref<16x1024xf32, #tpu.memory_space<hbm>>
    %dma_wait3A_509 = arith.constant 0 : i32
    %dma_wait3A_510 = arith.constant 0 : i32
    %dma_wait3A_511 = tpu.memref_slice %arg8[%dma_wait3A_497, %dma_wait3A_509, %dma_wait3A_510] : memref<5x16x1024xf32, #tpu.memory_space<vmem>> -> memref<1x16x1024xf32, #tpu.memory_space<vmem>>
    %dma_wait3A_512 = tpu.memref_squeeze %dma_wait3A_511 : memref<1x16x1024xf32, #tpu.memory_space<vmem>> -> memref<16x1024xf32, #tpu.memory_space<vmem>>
    tpu.wait_dma2 semaphore(%arg15 : memref<!tpu.dma_semaphore, #tpu.memory_space<semaphore_mem>>) src(%dma_wait3A_512 : memref<16x1024xf32, #tpu.memory_space<vmem>>) dst(%dma_wait3A_508 : memref<16x1024xf32, #tpu.memory_space<hbm>>)
    %dma_start3A_513 = arith.constant 1 : i32
    %dma_start3A_514 = arith.constant 0 : i32
    %dma_start3A_515 = arith.constant 0 : i32
    %dma_start3A_516 = tpu.memref_slice %arg8[%dma_start3A_513, %dma_start3A_514, %dma_start3A_515] : memref<5x16x1024xf32, #tpu.memory_space<vmem>> -> memref<1x16x1024xf32, #tpu.memory_space<vmem>>
    %dma_start3A_517 = tpu.memref_squeeze %dma_start3A_516 : memref<1x16x1024xf32, #tpu.memory_space<vmem>> -> memref<16x1024xf32, #tpu.memory_space<vmem>>
    %dma_start3A_518 = arith.constant 224 : i32
    %dma_start3A_519 = tpu.memref_slice %arg6[%dma_start3A_518] : memref<256xi32, #tpu.memory_space<vmem>> -> memref<16xi32, #tpu.memory_space<vmem>>
    %dma_start3A_520 = arith.constant 0 : i32
    %dma_start3A_521 = arith.constant 0 : i32
    %dma_start3A_522 = tpu.memref_slice %arg3[%dma_start3A_520, %dma_start3A_521] : memref<100000x1024xf32, #tpu.memory_space<hbm>> -> memref<100000x1024xf32, #tpu.memory_space<hbm>>
    tpu.enqueue_indirect_dma source(%dma_start3A_522 : memref<100000x1024xf32, #tpu.memory_space<hbm>>) target(%dma_start3A_517 : memref<16x1024xf32, #tpu.memory_space<vmem>>) offsets(%dma_start3A_519 : memref<16xi32, #tpu.memory_space<vmem>>) semaphore(%arg10 : memref<!tpu.dma_semaphore, #tpu.memory_space<semaphore_mem>>)
    %dma_wait3A_523 = arith.constant 2 : i32
    %dma_wait3A_524 = arith.constant 0 : i32
    %dma_wait3A_525 = arith.constant 0 : i32
    %dma_wait3A_526 = tpu.memref_slice %arg8[%dma_wait3A_523, %dma_wait3A_524, %dma_wait3A_525] : memref<5x16x1024xf32, #tpu.memory_space<vmem>> -> memref<1x16x1024xf32, #tpu.memory_space<vmem>>
    %dma_wait3A_527 = tpu.memref_squeeze %dma_wait3A_526 : memref<1x16x1024xf32, #tpu.memory_space<vmem>> -> memref<16x1024xf32, #tpu.memory_space<vmem>>
    %dma_wait3A_528 = arith.constant 208 : i32
    %dma_wait3A_529 = tpu.memref_slice %arg6[%dma_wait3A_528] : memref<256xi32, #tpu.memory_space<vmem>> -> memref<16xi32, #tpu.memory_space<vmem>>
    %dma_wait3A_530 = arith.constant 0 : i32
    %dma_wait3A_531 = arith.constant 0 : i32
    %dma_wait3A_532 = tpu.memref_slice %arg3[%dma_wait3A_530, %dma_wait3A_531] : memref<100000x1024xf32, #tpu.memory_space<hbm>> -> memref<100000x1024xf32, #tpu.memory_space<hbm>>
    tpu.wait_indirect_dma semaphore(%arg11 : memref<!tpu.dma_semaphore, #tpu.memory_space<semaphore_mem>>) src(%dma_wait3A_532 : memref<100000x1024xf32, #tpu.memory_space<hbm>>) dst(%dma_wait3A_527 : memref<16x1024xf32, #tpu.memory_space<vmem>>)
    %parallel_loop3A_533 = arith.constant 0 : i32
    %parallel_loop3A_534 = arith.constant 1024 : i32
    %parallel_loop3A_535 = arith.constant 1 : i32
    scf.for %parallel_loop3A_1027 = %parallel_loop3A_533 to %parallel_loop3A_534 step %parallel_loop3A_535  : i32 {
      %parallel_loop3A_1028 = arith.constant 6 : i32
      %parallel_loop3A_1029 = arith.shrsi %parallel_loop3A_1027, %parallel_loop3A_1028 : i32
      %parallel_loop3A_1030 = arith.constant 63 : i32
      %parallel_loop3A_1031 = arith.andi %parallel_loop3A_1027, %parallel_loop3A_1030 : i32
      %parallel_loop3A_1032 = arith.constant 16 : i32
      %parallel_loop3A_1033 = arith.muli %parallel_loop3A_1031, %parallel_loop3A_1032 : i32
      %parallel_loop3A_1034 = arith.constant 1 : i32
      %parallel_loop3A_1035 = arith.index_cast %parallel_loop3A_1034 : i32 to index
      %parallel_loop3A_1036 = arith.index_cast %parallel_loop3A_1029 : i32 to index
      %parallel_loop3A_1037 = arith.index_cast %parallel_loop3A_1033 : i32 to index
      %parallel_loop3A_1038 = tpu.vector_load %arg7[%parallel_loop3A_1035, %parallel_loop3A_1036, %parallel_loop3A_1037] {strides = array<i32>} : memref<2x16x1024xf32, #tpu.memory_space<vmem>>, vector<1x1x16xf32>,
      %parallel_loop3A_1039 = vector.shape_cast %parallel_loop3A_1038 : vector<1x1x16xf32> to vector<16xf32>
      %parallel_loop3A_1040 = arith.constant 2 : i32
      %parallel_loop3A_1041 = arith.index_cast %parallel_loop3A_1040 : i32 to index
      %parallel_loop3A_1042 = arith.index_cast %parallel_loop3A_1029 : i32 to index
      %parallel_loop3A_1043 = arith.index_cast %parallel_loop3A_1033 : i32 to index
      %parallel_loop3A_1044 = tpu.vector_load %arg8[%parallel_loop3A_1041, %parallel_loop3A_1042, %parallel_loop3A_1043] {strides = array<i32>} : memref<5x16x1024xf32, #tpu.memory_space<vmem>>, vector<1x1x16xf32>,
      %parallel_loop3A_1045 = vector.shape_cast %parallel_loop3A_1044 : vector<1x1x16xf32> to vector<16xf32>
      %parallel_loop3A_1046 = vector.shape_cast %parallel_loop3A_1039 : vector<16xf32> to vector<1x1x16xf32>
      tpu.vector_store %arg8[%parallel_loop3A_1041, %parallel_loop3A_1042, %parallel_loop3A_1043], %parallel_loop3A_1046 {add = true, strides = array<i32>} : memref<5x16x1024xf32, #tpu.memory_space<vmem>>, vector<1x1x16xf32>,
    } {sc.loop_unroll_factor = 8 : i64, sc.parallel_access}
    %add3A_536 = arith.constant 16 : i32
    %add3A_537 = arith.addi %mul3A_2, %add3A_536 : i32
    %dma_start3A_538 = arith.constant 2 : i32
    %dma_start3A_539 = arith.constant 3 : i32
    %dma_start3A_540 = arith.constant 0 : i32
    %dma_start3A_541 = arith.constant 0 : i32
    %dma_start3A_542 = tpu.memref_slice %arg8[%dma_start3A_538, %dma_start3A_540, %dma_start3A_541] : memref<5x16x1024xf32, #tpu.memory_space<vmem>> -> memref<1x16x1024xf32, #tpu.memory_space<vmem>>
    %dma_start3A_543 = tpu.memref_squeeze %dma_start3A_542 : memref<1x16x1024xf32, #tpu.memory_space<vmem>> -> memref<16x1024xf32, #tpu.memory_space<vmem>>
    %dma_start3A_544 = arith.constant 0 : i32
    %dma_start3A_545 = tpu.memref_slice %arg5[%dma_start3A_539, %add3A_537, %dma_start3A_544] : memref<4x2048x1024xf32, #tpu.memory_space<hbm>> -> memref<1x16x1024xf32, #tpu.memory_space<hbm>>
    %dma_start3A_546 = tpu.memref_squeeze %dma_start3A_545 : memref<1x16x1024xf32, #tpu.memory_space<hbm>> -> memref<16x1024xf32, #tpu.memory_space<hbm>>
    %dma_start3A_547 = arith.constant 0 : i32
    %dma_start3A_548 = tpu.memref_slice %arg5[%dma_start3A_539, %add3A_537, %dma_start3A_547] : memref<4x2048x1024xf32, #tpu.memory_space<hbm>> -> memref<1x16x1024xf32, #tpu.memory_space<hbm>>
    %dma_start3A_549 = tpu.memref_squeeze %dma_start3A_548 : memref<1x16x1024xf32, #tpu.memory_space<hbm>> -> memref<16x1024xf32, #tpu.memory_space<hbm>>
    %dma_start3A_550 = arith.constant 0 : i32
    %dma_start3A_551 = arith.constant 0 : i32
    %dma_start3A_552 = tpu.memref_slice %arg8[%dma_start3A_538, %dma_start3A_550, %dma_start3A_551] : memref<5x16x1024xf32, #tpu.memory_space<vmem>> -> memref<1x16x1024xf32, #tpu.memory_space<vmem>>
    %dma_start3A_553 = tpu.memref_squeeze %dma_start3A_552 : memref<1x16x1024xf32, #tpu.memory_space<vmem>> -> memref<16x1024xf32, #tpu.memory_space<vmem>>
    tpu.enqueue_dma source(%dma_start3A_553 : memref<16x1024xf32, #tpu.memory_space<vmem>>) target(%dma_start3A_549 : memref<16x1024xf32, #tpu.memory_space<hbm>>) target_semaphore(%arg16 : memref<!tpu.dma_semaphore, #tpu.memory_space<semaphore_mem>>)
    %dma_wait3A_554 = arith.constant 2 : i32
    %dma_wait3A_555 = arith.constant 3 : i32
    %dma_wait3A_556 = arith.constant 0 : i32
    %dma_wait3A_557 = arith.constant 0 : i32
    %dma_wait3A_558 = tpu.memref_slice %arg8[%dma_wait3A_554, %dma_wait3A_556, %dma_wait3A_557] : memref<5x16x1024xf32, #tpu.memory_space<vmem>> -> memref<1x16x1024xf32, #tpu.memory_space<vmem>>
    %dma_wait3A_559 = tpu.memref_squeeze %dma_wait3A_558 : memref<1x16x1024xf32, #tpu.memory_space<vmem>> -> memref<16x1024xf32, #tpu.memory_space<vmem>>
    %dma_wait3A_560 = arith.constant 0 : i32
    %dma_wait3A_561 = tpu.memref_slice %arg5[%dma_wait3A_555, %add3A_537, %dma_wait3A_560] : memref<4x2048x1024xf32, #tpu.memory_space<hbm>> -> memref<1x16x1024xf32, #tpu.memory_space<hbm>>
    %dma_wait3A_562 = tpu.memref_squeeze %dma_wait3A_561 : memref<1x16x1024xf32, #tpu.memory_space<hbm>> -> memref<16x1024xf32, #tpu.memory_space<hbm>>
    %dma_wait3A_563 = arith.constant 0 : i32
    %dma_wait3A_564 = tpu.memref_slice %arg5[%dma_wait3A_555, %add3A_537, %dma_wait3A_563] : memref<4x2048x1024xf32, #tpu.memory_space<hbm>> -> memref<1x16x1024xf32, #tpu.memory_space<hbm>>
    %dma_wait3A_565 = tpu.memref_squeeze %dma_wait3A_564 : memref<1x16x1024xf32, #tpu.memory_space<hbm>> -> memref<16x1024xf32, #tpu.memory_space<hbm>>
    %dma_wait3A_566 = arith.constant 0 : i32
    %dma_wait3A_567 = arith.constant 0 : i32
    %dma_wait3A_568 = tpu.memref_slice %arg8[%dma_wait3A_554, %dma_wait3A_566, %dma_wait3A_567] : memref<5x16x1024xf32, #tpu.memory_space<vmem>> -> memref<1x16x1024xf32, #tpu.memory_space<vmem>>
    %dma_wait3A_569 = tpu.memref_squeeze %dma_wait3A_568 : memref<1x16x1024xf32, #tpu.memory_space<vmem>> -> memref<16x1024xf32, #tpu.memory_space<vmem>>
    tpu.wait_dma2 semaphore(%arg16 : memref<!tpu.dma_semaphore, #tpu.memory_space<semaphore_mem>>) src(%dma_wait3A_569 : memref<16x1024xf32, #tpu.memory_space<vmem>>) dst(%dma_wait3A_565 : memref<16x1024xf32, #tpu.memory_space<hbm>>)
    %dma_start3A_570 = arith.constant 2 : i32
    %dma_start3A_571 = arith.constant 0 : i32
    %dma_start3A_572 = arith.constant 0 : i32
    %dma_start3A_573 = tpu.memref_slice %arg8[%dma_start3A_570, %dma_start3A_571, %dma_start3A_572] : memref<5x16x1024xf32, #tpu.memory_space<vmem>> -> memref<1x16x1024xf32, #tpu.memory_space<vmem>>
    %dma_start3A_574 = tpu.memref_squeeze %dma_start3A_573 : memref<1x16x1024xf32, #tpu.memory_space<vmem>> -> memref<16x1024xf32, #tpu.memory_space<vmem>>
    %dma_start3A_575 = arith.constant 48 : i32
    %dma_start3A_576 = tpu.memref_slice %arg6[%dma_start3A_575] : memref<256xi32, #tpu.memory_space<vmem>> -> memref<16xi32, #tpu.memory_space<vmem>>
    %dma_start3A_577 = arith.constant 0 : i32
    %dma_start3A_578 = arith.constant 0 : i32
    %dma_start3A_579 = tpu.memref_slice %arg3[%dma_start3A_577, %dma_start3A_578] : memref<100000x1024xf32, #tpu.memory_space<hbm>> -> memref<100000x1024xf32, #tpu.memory_space<hbm>>
    tpu.enqueue_indirect_dma source(%dma_start3A_579 : memref<100000x1024xf32, #tpu.memory_space<hbm>>) target(%dma_start3A_574 : memref<16x1024xf32, #tpu.memory_space<vmem>>) offsets(%dma_start3A_576 : memref<16xi32, #tpu.memory_space<vmem>>) semaphore(%arg11 : memref<!tpu.dma_semaphore, #tpu.memory_space<semaphore_mem>>)
    %add3A_580 = arith.constant 48 : i32
    %add3A_581 = arith.addi %mul3A_2, %add3A_580 : i32
    %dma_start3A_582 = arith.constant 1 : i32
    %dma_start3A_583 = arith.constant 0 : i32
    %dma_start3A_584 = arith.constant 0 : i32
    %dma_start3A_585 = tpu.memref_slice %arg7[%dma_start3A_582, %dma_start3A_583, %dma_start3A_584] : memref<2x16x1024xf32, #tpu.memory_space<vmem>> -> memref<1x16x1024xf32, #tpu.memory_space<vmem>>
    %dma_start3A_586 = tpu.memref_squeeze %dma_start3A_585 : memref<1x16x1024xf32, #tpu.memory_space<vmem>> -> memref<16x1024xf32, #tpu.memory_space<vmem>>
    %dma_start3A_587 = arith.constant 0 : i32
    %dma_start3A_588 = tpu.memref_slice %arg4[%add3A_581, %dma_start3A_587] : memref<2048x1024xf32, #tpu.memory_space<hbm>> -> memref<16x1024xf32, #tpu.memory_space<hbm>>
    %dma_start3A_589 = arith.constant 0 : i32
    %dma_start3A_590 = arith.constant 0 : i32
    %dma_start3A_591 = tpu.memref_slice %arg7[%dma_start3A_582, %dma_start3A_589, %dma_start3A_590] : memref<2x16x1024xf32, #tpu.memory_space<vmem>> -> memref<1x16x1024xf32, #tpu.memory_space<vmem>>
    %dma_start3A_592 = tpu.memref_squeeze %dma_start3A_591 : memref<1x16x1024xf32, #tpu.memory_space<vmem>> -> memref<16x1024xf32, #tpu.memory_space<vmem>>
    %dma_start3A_593 = arith.constant 0 : i32
    %dma_start3A_594 = tpu.memref_slice %arg4[%add3A_581, %dma_start3A_593] : memref<2048x1024xf32, #tpu.memory_space<hbm>> -> memref<16x1024xf32, #tpu.memory_space<hbm>>
    tpu.enqueue_dma source(%dma_start3A_594 : memref<16x1024xf32, #tpu.memory_space<hbm>>) target(%dma_start3A_592 : memref<16x1024xf32, #tpu.memory_space<vmem>>) target_semaphore(%arg20 : memref<!tpu.dma_semaphore, #tpu.memory_space<semaphore_mem>>)
    %dma_wait3A_595 = arith.constant 0 : i32
    %dma_wait3A_596 = arith.constant 0 : i32
    %dma_wait3A_597 = arith.constant 0 : i32
    %dma_wait3A_598 = tpu.memref_slice %arg7[%dma_wait3A_595, %dma_wait3A_596, %dma_wait3A_597] : memref<2x16x1024xf32, #tpu.memory_space<vmem>> -> memref<1x16x1024xf32, #tpu.memory_space<vmem>>
    %dma_wait3A_599 = tpu.memref_squeeze %dma_wait3A_598 : memref<1x16x1024xf32, #tpu.memory_space<vmem>> -> memref<16x1024xf32, #tpu.memory_space<vmem>>
    %dma_wait3A_600 = arith.constant 0 : i32
    %dma_wait3A_601 = tpu.memref_slice %arg4[%add3A_325, %dma_wait3A_600] : memref<2048x1024xf32, #tpu.memory_space<hbm>> -> memref<16x1024xf32, #tpu.memory_space<hbm>>
    %dma_wait3A_602 = arith.constant 0 : i32
    %dma_wait3A_603 = arith.constant 0 : i32
    %dma_wait3A_604 = tpu.memref_slice %arg7[%dma_wait3A_595, %dma_wait3A_602, %dma_wait3A_603] : memref<2x16x1024xf32, #tpu.memory_space<vmem>> -> memref<1x16x1024xf32, #tpu.memory_space<vmem>>
    %dma_wait3A_605 = tpu.memref_squeeze %dma_wait3A_604 : memref<1x16x1024xf32, #tpu.memory_space<vmem>> -> memref<16x1024xf32, #tpu.memory_space<vmem>>
    %dma_wait3A_606 = arith.constant 0 : i32
    %dma_wait3A_607 = tpu.memref_slice %arg4[%add3A_325, %dma_wait3A_606] : memref<2048x1024xf32, #tpu.memory_space<hbm>> -> memref<16x1024xf32, #tpu.memory_space<hbm>>
    tpu.wait_dma2 semaphore(%arg19 : memref<!tpu.dma_semaphore, #tpu.memory_space<semaphore_mem>>) src(%dma_wait3A_607 : memref<16x1024xf32, #tpu.memory_space<hbm>>) dst(%dma_wait3A_605 : memref<16x1024xf32, #tpu.memory_space<vmem>>)
    %dma_wait3A_608 = arith.constant 3 : i32
    %dma_wait3A_609 = arith.constant 0 : i32
    %dma_wait3A_610 = arith.constant 0 : i32
    %dma_wait3A_611 = tpu.memref_slice %arg8[%dma_wait3A_608, %dma_wait3A_609, %dma_wait3A_610] : memref<5x16x1024xf32, #tpu.memory_space<vmem>> -> memref<1x16x1024xf32, #tpu.memory_space<vmem>>
    %dma_wait3A_612 = tpu.memref_squeeze %dma_wait3A_611 : memref<1x16x1024xf32, #tpu.memory_space<vmem>> -> memref<16x1024xf32, #tpu.memory_space<vmem>>
    %dma_wait3A_613 = arith.constant 32 : i32
    %dma_wait3A_614 = tpu.memref_slice %arg6[%dma_wait3A_613] : memref<256xi32, #tpu.memory_space<vmem>> -> memref<16xi32, #tpu.memory_space<vmem>>
    %dma_wait3A_615 = arith.constant 0 : i32
    %dma_wait3A_616 = arith.constant 0 : i32
    %dma_wait3A_617 = tpu.memref_slice %arg3[%dma_wait3A_615, %dma_wait3A_616] : memref<100000x1024xf32, #tpu.memory_space<hbm>> -> memref<100000x1024xf32, #tpu.memory_space<hbm>>
    tpu.wait_indirect_dma semaphore(%arg12 : memref<!tpu.dma_semaphore, #tpu.memory_space<semaphore_mem>>) src(%dma_wait3A_617 : memref<100000x1024xf32, #tpu.memory_space<hbm>>) dst(%dma_wait3A_612 : memref<16x1024xf32, #tpu.memory_space<vmem>>)
    %parallel_loop3A_618 = arith.constant 0 : i32
    %parallel_loop3A_619 = arith.constant 1024 : i32
    %parallel_loop3A_620 = arith.constant 1 : i32
    scf.for %parallel_loop3A_1027 = %parallel_loop3A_618 to %parallel_loop3A_619 step %parallel_loop3A_620  : i32 {
      %parallel_loop3A_1028 = arith.constant 6 : i32
      %parallel_loop3A_1029 = arith.shrsi %parallel_loop3A_1027, %parallel_loop3A_1028 : i32
      %parallel_loop3A_1030 = arith.constant 63 : i32
      %parallel_loop3A_1031 = arith.andi %parallel_loop3A_1027, %parallel_loop3A_1030 : i32
      %parallel_loop3A_1032 = arith.constant 16 : i32
      %parallel_loop3A_1033 = arith.muli %parallel_loop3A_1031, %parallel_loop3A_1032 : i32
      %parallel_loop3A_1034 = arith.constant 0 : i32
      %parallel_loop3A_1035 = arith.index_cast %parallel_loop3A_1034 : i32 to index
      %parallel_loop3A_1036 = arith.index_cast %parallel_loop3A_1029 : i32 to index
      %parallel_loop3A_1037 = arith.index_cast %parallel_loop3A_1033 : i32 to index
      %parallel_loop3A_1038 = tpu.vector_load %arg7[%parallel_loop3A_1035, %parallel_loop3A_1036, %parallel_loop3A_1037] {strides = array<i32>} : memref<2x16x1024xf32, #tpu.memory_space<vmem>>, vector<1x1x16xf32>,
      %parallel_loop3A_1039 = vector.shape_cast %parallel_loop3A_1038 : vector<1x1x16xf32> to vector<16xf32>
      %parallel_loop3A_1040 = arith.constant 3 : i32
      %parallel_loop3A_1041 = arith.index_cast %parallel_loop3A_1040 : i32 to index
      %parallel_loop3A_1042 = arith.index_cast %parallel_loop3A_1029 : i32 to index
      %parallel_loop3A_1043 = arith.index_cast %parallel_loop3A_1033 : i32 to index
      %parallel_loop3A_1044 = tpu.vector_load %arg8[%parallel_loop3A_1041, %parallel_loop3A_1042, %parallel_loop3A_1043] {strides = array<i32>} : memref<5x16x1024xf32, #tpu.memory_space<vmem>>, vector<1x1x16xf32>,
      %parallel_loop3A_1045 = vector.shape_cast %parallel_loop3A_1044 : vector<1x1x16xf32> to vector<16xf32>
      %parallel_loop3A_1046 = vector.shape_cast %parallel_loop3A_1039 : vector<16xf32> to vector<1x1x16xf32>
      tpu.vector_store %arg8[%parallel_loop3A_1041, %parallel_loop3A_1042, %parallel_loop3A_1043], %parallel_loop3A_1046 {add = true, strides = array<i32>} : memref<5x16x1024xf32, #tpu.memory_space<vmem>>, vector<1x1x16xf32>,
    } {sc.loop_unroll_factor = 8 : i64, sc.parallel_access}
    %add3A_621 = arith.constant 32 : i32
    %add3A_622 = arith.addi %mul3A_2, %add3A_621 : i32
    %dma_start3A_623 = arith.constant 3 : i32
    %dma_start3A_624 = arith.constant 0 : i32
    %dma_start3A_625 = arith.constant 0 : i32
    %dma_start3A_626 = arith.constant 0 : i32
    %dma_start3A_627 = tpu.memref_slice %arg8[%dma_start3A_623, %dma_start3A_625, %dma_start3A_626] : memref<5x16x1024xf32, #tpu.memory_space<vmem>> -> memref<1x16x1024xf32, #tpu.memory_space<vmem>>
    %dma_start3A_628 = tpu.memref_squeeze %dma_start3A_627 : memref<1x16x1024xf32, #tpu.memory_space<vmem>> -> memref<16x1024xf32, #tpu.memory_space<vmem>>
    %dma_start3A_629 = arith.constant 0 : i32
    %dma_start3A_630 = tpu.memref_slice %arg5[%dma_start3A_624, %add3A_622, %dma_start3A_629] : memref<4x2048x1024xf32, #tpu.memory_space<hbm>> -> memref<1x16x1024xf32, #tpu.memory_space<hbm>>
    %dma_start3A_631 = tpu.memref_squeeze %dma_start3A_630 : memref<1x16x1024xf32, #tpu.memory_space<hbm>> -> memref<16x1024xf32, #tpu.memory_space<hbm>>
    %dma_start3A_632 = arith.constant 0 : i32
    %dma_start3A_633 = tpu.memref_slice %arg5[%dma_start3A_624, %add3A_622, %dma_start3A_632] : memref<4x2048x1024xf32, #tpu.memory_space<hbm>> -> memref<1x16x1024xf32, #tpu.memory_space<hbm>>
    %dma_start3A_634 = tpu.memref_squeeze %dma_start3A_633 : memref<1x16x1024xf32, #tpu.memory_space<hbm>> -> memref<16x1024xf32, #tpu.memory_space<hbm>>
    %dma_start3A_635 = arith.constant 0 : i32
    %dma_start3A_636 = arith.constant 0 : i32
    %dma_start3A_637 = tpu.memref_slice %arg8[%dma_start3A_623, %dma_start3A_635, %dma_start3A_636] : memref<5x16x1024xf32, #tpu.memory_space<vmem>> -> memref<1x16x1024xf32, #tpu.memory_space<vmem>>
    %dma_start3A_638 = tpu.memref_squeeze %dma_start3A_637 : memref<1x16x1024xf32, #tpu.memory_space<vmem>> -> memref<16x1024xf32, #tpu.memory_space<vmem>>
    tpu.enqueue_dma source(%dma_start3A_638 : memref<16x1024xf32, #tpu.memory_space<vmem>>) target(%dma_start3A_634 : memref<16x1024xf32, #tpu.memory_space<hbm>>) target_semaphore(%arg17 : memref<!tpu.dma_semaphore, #tpu.memory_space<semaphore_mem>>)
    %dma_wait3A_639 = arith.constant 3 : i32
    %dma_wait3A_640 = arith.constant 0 : i32
    %dma_wait3A_641 = arith.constant 0 : i32
    %dma_wait3A_642 = arith.constant 0 : i32
    %dma_wait3A_643 = tpu.memref_slice %arg8[%dma_wait3A_639, %dma_wait3A_641, %dma_wait3A_642] : memref<5x16x1024xf32, #tpu.memory_space<vmem>> -> memref<1x16x1024xf32, #tpu.memory_space<vmem>>
    %dma_wait3A_644 = tpu.memref_squeeze %dma_wait3A_643 : memref<1x16x1024xf32, #tpu.memory_space<vmem>> -> memref<16x1024xf32, #tpu.memory_space<vmem>>
    %dma_wait3A_645 = arith.constant 0 : i32
    %dma_wait3A_646 = tpu.memref_slice %arg5[%dma_wait3A_640, %add3A_622, %dma_wait3A_645] : memref<4x2048x1024xf32, #tpu.memory_space<hbm>> -> memref<1x16x1024xf32, #tpu.memory_space<hbm>>
    %dma_wait3A_647 = tpu.memref_squeeze %dma_wait3A_646 : memref<1x16x1024xf32, #tpu.memory_space<hbm>> -> memref<16x1024xf32, #tpu.memory_space<hbm>>
    %dma_wait3A_648 = arith.constant 0 : i32
    %dma_wait3A_649 = tpu.memref_slice %arg5[%dma_wait3A_640, %add3A_622, %dma_wait3A_648] : memref<4x2048x1024xf32, #tpu.memory_space<hbm>> -> memref<1x16x1024xf32, #tpu.memory_space<hbm>>
    %dma_wait3A_650 = tpu.memref_squeeze %dma_wait3A_649 : memref<1x16x1024xf32, #tpu.memory_space<hbm>> -> memref<16x1024xf32, #tpu.memory_space<hbm>>
    %dma_wait3A_651 = arith.constant 0 : i32
    %dma_wait3A_652 = arith.constant 0 : i32
    %dma_wait3A_653 = tpu.memref_slice %arg8[%dma_wait3A_639, %dma_wait3A_651, %dma_wait3A_652] : memref<5x16x1024xf32, #tpu.memory_space<vmem>> -> memref<1x16x1024xf32, #tpu.memory_space<vmem>>
    %dma_wait3A_654 = tpu.memref_squeeze %dma_wait3A_653 : memref<1x16x1024xf32, #tpu.memory_space<vmem>> -> memref<16x1024xf32, #tpu.memory_space<vmem>>
    tpu.wait_dma2 semaphore(%arg17 : memref<!tpu.dma_semaphore, #tpu.memory_space<semaphore_mem>>) src(%dma_wait3A_654 : memref<16x1024xf32, #tpu.memory_space<vmem>>) dst(%dma_wait3A_650 : memref<16x1024xf32, #tpu.memory_space<hbm>>)
    %dma_start3A_655 = arith.constant 3 : i32
    %dma_start3A_656 = arith.constant 0 : i32
    %dma_start3A_657 = arith.constant 0 : i32
    %dma_start3A_658 = tpu.memref_slice %arg8[%dma_start3A_655, %dma_start3A_656, %dma_start3A_657] : memref<5x16x1024xf32, #tpu.memory_space<vmem>> -> memref<1x16x1024xf32, #tpu.memory_space<vmem>>
    %dma_start3A_659 = tpu.memref_squeeze %dma_start3A_658 : memref<1x16x1024xf32, #tpu.memory_space<vmem>> -> memref<16x1024xf32, #tpu.memory_space<vmem>>
    %dma_start3A_660 = arith.constant 112 : i32
    %dma_start3A_661 = tpu.memref_slice %arg6[%dma_start3A_660] : memref<256xi32, #tpu.memory_space<vmem>> -> memref<16xi32, #tpu.memory_space<vmem>>
    %dma_start3A_662 = arith.constant 0 : i32
    %dma_start3A_663 = arith.constant 0 : i32
    %dma_start3A_664 = tpu.memref_slice %arg3[%dma_start3A_662, %dma_start3A_663] : memref<100000x1024xf32, #tpu.memory_space<hbm>> -> memref<100000x1024xf32, #tpu.memory_space<hbm>>
    tpu.enqueue_indirect_dma source(%dma_start3A_664 : memref<100000x1024xf32, #tpu.memory_space<hbm>>) target(%dma_start3A_659 : memref<16x1024xf32, #tpu.memory_space<vmem>>) offsets(%dma_start3A_661 : memref<16xi32, #tpu.memory_space<vmem>>) semaphore(%arg12 : memref<!tpu.dma_semaphore, #tpu.memory_space<semaphore_mem>>)
    %dma_wait3A_665 = arith.constant 4 : i32
    %dma_wait3A_666 = arith.constant 0 : i32
    %dma_wait3A_667 = arith.constant 0 : i32
    %dma_wait3A_668 = tpu.memref_slice %arg8[%dma_wait3A_665, %dma_wait3A_666, %dma_wait3A_667] : memref<5x16x1024xf32, #tpu.memory_space<vmem>> -> memref<1x16x1024xf32, #tpu.memory_space<vmem>>
    %dma_wait3A_669 = tpu.memref_squeeze %dma_wait3A_668 : memref<1x16x1024xf32, #tpu.memory_space<vmem>> -> memref<16x1024xf32, #tpu.memory_space<vmem>>
    %dma_wait3A_670 = arith.constant 96 : i32
    %dma_wait3A_671 = tpu.memref_slice %arg6[%dma_wait3A_670] : memref<256xi32, #tpu.memory_space<vmem>> -> memref<16xi32, #tpu.memory_space<vmem>>
    %dma_wait3A_672 = arith.constant 0 : i32
    %dma_wait3A_673 = arith.constant 0 : i32
    %dma_wait3A_674 = tpu.memref_slice %arg3[%dma_wait3A_672, %dma_wait3A_673] : memref<100000x1024xf32, #tpu.memory_space<hbm>> -> memref<100000x1024xf32, #tpu.memory_space<hbm>>
    tpu.wait_indirect_dma semaphore(%arg13 : memref<!tpu.dma_semaphore, #tpu.memory_space<semaphore_mem>>) src(%dma_wait3A_674 : memref<100000x1024xf32, #tpu.memory_space<hbm>>) dst(%dma_wait3A_669 : memref<16x1024xf32, #tpu.memory_space<vmem>>)
    %parallel_loop3A_675 = arith.constant 0 : i32
    %parallel_loop3A_676 = arith.constant 1024 : i32
    %parallel_loop3A_677 = arith.constant 1 : i32
    scf.for %parallel_loop3A_1027 = %parallel_loop3A_675 to %parallel_loop3A_676 step %parallel_loop3A_677  : i32 {
      %parallel_loop3A_1028 = arith.constant 6 : i32
      %parallel_loop3A_1029 = arith.shrsi %parallel_loop3A_1027, %parallel_loop3A_1028 : i32
      %parallel_loop3A_1030 = arith.constant 63 : i32
      %parallel_loop3A_1031 = arith.andi %parallel_loop3A_1027, %parallel_loop3A_1030 : i32
      %parallel_loop3A_1032 = arith.constant 16 : i32
      %parallel_loop3A_1033 = arith.muli %parallel_loop3A_1031, %parallel_loop3A_1032 : i32
      %parallel_loop3A_1034 = arith.constant 0 : i32
      %parallel_loop3A_1035 = arith.index_cast %parallel_loop3A_1034 : i32 to index
      %parallel_loop3A_1036 = arith.index_cast %parallel_loop3A_1029 : i32 to index
      %parallel_loop3A_1037 = arith.index_cast %parallel_loop3A_1033 : i32 to index
      %parallel_loop3A_1038 = tpu.vector_load %arg7[%parallel_loop3A_1035, %parallel_loop3A_1036, %parallel_loop3A_1037] {strides = array<i32>} : memref<2x16x1024xf32, #tpu.memory_space<vmem>>, vector<1x1x16xf32>,
      %parallel_loop3A_1039 = vector.shape_cast %parallel_loop3A_1038 : vector<1x1x16xf32> to vector<16xf32>
      %parallel_loop3A_1040 = arith.constant 4 : i32
      %parallel_loop3A_1041 = arith.index_cast %parallel_loop3A_1040 : i32 to index
      %parallel_loop3A_1042 = arith.index_cast %parallel_loop3A_1029 : i32 to index
      %parallel_loop3A_1043 = arith.index_cast %parallel_loop3A_1033 : i32 to index
      %parallel_loop3A_1044 = tpu.vector_load %arg8[%parallel_loop3A_1041, %parallel_loop3A_1042, %parallel_loop3A_1043] {strides = array<i32>} : memref<5x16x1024xf32, #tpu.memory_space<vmem>>, vector<1x1x16xf32>,
      %parallel_loop3A_1045 = vector.shape_cast %parallel_loop3A_1044 : vector<1x1x16xf32> to vector<16xf32>
      %parallel_loop3A_1046 = vector.shape_cast %parallel_loop3A_1039 : vector<16xf32> to vector<1x1x16xf32>
      tpu.vector_store %arg8[%parallel_loop3A_1041, %parallel_loop3A_1042, %parallel_loop3A_1043], %parallel_loop3A_1046 {add = true, strides = array<i32>} : memref<5x16x1024xf32, #tpu.memory_space<vmem>>, vector<1x1x16xf32>,
    } {sc.loop_unroll_factor = 8 : i64, sc.parallel_access}
    %add3A_678 = arith.constant 32 : i32
    %add3A_679 = arith.addi %mul3A_2, %add3A_678 : i32
    %dma_start3A_680 = arith.constant 4 : i32
    %dma_start3A_681 = arith.constant 1 : i32
    %dma_start3A_682 = arith.constant 0 : i32
    %dma_start3A_683 = arith.constant 0 : i32
    %dma_start3A_684 = tpu.memref_slice %arg8[%dma_start3A_680, %dma_start3A_682, %dma_start3A_683] : memref<5x16x1024xf32, #tpu.memory_space<vmem>> -> memref<1x16x1024xf32, #tpu.memory_space<vmem>>
    %dma_start3A_685 = tpu.memref_squeeze %dma_start3A_684 : memref<1x16x1024xf32, #tpu.memory_space<vmem>> -> memref<16x1024xf32, #tpu.memory_space<vmem>>
    %dma_start3A_686 = arith.constant 0 : i32
    %dma_start3A_687 = tpu.memref_slice %arg5[%dma_start3A_681, %add3A_679, %dma_start3A_686] : memref<4x2048x1024xf32, #tpu.memory_space<hbm>> -> memref<1x16x1024xf32, #tpu.memory_space<hbm>>
    %dma_start3A_688 = tpu.memref_squeeze %dma_start3A_687 : memref<1x16x1024xf32, #tpu.memory_space<hbm>> -> memref<16x1024xf32, #tpu.memory_space<hbm>>
    %dma_start3A_689 = arith.constant 0 : i32
    %dma_start3A_690 = tpu.memref_slice %arg5[%dma_start3A_681, %add3A_679, %dma_start3A_689] : memref<4x2048x1024xf32, #tpu.memory_space<hbm>> -> memref<1x16x1024xf32, #tpu.memory_space<hbm>>
    %dma_start3A_691 = tpu.memref_squeeze %dma_start3A_690 : memref<1x16x1024xf32, #tpu.memory_space<hbm>> -> memref<16x1024xf32, #tpu.memory_space<hbm>>
    %dma_start3A_692 = arith.constant 0 : i32
    %dma_start3A_693 = arith.constant 0 : i32
    %dma_start3A_694 = tpu.memref_slice %arg8[%dma_start3A_680, %dma_start3A_692, %dma_start3A_693] : memref<5x16x1024xf32, #tpu.memory_space<vmem>> -> memref<1x16x1024xf32, #tpu.memory_space<vmem>>
    %dma_start3A_695 = tpu.memref_squeeze %dma_start3A_694 : memref<1x16x1024xf32, #tpu.memory_space<vmem>> -> memref<16x1024xf32, #tpu.memory_space<vmem>>
    tpu.enqueue_dma source(%dma_start3A_695 : memref<16x1024xf32, #tpu.memory_space<vmem>>) target(%dma_start3A_691 : memref<16x1024xf32, #tpu.memory_space<hbm>>) target_semaphore(%arg18 : memref<!tpu.dma_semaphore, #tpu.memory_space<semaphore_mem>>)
    %dma_wait3A_696 = arith.constant 4 : i32
    %dma_wait3A_697 = arith.constant 1 : i32
    %dma_wait3A_698 = arith.constant 0 : i32
    %dma_wait3A_699 = arith.constant 0 : i32
    %dma_wait3A_700 = tpu.memref_slice %arg8[%dma_wait3A_696, %dma_wait3A_698, %dma_wait3A_699] : memref<5x16x1024xf32, #tpu.memory_space<vmem>> -> memref<1x16x1024xf32, #tpu.memory_space<vmem>>
    %dma_wait3A_701 = tpu.memref_squeeze %dma_wait3A_700 : memref<1x16x1024xf32, #tpu.memory_space<vmem>> -> memref<16x1024xf32, #tpu.memory_space<vmem>>
    %dma_wait3A_702 = arith.constant 0 : i32
    %dma_wait3A_703 = tpu.memref_slice %arg5[%dma_wait3A_697, %add3A_679, %dma_wait3A_702] : memref<4x2048x1024xf32, #tpu.memory_space<hbm>> -> memref<1x16x1024xf32, #tpu.memory_space<hbm>>
    %dma_wait3A_704 = tpu.memref_squeeze %dma_wait3A_703 : memref<1x16x1024xf32, #tpu.memory_space<hbm>> -> memref<16x1024xf32, #tpu.memory_space<hbm>>
    %dma_wait3A_705 = arith.constant 0 : i32
    %dma_wait3A_706 = tpu.memref_slice %arg5[%dma_wait3A_697, %add3A_679, %dma_wait3A_705] : memref<4x2048x1024xf32, #tpu.memory_space<hbm>> -> memref<1x16x1024xf32, #tpu.memory_space<hbm>>
    %dma_wait3A_707 = tpu.memref_squeeze %dma_wait3A_706 : memref<1x16x1024xf32, #tpu.memory_space<hbm>> -> memref<16x1024xf32, #tpu.memory_space<hbm>>
    %dma_wait3A_708 = arith.constant 0 : i32
    %dma_wait3A_709 = arith.constant 0 : i32
    %dma_wait3A_710 = tpu.memref_slice %arg8[%dma_wait3A_696, %dma_wait3A_708, %dma_wait3A_709] : memref<5x16x1024xf32, #tpu.memory_space<vmem>> -> memref<1x16x1024xf32, #tpu.memory_space<vmem>>
    %dma_wait3A_711 = tpu.memref_squeeze %dma_wait3A_710 : memref<1x16x1024xf32, #tpu.memory_space<vmem>> -> memref<16x1024xf32, #tpu.memory_space<vmem>>
    tpu.wait_dma2 semaphore(%arg18 : memref<!tpu.dma_semaphore, #tpu.memory_space<semaphore_mem>>) src(%dma_wait3A_711 : memref<16x1024xf32, #tpu.memory_space<vmem>>) dst(%dma_wait3A_707 : memref<16x1024xf32, #tpu.memory_space<hbm>>)
    %dma_start3A_712 = arith.constant 4 : i32
    %dma_start3A_713 = arith.constant 0 : i32
    %dma_start3A_714 = arith.constant 0 : i32
    %dma_start3A_715 = tpu.memref_slice %arg8[%dma_start3A_712, %dma_start3A_713, %dma_start3A_714] : memref<5x16x1024xf32, #tpu.memory_space<vmem>> -> memref<1x16x1024xf32, #tpu.memory_space<vmem>>
    %dma_start3A_716 = tpu.memref_squeeze %dma_start3A_715 : memref<1x16x1024xf32, #tpu.memory_space<vmem>> -> memref<16x1024xf32, #tpu.memory_space<vmem>>
    %dma_start3A_717 = arith.constant 176 : i32
    %dma_start3A_718 = tpu.memref_slice %arg6[%dma_start3A_717] : memref<256xi32, #tpu.memory_space<vmem>> -> memref<16xi32, #tpu.memory_space<vmem>>
    %dma_start3A_719 = arith.constant 0 : i32
    %dma_start3A_720 = arith.constant 0 : i32
    %dma_start3A_721 = tpu.memref_slice %arg3[%dma_start3A_719, %dma_start3A_720] : memref<100000x1024xf32, #tpu.memory_space<hbm>> -> memref<100000x1024xf32, #tpu.memory_space<hbm>>
    tpu.enqueue_indirect_dma source(%dma_start3A_721 : memref<100000x1024xf32, #tpu.memory_space<hbm>>) target(%dma_start3A_716 : memref<16x1024xf32, #tpu.memory_space<vmem>>) offsets(%dma_start3A_718 : memref<16xi32, #tpu.memory_space<vmem>>) semaphore(%arg13 : memref<!tpu.dma_semaphore, #tpu.memory_space<semaphore_mem>>)
    %dma_wait3A_722 = arith.constant 0 : i32
    %dma_wait3A_723 = arith.constant 0 : i32
    %dma_wait3A_724 = arith.constant 0 : i32
    %dma_wait3A_725 = tpu.memref_slice %arg8[%dma_wait3A_722, %dma_wait3A_723, %dma_wait3A_724] : memref<5x16x1024xf32, #tpu.memory_space<vmem>> -> memref<1x16x1024xf32, #tpu.memory_space<vmem>>
    %dma_wait3A_726 = tpu.memref_squeeze %dma_wait3A_725 : memref<1x16x1024xf32, #tpu.memory_space<vmem>> -> memref<16x1024xf32, #tpu.memory_space<vmem>>
    %dma_wait3A_727 = arith.constant 160 : i32
    %dma_wait3A_728 = tpu.memref_slice %arg6[%dma_wait3A_727] : memref<256xi32, #tpu.memory_space<vmem>> -> memref<16xi32, #tpu.memory_space<vmem>>
    %dma_wait3A_729 = arith.constant 0 : i32
    %dma_wait3A_730 = arith.constant 0 : i32
    %dma_wait3A_731 = tpu.memref_slice %arg3[%dma_wait3A_729, %dma_wait3A_730] : memref<100000x1024xf32, #tpu.memory_space<hbm>> -> memref<100000x1024xf32, #tpu.memory_space<hbm>>
    tpu.wait_indirect_dma semaphore(%arg9 : memref<!tpu.dma_semaphore, #tpu.memory_space<semaphore_mem>>) src(%dma_wait3A_731 : memref<100000x1024xf32, #tpu.memory_space<hbm>>) dst(%dma_wait3A_726 : memref<16x1024xf32, #tpu.memory_space<vmem>>)
    %parallel_loop3A_732 = arith.constant 0 : i32
    %parallel_loop3A_733 = arith.constant 1024 : i32
    %parallel_loop3A_734 = arith.constant 1 : i32
    scf.for %parallel_loop3A_1027 = %parallel_loop3A_732 to %parallel_loop3A_733 step %parallel_loop3A_734  : i32 {
      %parallel_loop3A_1028 = arith.constant 6 : i32
      %parallel_loop3A_1029 = arith.shrsi %parallel_loop3A_1027, %parallel_loop3A_1028 : i32
      %parallel_loop3A_1030 = arith.constant 63 : i32
      %parallel_loop3A_1031 = arith.andi %parallel_loop3A_1027, %parallel_loop3A_1030 : i32
      %parallel_loop3A_1032 = arith.constant 16 : i32
      %parallel_loop3A_1033 = arith.muli %parallel_loop3A_1031, %parallel_loop3A_1032 : i32
      %parallel_loop3A_1034 = arith.constant 0 : i32
      %parallel_loop3A_1035 = arith.index_cast %parallel_loop3A_1034 : i32 to index
      %parallel_loop3A_1036 = arith.index_cast %parallel_loop3A_1029 : i32 to index
      %parallel_loop3A_1037 = arith.index_cast %parallel_loop3A_1033 : i32 to index
      %parallel_loop3A_1038 = tpu.vector_load %arg7[%parallel_loop3A_1035, %parallel_loop3A_1036, %parallel_loop3A_1037] {strides = array<i32>} : memref<2x16x1024xf32, #tpu.memory_space<vmem>>, vector<1x1x16xf32>,
      %parallel_loop3A_1039 = vector.shape_cast %parallel_loop3A_1038 : vector<1x1x16xf32> to vector<16xf32>
      %parallel_loop3A_1040 = arith.constant 0 : i32
      %parallel_loop3A_1041 = arith.index_cast %parallel_loop3A_1040 : i32 to index
      %parallel_loop3A_1042 = arith.index_cast %parallel_loop3A_1029 : i32 to index
      %parallel_loop3A_1043 = arith.index_cast %parallel_loop3A_1033 : i32 to index
      %parallel_loop3A_1044 = tpu.vector_load %arg8[%parallel_loop3A_1041, %parallel_loop3A_1042, %parallel_loop3A_1043] {strides = array<i32>} : memref<5x16x1024xf32, #tpu.memory_space<vmem>>, vector<1x1x16xf32>,
      %parallel_loop3A_1045 = vector.shape_cast %parallel_loop3A_1044 : vector<1x1x16xf32> to vector<16xf32>
      %parallel_loop3A_1046 = vector.shape_cast %parallel_loop3A_1039 : vector<16xf32> to vector<1x1x16xf32>
      tpu.vector_store %arg8[%parallel_loop3A_1041, %parallel_loop3A_1042, %parallel_loop3A_1043], %parallel_loop3A_1046 {add = true, strides = array<i32>} : memref<5x16x1024xf32, #tpu.memory_space<vmem>>, vector<1x1x16xf32>,
    } {sc.loop_unroll_factor = 8 : i64, sc.parallel_access}
    %add3A_735 = arith.constant 32 : i32
    %add3A_736 = arith.addi %mul3A_2, %add3A_735 : i32
    %dma_start3A_737 = arith.constant 0 : i32
    %dma_start3A_738 = arith.constant 2 : i32
    %dma_start3A_739 = arith.constant 0 : i32
    %dma_start3A_740 = arith.constant 0 : i32
    %dma_start3A_741 = tpu.memref_slice %arg8[%dma_start3A_737, %dma_start3A_739, %dma_start3A_740] : memref<5x16x1024xf32, #tpu.memory_space<vmem>> -> memref<1x16x1024xf32, #tpu.memory_space<vmem>>
    %dma_start3A_742 = tpu.memref_squeeze %dma_start3A_741 : memref<1x16x1024xf32, #tpu.memory_space<vmem>> -> memref<16x1024xf32, #tpu.memory_space<vmem>>
    %dma_start3A_743 = arith.constant 0 : i32
    %dma_start3A_744 = tpu.memref_slice %arg5[%dma_start3A_738, %add3A_736, %dma_start3A_743] : memref<4x2048x1024xf32, #tpu.memory_space<hbm>> -> memref<1x16x1024xf32, #tpu.memory_space<hbm>>
    %dma_start3A_745 = tpu.memref_squeeze %dma_start3A_744 : memref<1x16x1024xf32, #tpu.memory_space<hbm>> -> memref<16x1024xf32, #tpu.memory_space<hbm>>
    %dma_start3A_746 = arith.constant 0 : i32
    %dma_start3A_747 = tpu.memref_slice %arg5[%dma_start3A_738, %add3A_736, %dma_start3A_746] : memref<4x2048x1024xf32, #tpu.memory_space<hbm>> -> memref<1x16x1024xf32, #tpu.memory_space<hbm>>
    %dma_start3A_748 = tpu.memref_squeeze %dma_start3A_747 : memref<1x16x1024xf32, #tpu.memory_space<hbm>> -> memref<16x1024xf32, #tpu.memory_space<hbm>>
    %dma_start3A_749 = arith.constant 0 : i32
    %dma_start3A_750 = arith.constant 0 : i32
    %dma_start3A_751 = tpu.memref_slice %arg8[%dma_start3A_737, %dma_start3A_749, %dma_start3A_750] : memref<5x16x1024xf32, #tpu.memory_space<vmem>> -> memref<1x16x1024xf32, #tpu.memory_space<vmem>>
    %dma_start3A_752 = tpu.memref_squeeze %dma_start3A_751 : memref<1x16x1024xf32, #tpu.memory_space<vmem>> -> memref<16x1024xf32, #tpu.memory_space<vmem>>
    tpu.enqueue_dma source(%dma_start3A_752 : memref<16x1024xf32, #tpu.memory_space<vmem>>) target(%dma_start3A_748 : memref<16x1024xf32, #tpu.memory_space<hbm>>) target_semaphore(%arg14 : memref<!tpu.dma_semaphore, #tpu.memory_space<semaphore_mem>>)
    %dma_wait3A_753 = arith.constant 0 : i32
    %dma_wait3A_754 = arith.constant 2 : i32
    %dma_wait3A_755 = arith.constant 0 : i32
    %dma_wait3A_756 = arith.constant 0 : i32
    %dma_wait3A_757 = tpu.memref_slice %arg8[%dma_wait3A_753, %dma_wait3A_755, %dma_wait3A_756] : memref<5x16x1024xf32, #tpu.memory_space<vmem>> -> memref<1x16x1024xf32, #tpu.memory_space<vmem>>
    %dma_wait3A_758 = tpu.memref_squeeze %dma_wait3A_757 : memref<1x16x1024xf32, #tpu.memory_space<vmem>> -> memref<16x1024xf32, #tpu.memory_space<vmem>>
    %dma_wait3A_759 = arith.constant 0 : i32
    %dma_wait3A_760 = tpu.memref_slice %arg5[%dma_wait3A_754, %add3A_736, %dma_wait3A_759] : memref<4x2048x1024xf32, #tpu.memory_space<hbm>> -> memref<1x16x1024xf32, #tpu.memory_space<hbm>>
    %dma_wait3A_761 = tpu.memref_squeeze %dma_wait3A_760 : memref<1x16x1024xf32, #tpu.memory_space<hbm>> -> memref<16x1024xf32, #tpu.memory_space<hbm>>
    %dma_wait3A_762 = arith.constant 0 : i32
    %dma_wait3A_763 = tpu.memref_slice %arg5[%dma_wait3A_754, %add3A_736, %dma_wait3A_762] : memref<4x2048x1024xf32, #tpu.memory_space<hbm>> -> memref<1x16x1024xf32, #tpu.memory_space<hbm>>
    %dma_wait3A_764 = tpu.memref_squeeze %dma_wait3A_763 : memref<1x16x1024xf32, #tpu.memory_space<hbm>> -> memref<16x1024xf32, #tpu.memory_space<hbm>>
    %dma_wait3A_765 = arith.constant 0 : i32
    %dma_wait3A_766 = arith.constant 0 : i32
    %dma_wait3A_767 = tpu.memref_slice %arg8[%dma_wait3A_753, %dma_wait3A_765, %dma_wait3A_766] : memref<5x16x1024xf32, #tpu.memory_space<vmem>> -> memref<1x16x1024xf32, #tpu.memory_space<vmem>>
    %dma_wait3A_768 = tpu.memref_squeeze %dma_wait3A_767 : memref<1x16x1024xf32, #tpu.memory_space<vmem>> -> memref<16x1024xf32, #tpu.memory_space<vmem>>
    tpu.wait_dma2 semaphore(%arg14 : memref<!tpu.dma_semaphore, #tpu.memory_space<semaphore_mem>>) src(%dma_wait3A_768 : memref<16x1024xf32, #tpu.memory_space<vmem>>) dst(%dma_wait3A_764 : memref<16x1024xf32, #tpu.memory_space<hbm>>)
    %dma_start3A_769 = arith.constant 0 : i32
    %dma_start3A_770 = arith.constant 0 : i32
    %dma_start3A_771 = arith.constant 0 : i32
    %dma_start3A_772 = tpu.memref_slice %arg8[%dma_start3A_769, %dma_start3A_770, %dma_start3A_771] : memref<5x16x1024xf32, #tpu.memory_space<vmem>> -> memref<1x16x1024xf32, #tpu.memory_space<vmem>>
    %dma_start3A_773 = tpu.memref_squeeze %dma_start3A_772 : memref<1x16x1024xf32, #tpu.memory_space<vmem>> -> memref<16x1024xf32, #tpu.memory_space<vmem>>
    %dma_start3A_774 = arith.constant 240 : i32
    %dma_start3A_775 = tpu.memref_slice %arg6[%dma_start3A_774] : memref<256xi32, #tpu.memory_space<vmem>> -> memref<16xi32, #tpu.memory_space<vmem>>
    %dma_start3A_776 = arith.constant 0 : i32
    %dma_start3A_777 = arith.constant 0 : i32
    %dma_start3A_778 = tpu.memref_slice %arg3[%dma_start3A_776, %dma_start3A_777] : memref<100000x1024xf32, #tpu.memory_space<hbm>> -> memref<100000x1024xf32, #tpu.memory_space<hbm>>
    tpu.enqueue_indirect_dma source(%dma_start3A_778 : memref<100000x1024xf32, #tpu.memory_space<hbm>>) target(%dma_start3A_773 : memref<16x1024xf32, #tpu.memory_space<vmem>>) offsets(%dma_start3A_775 : memref<16xi32, #tpu.memory_space<vmem>>) semaphore(%arg9 : memref<!tpu.dma_semaphore, #tpu.memory_space<semaphore_mem>>)
    %dma_wait3A_779 = arith.constant 1 : i32
    %dma_wait3A_780 = arith.constant 0 : i32
    %dma_wait3A_781 = arith.constant 0 : i32
    %dma_wait3A_782 = tpu.memref_slice %arg8[%dma_wait3A_779, %dma_wait3A_780, %dma_wait3A_781] : memref<5x16x1024xf32, #tpu.memory_space<vmem>> -> memref<1x16x1024xf32, #tpu.memory_space<vmem>>
    %dma_wait3A_783 = tpu.memref_squeeze %dma_wait3A_782 : memref<1x16x1024xf32, #tpu.memory_space<vmem>> -> memref<16x1024xf32, #tpu.memory_space<vmem>>
    %dma_wait3A_784 = arith.constant 224 : i32
    %dma_wait3A_785 = tpu.memref_slice %arg6[%dma_wait3A_784] : memref<256xi32, #tpu.memory_space<vmem>> -> memref<16xi32, #tpu.memory_space<vmem>>
    %dma_wait3A_786 = arith.constant 0 : i32
    %dma_wait3A_787 = arith.constant 0 : i32
    %dma_wait3A_788 = tpu.memref_slice %arg3[%dma_wait3A_786, %dma_wait3A_787] : memref<100000x1024xf32, #tpu.memory_space<hbm>> -> memref<100000x1024xf32, #tpu.memory_space<hbm>>
    tpu.wait_indirect_dma semaphore(%arg10 : memref<!tpu.dma_semaphore, #tpu.memory_space<semaphore_mem>>) src(%dma_wait3A_788 : memref<100000x1024xf32, #tpu.memory_space<hbm>>) dst(%dma_wait3A_783 : memref<16x1024xf32, #tpu.memory_space<vmem>>)
    %parallel_loop3A_789 = arith.constant 0 : i32
    %parallel_loop3A_790 = arith.constant 1024 : i32
    %parallel_loop3A_791 = arith.constant 1 : i32
    scf.for %parallel_loop3A_1027 = %parallel_loop3A_789 to %parallel_loop3A_790 step %parallel_loop3A_791  : i32 {
      %parallel_loop3A_1028 = arith.constant 6 : i32
      %parallel_loop3A_1029 = arith.shrsi %parallel_loop3A_1027, %parallel_loop3A_1028 : i32
      %parallel_loop3A_1030 = arith.constant 63 : i32
      %parallel_loop3A_1031 = arith.andi %parallel_loop3A_1027, %parallel_loop3A_1030 : i32
      %parallel_loop3A_1032 = arith.constant 16 : i32
      %parallel_loop3A_1033 = arith.muli %parallel_loop3A_1031, %parallel_loop3A_1032 : i32
      %parallel_loop3A_1034 = arith.constant 0 : i32
      %parallel_loop3A_1035 = arith.index_cast %parallel_loop3A_1034 : i32 to index
      %parallel_loop3A_1036 = arith.index_cast %parallel_loop3A_1029 : i32 to index
      %parallel_loop3A_1037 = arith.index_cast %parallel_loop3A_1033 : i32 to index
      %parallel_loop3A_1038 = tpu.vector_load %arg7[%parallel_loop3A_1035, %parallel_loop3A_1036, %parallel_loop3A_1037] {strides = array<i32>} : memref<2x16x1024xf32, #tpu.memory_space<vmem>>, vector<1x1x16xf32>,
      %parallel_loop3A_1039 = vector.shape_cast %parallel_loop3A_1038 : vector<1x1x16xf32> to vector<16xf32>
      %parallel_loop3A_1040 = arith.constant 1 : i32
      %parallel_loop3A_1041 = arith.index_cast %parallel_loop3A_1040 : i32 to index
      %parallel_loop3A_1042 = arith.index_cast %parallel_loop3A_1029 : i32 to index
      %parallel_loop3A_1043 = arith.index_cast %parallel_loop3A_1033 : i32 to index
      %parallel_loop3A_1044 = tpu.vector_load %arg8[%parallel_loop3A_1041, %parallel_loop3A_1042, %parallel_loop3A_1043] {strides = array<i32>} : memref<5x16x1024xf32, #tpu.memory_space<vmem>>, vector<1x1x16xf32>,
      %parallel_loop3A_1045 = vector.shape_cast %parallel_loop3A_1044 : vector<1x1x16xf32> to vector<16xf32>
      %parallel_loop3A_1046 = vector.shape_cast %parallel_loop3A_1039 : vector<16xf32> to vector<1x1x16xf32>
      tpu.vector_store %arg8[%parallel_loop3A_1041, %parallel_loop3A_1042, %parallel_loop3A_1043], %parallel_loop3A_1046 {add = true, strides = array<i32>} : memref<5x16x1024xf32, #tpu.memory_space<vmem>>, vector<1x1x16xf32>,
    } {sc.loop_unroll_factor = 8 : i64, sc.parallel_access}
    %add3A_792 = arith.constant 32 : i32
    %add3A_793 = arith.addi %mul3A_2, %add3A_792 : i32
    %dma_start3A_794 = arith.constant 1 : i32
    %dma_start3A_795 = arith.constant 3 : i32
    %dma_start3A_796 = arith.constant 0 : i32
    %dma_start3A_797 = arith.constant 0 : i32
    %dma_start3A_798 = tpu.memref_slice %arg8[%dma_start3A_794, %dma_start3A_796, %dma_start3A_797] : memref<5x16x1024xf32, #tpu.memory_space<vmem>> -> memref<1x16x1024xf32, #tpu.memory_space<vmem>>
    %dma_start3A_799 = tpu.memref_squeeze %dma_start3A_798 : memref<1x16x1024xf32, #tpu.memory_space<vmem>> -> memref<16x1024xf32, #tpu.memory_space<vmem>>
    %dma_start3A_800 = arith.constant 0 : i32
    %dma_start3A_801 = tpu.memref_slice %arg5[%dma_start3A_795, %add3A_793, %dma_start3A_800] : memref<4x2048x1024xf32, #tpu.memory_space<hbm>> -> memref<1x16x1024xf32, #tpu.memory_space<hbm>>
    %dma_start3A_802 = tpu.memref_squeeze %dma_start3A_801 : memref<1x16x1024xf32, #tpu.memory_space<hbm>> -> memref<16x1024xf32, #tpu.memory_space<hbm>>
    %dma_start3A_803 = arith.constant 0 : i32
    %dma_start3A_804 = tpu.memref_slice %arg5[%dma_start3A_795, %add3A_793, %dma_start3A_803] : memref<4x2048x1024xf32, #tpu.memory_space<hbm>> -> memref<1x16x1024xf32, #tpu.memory_space<hbm>>
    %dma_start3A_805 = tpu.memref_squeeze %dma_start3A_804 : memref<1x16x1024xf32, #tpu.memory_space<hbm>> -> memref<16x1024xf32, #tpu.memory_space<hbm>>
    %dma_start3A_806 = arith.constant 0 : i32
    %dma_start3A_807 = arith.constant 0 : i32
    %dma_start3A_808 = tpu.memref_slice %arg8[%dma_start3A_794, %dma_start3A_806, %dma_start3A_807] : memref<5x16x1024xf32, #tpu.memory_space<vmem>> -> memref<1x16x1024xf32, #tpu.memory_space<vmem>>
    %dma_start3A_809 = tpu.memref_squeeze %dma_start3A_808 : memref<1x16x1024xf32, #tpu.memory_space<vmem>> -> memref<16x1024xf32, #tpu.memory_space<vmem>>
    tpu.enqueue_dma source(%dma_start3A_809 : memref<16x1024xf32, #tpu.memory_space<vmem>>) target(%dma_start3A_805 : memref<16x1024xf32, #tpu.memory_space<hbm>>) target_semaphore(%arg15 : memref<!tpu.dma_semaphore, #tpu.memory_space<semaphore_mem>>)
    %dma_wait3A_810 = arith.constant 1 : i32
    %dma_wait3A_811 = arith.constant 0 : i32
    %dma_wait3A_812 = arith.constant 0 : i32
    %dma_wait3A_813 = tpu.memref_slice %arg7[%dma_wait3A_810, %dma_wait3A_811, %dma_wait3A_812] : memref<2x16x1024xf32, #tpu.memory_space<vmem>> -> memref<1x16x1024xf32, #tpu.memory_space<vmem>>
    %dma_wait3A_814 = tpu.memref_squeeze %dma_wait3A_813 : memref<1x16x1024xf32, #tpu.memory_space<vmem>> -> memref<16x1024xf32, #tpu.memory_space<vmem>>
    %dma_wait3A_815 = arith.constant 0 : i32
    %dma_wait3A_816 = tpu.memref_slice %arg4[%add3A_581, %dma_wait3A_815] : memref<2048x1024xf32, #tpu.memory_space<hbm>> -> memref<16x1024xf32, #tpu.memory_space<hbm>>
    %dma_wait3A_817 = arith.constant 0 : i32
    %dma_wait3A_818 = arith.constant 0 : i32
    %dma_wait3A_819 = tpu.memref_slice %arg7[%dma_wait3A_810, %dma_wait3A_817, %dma_wait3A_818] : memref<2x16x1024xf32, #tpu.memory_space<vmem>> -> memref<1x16x1024xf32, #tpu.memory_space<vmem>>
    %dma_wait3A_820 = tpu.memref_squeeze %dma_wait3A_819 : memref<1x16x1024xf32, #tpu.memory_space<vmem>> -> memref<16x1024xf32, #tpu.memory_space<vmem>>
    %dma_wait3A_821 = arith.constant 0 : i32
    %dma_wait3A_822 = tpu.memref_slice %arg4[%add3A_581, %dma_wait3A_821] : memref<2048x1024xf32, #tpu.memory_space<hbm>> -> memref<16x1024xf32, #tpu.memory_space<hbm>>
    tpu.wait_dma2 semaphore(%arg20 : memref<!tpu.dma_semaphore, #tpu.memory_space<semaphore_mem>>) src(%dma_wait3A_822 : memref<16x1024xf32, #tpu.memory_space<hbm>>) dst(%dma_wait3A_820 : memref<16x1024xf32, #tpu.memory_space<vmem>>)
    %dma_wait3A_823 = arith.constant 2 : i32
    %dma_wait3A_824 = arith.constant 0 : i32
    %dma_wait3A_825 = arith.constant 0 : i32
    %dma_wait3A_826 = tpu.memref_slice %arg8[%dma_wait3A_823, %dma_wait3A_824, %dma_wait3A_825] : memref<5x16x1024xf32, #tpu.memory_space<vmem>> -> memref<1x16x1024xf32, #tpu.memory_space<vmem>>
    %dma_wait3A_827 = tpu.memref_squeeze %dma_wait3A_826 : memref<1x16x1024xf32, #tpu.memory_space<vmem>> -> memref<16x1024xf32, #tpu.memory_space<vmem>>
    %dma_wait3A_828 = arith.constant 48 : i32
    %dma_wait3A_829 = tpu.memref_slice %arg6[%dma_wait3A_828] : memref<256xi32, #tpu.memory_space<vmem>> -> memref<16xi32, #tpu.memory_space<vmem>>
    %dma_wait3A_830 = arith.constant 0 : i32
    %dma_wait3A_831 = arith.constant 0 : i32
    %dma_wait3A_832 = tpu.memref_slice %arg3[%dma_wait3A_830, %dma_wait3A_831] : memref<100000x1024xf32, #tpu.memory_space<hbm>> -> memref<100000x1024xf32, #tpu.memory_space<hbm>>
    tpu.wait_indirect_dma semaphore(%arg11 : memref<!tpu.dma_semaphore, #tpu.memory_space<semaphore_mem>>) src(%dma_wait3A_832 : memref<100000x1024xf32, #tpu.memory_space<hbm>>) dst(%dma_wait3A_827 : memref<16x1024xf32, #tpu.memory_space<vmem>>)
    %parallel_loop3A_833 = arith.constant 0 : i32
    %parallel_loop3A_834 = arith.constant 1024 : i32
    %parallel_loop3A_835 = arith.constant 1 : i32
    scf.for %parallel_loop3A_1027 = %parallel_loop3A_833 to %parallel_loop3A_834 step %parallel_loop3A_835  : i32 {
      %parallel_loop3A_1028 = arith.constant 6 : i32
      %parallel_loop3A_1029 = arith.shrsi %parallel_loop3A_1027, %parallel_loop3A_1028 : i32
      %parallel_loop3A_1030 = arith.constant 63 : i32
      %parallel_loop3A_1031 = arith.andi %parallel_loop3A_1027, %parallel_loop3A_1030 : i32
      %parallel_loop3A_1032 = arith.constant 16 : i32
      %parallel_loop3A_1033 = arith.muli %parallel_loop3A_1031, %parallel_loop3A_1032 : i32
      %parallel_loop3A_1034 = arith.constant 1 : i32
      %parallel_loop3A_1035 = arith.index_cast %parallel_loop3A_1034 : i32 to index
      %parallel_loop3A_1036 = arith.index_cast %parallel_loop3A_1029 : i32 to index
      %parallel_loop3A_1037 = arith.index_cast %parallel_loop3A_1033 : i32 to index
      %parallel_loop3A_1038 = tpu.vector_load %arg7[%parallel_loop3A_1035, %parallel_loop3A_1036, %parallel_loop3A_1037] {strides = array<i32>} : memref<2x16x1024xf32, #tpu.memory_space<vmem>>, vector<1x1x16xf32>,
      %parallel_loop3A_1039 = vector.shape_cast %parallel_loop3A_1038 : vector<1x1x16xf32> to vector<16xf32>
      %parallel_loop3A_1040 = arith.constant 2 : i32
      %parallel_loop3A_1041 = arith.index_cast %parallel_loop3A_1040 : i32 to index
      %parallel_loop3A_1042 = arith.index_cast %parallel_loop3A_1029 : i32 to index
      %parallel_loop3A_1043 = arith.index_cast %parallel_loop3A_1033 : i32 to index
      %parallel_loop3A_1044 = tpu.vector_load %arg8[%parallel_loop3A_1041, %parallel_loop3A_1042, %parallel_loop3A_1043] {strides = array<i32>} : memref<5x16x1024xf32, #tpu.memory_space<vmem>>, vector<1x1x16xf32>,
      %parallel_loop3A_1045 = vector.shape_cast %parallel_loop3A_1044 : vector<1x1x16xf32> to vector<16xf32>
      %parallel_loop3A_1046 = vector.shape_cast %parallel_loop3A_1039 : vector<16xf32> to vector<1x1x16xf32>
      tpu.vector_store %arg8[%parallel_loop3A_1041, %parallel_loop3A_1042, %parallel_loop3A_1043], %parallel_loop3A_1046 {add = true, strides = array<i32>} : memref<5x16x1024xf32, #tpu.memory_space<vmem>>, vector<1x1x16xf32>,
    } {sc.loop_unroll_factor = 8 : i64, sc.parallel_access}
    %add3A_836 = arith.constant 48 : i32
    %add3A_837 = arith.addi %mul3A_2, %add3A_836 : i32
    %dma_start3A_838 = arith.constant 2 : i32
    %dma_start3A_839 = arith.constant 0 : i32
    %dma_start3A_840 = arith.constant 0 : i32
    %dma_start3A_841 = arith.constant 0 : i32
    %dma_start3A_842 = tpu.memref_slice %arg8[%dma_start3A_838, %dma_start3A_840, %dma_start3A_841] : memref<5x16x1024xf32, #tpu.memory_space<vmem>> -> memref<1x16x1024xf32, #tpu.memory_space<vmem>>
    %dma_start3A_843 = tpu.memref_squeeze %dma_start3A_842 : memref<1x16x1024xf32, #tpu.memory_space<vmem>> -> memref<16x1024xf32, #tpu.memory_space<vmem>>
    %dma_start3A_844 = arith.constant 0 : i32
    %dma_start3A_845 = tpu.memref_slice %arg5[%dma_start3A_839, %add3A_837, %dma_start3A_844] : memref<4x2048x1024xf32, #tpu.memory_space<hbm>> -> memref<1x16x1024xf32, #tpu.memory_space<hbm>>
    %dma_start3A_846 = tpu.memref_squeeze %dma_start3A_845 : memref<1x16x1024xf32, #tpu.memory_space<hbm>> -> memref<16x1024xf32, #tpu.memory_space<hbm>>
    %dma_start3A_847 = arith.constant 0 : i32
    %dma_start3A_848 = tpu.memref_slice %arg5[%dma_start3A_839, %add3A_837, %dma_start3A_847] : memref<4x2048x1024xf32, #tpu.memory_space<hbm>> -> memref<1x16x1024xf32, #tpu.memory_space<hbm>>
    %dma_start3A_849 = tpu.memref_squeeze %dma_start3A_848 : memref<1x16x1024xf32, #tpu.memory_space<hbm>> -> memref<16x1024xf32, #tpu.memory_space<hbm>>
    %dma_start3A_850 = arith.constant 0 : i32
    %dma_start3A_851 = arith.constant 0 : i32
    %dma_start3A_852 = tpu.memref_slice %arg8[%dma_start3A_838, %dma_start3A_850, %dma_start3A_851] : memref<5x16x1024xf32, #tpu.memory_space<vmem>> -> memref<1x16x1024xf32, #tpu.memory_space<vmem>>
    %dma_start3A_853 = tpu.memref_squeeze %dma_start3A_852 : memref<1x16x1024xf32, #tpu.memory_space<vmem>> -> memref<16x1024xf32, #tpu.memory_space<vmem>>
    tpu.enqueue_dma source(%dma_start3A_853 : memref<16x1024xf32, #tpu.memory_space<vmem>>) target(%dma_start3A_849 : memref<16x1024xf32, #tpu.memory_space<hbm>>) target_semaphore(%arg16 : memref<!tpu.dma_semaphore, #tpu.memory_space<semaphore_mem>>)
    %dma_wait3A_854 = arith.constant 3 : i32
    %dma_wait3A_855 = arith.constant 0 : i32
    %dma_wait3A_856 = arith.constant 0 : i32
    %dma_wait3A_857 = tpu.memref_slice %arg8[%dma_wait3A_854, %dma_wait3A_855, %dma_wait3A_856] : memref<5x16x1024xf32, #tpu.memory_space<vmem>> -> memref<1x16x1024xf32, #tpu.memory_space<vmem>>
    %dma_wait3A_858 = tpu.memref_squeeze %dma_wait3A_857 : memref<1x16x1024xf32, #tpu.memory_space<vmem>> -> memref<16x1024xf32, #tpu.memory_space<vmem>>
    %dma_wait3A_859 = arith.constant 112 : i32
    %dma_wait3A_860 = tpu.memref_slice %arg6[%dma_wait3A_859] : memref<256xi32, #tpu.memory_space<vmem>> -> memref<16xi32, #tpu.memory_space<vmem>>
    %dma_wait3A_861 = arith.constant 0 : i32
    %dma_wait3A_862 = arith.constant 0 : i32
    %dma_wait3A_863 = tpu.memref_slice %arg3[%dma_wait3A_861, %dma_wait3A_862] : memref<100000x1024xf32, #tpu.memory_space<hbm>> -> memref<100000x1024xf32, #tpu.memory_space<hbm>>
    tpu.wait_indirect_dma semaphore(%arg12 : memref<!tpu.dma_semaphore, #tpu.memory_space<semaphore_mem>>) src(%dma_wait3A_863 : memref<100000x1024xf32, #tpu.memory_space<hbm>>) dst(%dma_wait3A_858 : memref<16x1024xf32, #tpu.memory_space<vmem>>)
    %parallel_loop3A_864 = arith.constant 0 : i32
    %parallel_loop3A_865 = arith.constant 1024 : i32
    %parallel_loop3A_866 = arith.constant 1 : i32
    scf.for %parallel_loop3A_1027 = %parallel_loop3A_864 to %parallel_loop3A_865 step %parallel_loop3A_866  : i32 {
      %parallel_loop3A_1028 = arith.constant 6 : i32
      %parallel_loop3A_1029 = arith.shrsi %parallel_loop3A_1027, %parallel_loop3A_1028 : i32
      %parallel_loop3A_1030 = arith.constant 63 : i32
      %parallel_loop3A_1031 = arith.andi %parallel_loop3A_1027, %parallel_loop3A_1030 : i32
      %parallel_loop3A_1032 = arith.constant 16 : i32
      %parallel_loop3A_1033 = arith.muli %parallel_loop3A_1031, %parallel_loop3A_1032 : i32
      %parallel_loop3A_1034 = arith.constant 1 : i32
      %parallel_loop3A_1035 = arith.index_cast %parallel_loop3A_1034 : i32 to index
      %parallel_loop3A_1036 = arith.index_cast %parallel_loop3A_1029 : i32 to index
      %parallel_loop3A_1037 = arith.index_cast %parallel_loop3A_1033 : i32 to index
      %parallel_loop3A_1038 = tpu.vector_load %arg7[%parallel_loop3A_1035, %parallel_loop3A_1036, %parallel_loop3A_1037] {strides = array<i32>} : memref<2x16x1024xf32, #tpu.memory_space<vmem>>, vector<1x1x16xf32>,
      %parallel_loop3A_1039 = vector.shape_cast %parallel_loop3A_1038 : vector<1x1x16xf32> to vector<16xf32>
      %parallel_loop3A_1040 = arith.constant 3 : i32
      %parallel_loop3A_1041 = arith.index_cast %parallel_loop3A_1040 : i32 to index
      %parallel_loop3A_1042 = arith.index_cast %parallel_loop3A_1029 : i32 to index
      %parallel_loop3A_1043 = arith.index_cast %parallel_loop3A_1033 : i32 to index
      %parallel_loop3A_1044 = tpu.vector_load %arg8[%parallel_loop3A_1041, %parallel_loop3A_1042, %parallel_loop3A_1043] {strides = array<i32>} : memref<5x16x1024xf32, #tpu.memory_space<vmem>>, vector<1x1x16xf32>,
      %parallel_loop3A_1045 = vector.shape_cast %parallel_loop3A_1044 : vector<1x1x16xf32> to vector<16xf32>
      %parallel_loop3A_1046 = vector.shape_cast %parallel_loop3A_1039 : vector<16xf32> to vector<1x1x16xf32>
      tpu.vector_store %arg8[%parallel_loop3A_1041, %parallel_loop3A_1042, %parallel_loop3A_1043], %parallel_loop3A_1046 {add = true, strides = array<i32>} : memref<5x16x1024xf32, #tpu.memory_space<vmem>>, vector<1x1x16xf32>,
    } {sc.loop_unroll_factor = 8 : i64, sc.parallel_access}
    %add3A_867 = arith.constant 48 : i32
    %add3A_868 = arith.addi %mul3A_2, %add3A_867 : i32
    %dma_start3A_869 = arith.constant 3 : i32
    %dma_start3A_870 = arith.constant 1 : i32
    %dma_start3A_871 = arith.constant 0 : i32
    %dma_start3A_872 = arith.constant 0 : i32
    %dma_start3A_873 = tpu.memref_slice %arg8[%dma_start3A_869, %dma_start3A_871, %dma_start3A_872] : memref<5x16x1024xf32, #tpu.memory_space<vmem>> -> memref<1x16x1024xf32, #tpu.memory_space<vmem>>
    %dma_start3A_874 = tpu.memref_squeeze %dma_start3A_873 : memref<1x16x1024xf32, #tpu.memory_space<vmem>> -> memref<16x1024xf32, #tpu.memory_space<vmem>>
    %dma_start3A_875 = arith.constant 0 : i32
    %dma_start3A_876 = tpu.memref_slice %arg5[%dma_start3A_870, %add3A_868, %dma_start3A_875] : memref<4x2048x1024xf32, #tpu.memory_space<hbm>> -> memref<1x16x1024xf32, #tpu.memory_space<hbm>>
    %dma_start3A_877 = tpu.memref_squeeze %dma_start3A_876 : memref<1x16x1024xf32, #tpu.memory_space<hbm>> -> memref<16x1024xf32, #tpu.memory_space<hbm>>
    %dma_start3A_878 = arith.constant 0 : i32
    %dma_start3A_879 = tpu.memref_slice %arg5[%dma_start3A_870, %add3A_868, %dma_start3A_878] : memref<4x2048x1024xf32, #tpu.memory_space<hbm>> -> memref<1x16x1024xf32, #tpu.memory_space<hbm>>
    %dma_start3A_880 = tpu.memref_squeeze %dma_start3A_879 : memref<1x16x1024xf32, #tpu.memory_space<hbm>> -> memref<16x1024xf32, #tpu.memory_space<hbm>>
    %dma_start3A_881 = arith.constant 0 : i32
    %dma_start3A_882 = arith.constant 0 : i32
    %dma_start3A_883 = tpu.memref_slice %arg8[%dma_start3A_869, %dma_start3A_881, %dma_start3A_882] : memref<5x16x1024xf32, #tpu.memory_space<vmem>> -> memref<1x16x1024xf32, #tpu.memory_space<vmem>>
    %dma_start3A_884 = tpu.memref_squeeze %dma_start3A_883 : memref<1x16x1024xf32, #tpu.memory_space<vmem>> -> memref<16x1024xf32, #tpu.memory_space<vmem>>
    tpu.enqueue_dma source(%dma_start3A_884 : memref<16x1024xf32, #tpu.memory_space<vmem>>) target(%dma_start3A_880 : memref<16x1024xf32, #tpu.memory_space<hbm>>) target_semaphore(%arg17 : memref<!tpu.dma_semaphore, #tpu.memory_space<semaphore_mem>>)
    %dma_wait3A_885 = arith.constant 4 : i32
    %dma_wait3A_886 = arith.constant 0 : i32
    %dma_wait3A_887 = arith.constant 0 : i32
    %dma_wait3A_888 = tpu.memref_slice %arg8[%dma_wait3A_885, %dma_wait3A_886, %dma_wait3A_887] : memref<5x16x1024xf32, #tpu.memory_space<vmem>> -> memref<1x16x1024xf32, #tpu.memory_space<vmem>>
    %dma_wait3A_889 = tpu.memref_squeeze %dma_wait3A_888 : memref<1x16x1024xf32, #tpu.memory_space<vmem>> -> memref<16x1024xf32, #tpu.memory_space<vmem>>
    %dma_wait3A_890 = arith.constant 176 : i32
    %dma_wait3A_891 = tpu.memref_slice %arg6[%dma_wait3A_890] : memref<256xi32, #tpu.memory_space<vmem>> -> memref<16xi32, #tpu.memory_space<vmem>>
    %dma_wait3A_892 = arith.constant 0 : i32
    %dma_wait3A_893 = arith.constant 0 : i32
    %dma_wait3A_894 = tpu.memref_slice %arg3[%dma_wait3A_892, %dma_wait3A_893] : memref<100000x1024xf32, #tpu.memory_space<hbm>> -> memref<100000x1024xf32, #tpu.memory_space<hbm>>
    tpu.wait_indirect_dma semaphore(%arg13 : memref<!tpu.dma_semaphore, #tpu.memory_space<semaphore_mem>>) src(%dma_wait3A_894 : memref<100000x1024xf32, #tpu.memory_space<hbm>>) dst(%dma_wait3A_889 : memref<16x1024xf32, #tpu.memory_space<vmem>>)
    %parallel_loop3A_895 = arith.constant 0 : i32
    %parallel_loop3A_896 = arith.constant 1024 : i32
    %parallel_loop3A_897 = arith.constant 1 : i32
    scf.for %parallel_loop3A_1027 = %parallel_loop3A_895 to %parallel_loop3A_896 step %parallel_loop3A_897  : i32 {
      %parallel_loop3A_1028 = arith.constant 6 : i32
      %parallel_loop3A_1029 = arith.shrsi %parallel_loop3A_1027, %parallel_loop3A_1028 : i32
      %parallel_loop3A_1030 = arith.constant 63 : i32
      %parallel_loop3A_1031 = arith.andi %parallel_loop3A_1027, %parallel_loop3A_1030 : i32
      %parallel_loop3A_1032 = arith.constant 16 : i32
      %parallel_loop3A_1033 = arith.muli %parallel_loop3A_1031, %parallel_loop3A_1032 : i32
      %parallel_loop3A_1034 = arith.constant 1 : i32
      %parallel_loop3A_1035 = arith.index_cast %parallel_loop3A_1034 : i32 to index
      %parallel_loop3A_1036 = arith.index_cast %parallel_loop3A_1029 : i32 to index
      %parallel_loop3A_1037 = arith.index_cast %parallel_loop3A_1033 : i32 to index
      %parallel_loop3A_1038 = tpu.vector_load %arg7[%parallel_loop3A_1035, %parallel_loop3A_1036, %parallel_loop3A_1037] {strides = array<i32>} : memref<2x16x1024xf32, #tpu.memory_space<vmem>>, vector<1x1x16xf32>,
      %parallel_loop3A_1039 = vector.shape_cast %parallel_loop3A_1038 : vector<1x1x16xf32> to vector<16xf32>
      %parallel_loop3A_1040 = arith.constant 4 : i32
      %parallel_loop3A_1041 = arith.index_cast %parallel_loop3A_1040 : i32 to index
      %parallel_loop3A_1042 = arith.index_cast %parallel_loop3A_1029 : i32 to index
      %parallel_loop3A_1043 = arith.index_cast %parallel_loop3A_1033 : i32 to index
      %parallel_loop3A_1044 = tpu.vector_load %arg8[%parallel_loop3A_1041, %parallel_loop3A_1042, %parallel_loop3A_1043] {strides = array<i32>} : memref<5x16x1024xf32, #tpu.memory_space<vmem>>, vector<1x1x16xf32>,
      %parallel_loop3A_1045 = vector.shape_cast %parallel_loop3A_1044 : vector<1x1x16xf32> to vector<16xf32>
      %parallel_loop3A_1046 = vector.shape_cast %parallel_loop3A_1039 : vector<16xf32> to vector<1x1x16xf32>
      tpu.vector_store %arg8[%parallel_loop3A_1041, %parallel_loop3A_1042, %parallel_loop3A_1043], %parallel_loop3A_1046 {add = true, strides = array<i32>} : memref<5x16x1024xf32, #tpu.memory_space<vmem>>, vector<1x1x16xf32>,
    } {sc.loop_unroll_factor = 8 : i64, sc.parallel_access}
    %add3A_898 = arith.constant 48 : i32
    %add3A_899 = arith.addi %mul3A_2, %add3A_898 : i32
    %dma_start3A_900 = arith.constant 4 : i32
    %dma_start3A_901 = arith.constant 2 : i32
    %dma_start3A_902 = arith.constant 0 : i32
    %dma_start3A_903 = arith.constant 0 : i32
    %dma_start3A_904 = tpu.memref_slice %arg8[%dma_start3A_900, %dma_start3A_902, %dma_start3A_903] : memref<5x16x1024xf32, #tpu.memory_space<vmem>> -> memref<1x16x1024xf32, #tpu.memory_space<vmem>>
    %dma_start3A_905 = tpu.memref_squeeze %dma_start3A_904 : memref<1x16x1024xf32, #tpu.memory_space<vmem>> -> memref<16x1024xf32, #tpu.memory_space<vmem>>
    %dma_start3A_906 = arith.constant 0 : i32
    %dma_start3A_907 = tpu.memref_slice %arg5[%dma_start3A_901, %add3A_899, %dma_start3A_906] : memref<4x2048x1024xf32, #tpu.memory_space<hbm>> -> memref<1x16x1024xf32, #tpu.memory_space<hbm>>
    %dma_start3A_908 = tpu.memref_squeeze %dma_start3A_907 : memref<1x16x1024xf32, #tpu.memory_space<hbm>> -> memref<16x1024xf32, #tpu.memory_space<hbm>>
    %dma_start3A_909 = arith.constant 0 : i32
    %dma_start3A_910 = tpu.memref_slice %arg5[%dma_start3A_901, %add3A_899, %dma_start3A_909] : memref<4x2048x1024xf32, #tpu.memory_space<hbm>> -> memref<1x16x1024xf32, #tpu.memory_space<hbm>>
    %dma_start3A_911 = tpu.memref_squeeze %dma_start3A_910 : memref<1x16x1024xf32, #tpu.memory_space<hbm>> -> memref<16x1024xf32, #tpu.memory_space<hbm>>
    %dma_start3A_912 = arith.constant 0 : i32
    %dma_start3A_913 = arith.constant 0 : i32
    %dma_start3A_914 = tpu.memref_slice %arg8[%dma_start3A_900, %dma_start3A_912, %dma_start3A_913] : memref<5x16x1024xf32, #tpu.memory_space<vmem>> -> memref<1x16x1024xf32, #tpu.memory_space<vmem>>
    %dma_start3A_915 = tpu.memref_squeeze %dma_start3A_914 : memref<1x16x1024xf32, #tpu.memory_space<vmem>> -> memref<16x1024xf32, #tpu.memory_space<vmem>>
    tpu.enqueue_dma source(%dma_start3A_915 : memref<16x1024xf32, #tpu.memory_space<vmem>>) target(%dma_start3A_911 : memref<16x1024xf32, #tpu.memory_space<hbm>>) target_semaphore(%arg18 : memref<!tpu.dma_semaphore, #tpu.memory_space<semaphore_mem>>)
    %dma_wait3A_916 = arith.constant 0 : i32
    %dma_wait3A_917 = arith.constant 0 : i32
    %dma_wait3A_918 = arith.constant 0 : i32
    %dma_wait3A_919 = tpu.memref_slice %arg8[%dma_wait3A_916, %dma_wait3A_917, %dma_wait3A_918] : memref<5x16x1024xf32, #tpu.memory_space<vmem>> -> memref<1x16x1024xf32, #tpu.memory_space<vmem>>
    %dma_wait3A_920 = tpu.memref_squeeze %dma_wait3A_919 : memref<1x16x1024xf32, #tpu.memory_space<vmem>> -> memref<16x1024xf32, #tpu.memory_space<vmem>>
    %dma_wait3A_921 = arith.constant 240 : i32
    %dma_wait3A_922 = tpu.memref_slice %arg6[%dma_wait3A_921] : memref<256xi32, #tpu.memory_space<vmem>> -> memref<16xi32, #tpu.memory_space<vmem>>
    %dma_wait3A_923 = arith.constant 0 : i32
    %dma_wait3A_924 = arith.constant 0 : i32
    %dma_wait3A_925 = tpu.memref_slice %arg3[%dma_wait3A_923, %dma_wait3A_924] : memref<100000x1024xf32, #tpu.memory_space<hbm>> -> memref<100000x1024xf32, #tpu.memory_space<hbm>>
    tpu.wait_indirect_dma semaphore(%arg9 : memref<!tpu.dma_semaphore, #tpu.memory_space<semaphore_mem>>) src(%dma_wait3A_925 : memref<100000x1024xf32, #tpu.memory_space<hbm>>) dst(%dma_wait3A_920 : memref<16x1024xf32, #tpu.memory_space<vmem>>)
    %parallel_loop3A_926 = arith.constant 0 : i32
    %parallel_loop3A_927 = arith.constant 1024 : i32
    %parallel_loop3A_928 = arith.constant 1 : i32
    scf.for %parallel_loop3A_1027 = %parallel_loop3A_926 to %parallel_loop3A_927 step %parallel_loop3A_928  : i32 {
      %parallel_loop3A_1028 = arith.constant 6 : i32
      %parallel_loop3A_1029 = arith.shrsi %parallel_loop3A_1027, %parallel_loop3A_1028 : i32
      %parallel_loop3A_1030 = arith.constant 63 : i32
      %parallel_loop3A_1031 = arith.andi %parallel_loop3A_1027, %parallel_loop3A_1030 : i32
      %parallel_loop3A_1032 = arith.constant 16 : i32
      %parallel_loop3A_1033 = arith.muli %parallel_loop3A_1031, %parallel_loop3A_1032 : i32
      %parallel_loop3A_1034 = arith.constant 1 : i32
      %parallel_loop3A_1035 = arith.index_cast %parallel_loop3A_1034 : i32 to index
      %parallel_loop3A_1036 = arith.index_cast %parallel_loop3A_1029 : i32 to index
      %parallel_loop3A_1037 = arith.index_cast %parallel_loop3A_1033 : i32 to index
      %parallel_loop3A_1038 = tpu.vector_load %arg7[%parallel_loop3A_1035, %parallel_loop3A_1036, %parallel_loop3A_1037] {strides = array<i32>} : memref<2x16x1024xf32, #tpu.memory_space<vmem>>, vector<1x1x16xf32>,
      %parallel_loop3A_1039 = vector.shape_cast %parallel_loop3A_1038 : vector<1x1x16xf32> to vector<16xf32>
      %parallel_loop3A_1040 = arith.constant 0 : i32
      %parallel_loop3A_1041 = arith.index_cast %parallel_loop3A_1040 : i32 to index
      %parallel_loop3A_1042 = arith.index_cast %parallel_loop3A_1029 : i32 to index
      %parallel_loop3A_1043 = arith.index_cast %parallel_loop3A_1033 : i32 to index
      %parallel_loop3A_1044 = tpu.vector_load %arg8[%parallel_loop3A_1041, %parallel_loop3A_1042, %parallel_loop3A_1043] {strides = array<i32>} : memref<5x16x1024xf32, #tpu.memory_space<vmem>>, vector<1x1x16xf32>,
      %parallel_loop3A_1045 = vector.shape_cast %parallel_loop3A_1044 : vector<1x1x16xf32> to vector<16xf32>
      %parallel_loop3A_1046 = vector.shape_cast %parallel_loop3A_1039 : vector<16xf32> to vector<1x1x16xf32>
      tpu.vector_store %arg8[%parallel_loop3A_1041, %parallel_loop3A_1042, %parallel_loop3A_1043], %parallel_loop3A_1046 {add = true, strides = array<i32>} : memref<5x16x1024xf32, #tpu.memory_space<vmem>>, vector<1x1x16xf32>,
    } {sc.loop_unroll_factor = 8 : i64, sc.parallel_access}
    %add3A_929 = arith.constant 48 : i32
    %add3A_930 = arith.addi %mul3A_2, %add3A_929 : i32
    %dma_start3A_931 = arith.constant 0 : i32
    %dma_start3A_932 = arith.constant 3 : i32
    %dma_start3A_933 = arith.constant 0 : i32
    %dma_start3A_934 = arith.constant 0 : i32
    %dma_start3A_935 = tpu.memref_slice %arg8[%dma_start3A_931, %dma_start3A_933, %dma_start3A_934] : memref<5x16x1024xf32, #tpu.memory_space<vmem>> -> memref<1x16x1024xf32, #tpu.memory_space<vmem>>
    %dma_start3A_936 = tpu.memref_squeeze %dma_start3A_935 : memref<1x16x1024xf32, #tpu.memory_space<vmem>> -> memref<16x1024xf32, #tpu.memory_space<vmem>>
    %dma_start3A_937 = arith.constant 0 : i32
    %dma_start3A_938 = tpu.memref_slice %arg5[%dma_start3A_932, %add3A_930, %dma_start3A_937] : memref<4x2048x1024xf32, #tpu.memory_space<hbm>> -> memref<1x16x1024xf32, #tpu.memory_space<hbm>>
    %dma_start3A_939 = tpu.memref_squeeze %dma_start3A_938 : memref<1x16x1024xf32, #tpu.memory_space<hbm>> -> memref<16x1024xf32, #tpu.memory_space<hbm>>
    %dma_start3A_940 = arith.constant 0 : i32
    %dma_start3A_941 = tpu.memref_slice %arg5[%dma_start3A_932, %add3A_930, %dma_start3A_940] : memref<4x2048x1024xf32, #tpu.memory_space<hbm>> -> memref<1x16x1024xf32, #tpu.memory_space<hbm>>
    %dma_start3A_942 = tpu.memref_squeeze %dma_start3A_941 : memref<1x16x1024xf32, #tpu.memory_space<hbm>> -> memref<16x1024xf32, #tpu.memory_space<hbm>>
    %dma_start3A_943 = arith.constant 0 : i32
    %dma_start3A_944 = arith.constant 0 : i32
    %dma_start3A_945 = tpu.memref_slice %arg8[%dma_start3A_931, %dma_start3A_943, %dma_start3A_944] : memref<5x16x1024xf32, #tpu.memory_space<vmem>> -> memref<1x16x1024xf32, #tpu.memory_space<vmem>>
    %dma_start3A_946 = tpu.memref_squeeze %dma_start3A_945 : memref<1x16x1024xf32, #tpu.memory_space<vmem>> -> memref<16x1024xf32, #tpu.memory_space<vmem>>
    tpu.enqueue_dma source(%dma_start3A_946 : memref<16x1024xf32, #tpu.memory_space<vmem>>) target(%dma_start3A_942 : memref<16x1024xf32, #tpu.memory_space<hbm>>) target_semaphore(%arg14 : memref<!tpu.dma_semaphore, #tpu.memory_space<semaphore_mem>>)
    %dma_wait3A_947 = arith.constant 1 : i32
    %dma_wait3A_948 = arith.constant 3 : i32
    %dma_wait3A_949 = arith.constant 0 : i32
    %dma_wait3A_950 = arith.constant 0 : i32
    %dma_wait3A_951 = tpu.memref_slice %arg8[%dma_wait3A_947, %dma_wait3A_949, %dma_wait3A_950] : memref<5x16x1024xf32, #tpu.memory_space<vmem>> -> memref<1x16x1024xf32, #tpu.memory_space<vmem>>
    %dma_wait3A_952 = tpu.memref_squeeze %dma_wait3A_951 : memref<1x16x1024xf32, #tpu.memory_space<vmem>> -> memref<16x1024xf32, #tpu.memory_space<vmem>>
    %dma_wait3A_953 = arith.constant 0 : i32
    %dma_wait3A_954 = tpu.memref_slice %arg5[%dma_wait3A_948, %add3A_793, %dma_wait3A_953] : memref<4x2048x1024xf32, #tpu.memory_space<hbm>> -> memref<1x16x1024xf32, #tpu.memory_space<hbm>>
    %dma_wait3A_955 = tpu.memref_squeeze %dma_wait3A_954 : memref<1x16x1024xf32, #tpu.memory_space<hbm>> -> memref<16x1024xf32, #tpu.memory_space<hbm>>
    %dma_wait3A_956 = arith.constant 0 : i32
    %dma_wait3A_957 = tpu.memref_slice %arg5[%dma_wait3A_948, %add3A_793, %dma_wait3A_956] : memref<4x2048x1024xf32, #tpu.memory_space<hbm>> -> memref<1x16x1024xf32, #tpu.memory_space<hbm>>
    %dma_wait3A_958 = tpu.memref_squeeze %dma_wait3A_957 : memref<1x16x1024xf32, #tpu.memory_space<hbm>> -> memref<16x1024xf32, #tpu.memory_space<hbm>>
    %dma_wait3A_959 = arith.constant 0 : i32
    %dma_wait3A_960 = arith.constant 0 : i32
    %dma_wait3A_961 = tpu.memref_slice %arg8[%dma_wait3A_947, %dma_wait3A_959, %dma_wait3A_960] : memref<5x16x1024xf32, #tpu.memory_space<vmem>> -> memref<1x16x1024xf32, #tpu.memory_space<vmem>>
    %dma_wait3A_962 = tpu.memref_squeeze %dma_wait3A_961 : memref<1x16x1024xf32, #tpu.memory_space<vmem>> -> memref<16x1024xf32, #tpu.memory_space<vmem>>
    tpu.wait_dma2 semaphore(%arg15 : memref<!tpu.dma_semaphore, #tpu.memory_space<semaphore_mem>>) src(%dma_wait3A_962 : memref<16x1024xf32, #tpu.memory_space<vmem>>) dst(%dma_wait3A_958 : memref<16x1024xf32, #tpu.memory_space<hbm>>)
    %dma_wait3A_963 = arith.constant 2 : i32
    %dma_wait3A_964 = arith.constant 0 : i32
    %dma_wait3A_965 = arith.constant 0 : i32
    %dma_wait3A_966 = arith.constant 0 : i32
    %dma_wait3A_967 = tpu.memref_slice %arg8[%dma_wait3A_963, %dma_wait3A_965, %dma_wait3A_966] : memref<5x16x1024xf32, #tpu.memory_space<vmem>> -> memref<1x16x1024xf32, #tpu.memory_space<vmem>>
    %dma_wait3A_968 = tpu.memref_squeeze %dma_wait3A_967 : memref<1x16x1024xf32, #tpu.memory_space<vmem>> -> memref<16x1024xf32, #tpu.memory_space<vmem>>
    %dma_wait3A_969 = arith.constant 0 : i32
    %dma_wait3A_970 = tpu.memref_slice %arg5[%dma_wait3A_964, %add3A_837, %dma_wait3A_969] : memref<4x2048x1024xf32, #tpu.memory_space<hbm>> -> memref<1x16x1024xf32, #tpu.memory_space<hbm>>
    %dma_wait3A_971 = tpu.memref_squeeze %dma_wait3A_970 : memref<1x16x1024xf32, #tpu.memory_space<hbm>> -> memref<16x1024xf32, #tpu.memory_space<hbm>>
    %dma_wait3A_972 = arith.constant 0 : i32
    %dma_wait3A_973 = tpu.memref_slice %arg5[%dma_wait3A_964, %add3A_837, %dma_wait3A_972] : memref<4x2048x1024xf32, #tpu.memory_space<hbm>> -> memref<1x16x1024xf32, #tpu.memory_space<hbm>>
    %dma_wait3A_974 = tpu.memref_squeeze %dma_wait3A_973 : memref<1x16x1024xf32, #tpu.memory_space<hbm>> -> memref<16x1024xf32, #tpu.memory_space<hbm>>
    %dma_wait3A_975 = arith.constant 0 : i32
    %dma_wait3A_976 = arith.constant 0 : i32
    %dma_wait3A_977 = tpu.memref_slice %arg8[%dma_wait3A_963, %dma_wait3A_975, %dma_wait3A_976] : memref<5x16x1024xf32, #tpu.memory_space<vmem>> -> memref<1x16x1024xf32, #tpu.memory_space<vmem>>
    %dma_wait3A_978 = tpu.memref_squeeze %dma_wait3A_977 : memref<1x16x1024xf32, #tpu.memory_space<vmem>> -> memref<16x1024xf32, #tpu.memory_space<vmem>>
    tpu.wait_dma2 semaphore(%arg16 : memref<!tpu.dma_semaphore, #tpu.memory_space<semaphore_mem>>) src(%dma_wait3A_978 : memref<16x1024xf32, #tpu.memory_space<vmem>>) dst(%dma_wait3A_974 : memref<16x1024xf32, #tpu.memory_space<hbm>>)
    %dma_wait3A_979 = arith.constant 3 : i32
    %dma_wait3A_980 = arith.constant 1 : i32
    %dma_wait3A_981 = arith.constant 0 : i32
    %dma_wait3A_982 = arith.constant 0 : i32
    %dma_wait3A_983 = tpu.memref_slice %arg8[%dma_wait3A_979, %dma_wait3A_981, %dma_wait3A_982] : memref<5x16x1024xf32, #tpu.memory_space<vmem>> -> memref<1x16x1024xf32, #tpu.memory_space<vmem>>
    %dma_wait3A_984 = tpu.memref_squeeze %dma_wait3A_983 : memref<1x16x1024xf32, #tpu.memory_space<vmem>> -> memref<16x1024xf32, #tpu.memory_space<vmem>>
    %dma_wait3A_985 = arith.constant 0 : i32
    %dma_wait3A_986 = tpu.memref_slice %arg5[%dma_wait3A_980, %add3A_868, %dma_wait3A_985] : memref<4x2048x1024xf32, #tpu.memory_space<hbm>> -> memref<1x16x1024xf32, #tpu.memory_space<hbm>>
    %dma_wait3A_987 = tpu.memref_squeeze %dma_wait3A_986 : memref<1x16x1024xf32, #tpu.memory_space<hbm>> -> memref<16x1024xf32, #tpu.memory_space<hbm>>
    %dma_wait3A_988 = arith.constant 0 : i32
    %dma_wait3A_989 = tpu.memref_slice %arg5[%dma_wait3A_980, %add3A_868, %dma_wait3A_988] : memref<4x2048x1024xf32, #tpu.memory_space<hbm>> -> memref<1x16x1024xf32, #tpu.memory_space<hbm>>
    %dma_wait3A_990 = tpu.memref_squeeze %dma_wait3A_989 : memref<1x16x1024xf32, #tpu.memory_space<hbm>> -> memref<16x1024xf32, #tpu.memory_space<hbm>>
    %dma_wait3A_991 = arith.constant 0 : i32
    %dma_wait3A_992 = arith.constant 0 : i32
    %dma_wait3A_993 = tpu.memref_slice %arg8[%dma_wait3A_979, %dma_wait3A_991, %dma_wait3A_992] : memref<5x16x1024xf32, #tpu.memory_space<vmem>> -> memref<1x16x1024xf32, #tpu.memory_space<vmem>>
    %dma_wait3A_994 = tpu.memref_squeeze %dma_wait3A_993 : memref<1x16x1024xf32, #tpu.memory_space<vmem>> -> memref<16x1024xf32, #tpu.memory_space<vmem>>
    tpu.wait_dma2 semaphore(%arg17 : memref<!tpu.dma_semaphore, #tpu.memory_space<semaphore_mem>>) src(%dma_wait3A_994 : memref<16x1024xf32, #tpu.memory_space<vmem>>) dst(%dma_wait3A_990 : memref<16x1024xf32, #tpu.memory_space<hbm>>)
    %dma_wait3A_995 = arith.constant 4 : i32
    %dma_wait3A_996 = arith.constant 2 : i32
    %dma_wait3A_997 = arith.constant 0 : i32
    %dma_wait3A_998 = arith.constant 0 : i32
    %dma_wait3A_999 = tpu.memref_slice %arg8[%dma_wait3A_995, %dma_wait3A_997, %dma_wait3A_998] : memref<5x16x1024xf32, #tpu.memory_space<vmem>> -> memref<1x16x1024xf32, #tpu.memory_space<vmem>>
    %dma_wait3A_1000 = tpu.memref_squeeze %dma_wait3A_999 : memref<1x16x1024xf32, #tpu.memory_space<vmem>> -> memref<16x1024xf32, #tpu.memory_space<vmem>>
    %dma_wait3A_1001 = arith.constant 0 : i32
    %dma_wait3A_1002 = tpu.memref_slice %arg5[%dma_wait3A_996, %add3A_899, %dma_wait3A_1001] : memref<4x2048x1024xf32, #tpu.memory_space<hbm>> -> memref<1x16x1024xf32, #tpu.memory_space<hbm>>
    %dma_wait3A_1003 = tpu.memref_squeeze %dma_wait3A_1002 : memref<1x16x1024xf32, #tpu.memory_space<hbm>> -> memref<16x1024xf32, #tpu.memory_space<hbm>>
    %dma_wait3A_1004 = arith.constant 0 : i32
    %dma_wait3A_1005 = tpu.memref_slice %arg5[%dma_wait3A_996, %add3A_899, %dma_wait3A_1004] : memref<4x2048x1024xf32, #tpu.memory_space<hbm>> -> memref<1x16x1024xf32, #tpu.memory_space<hbm>>
    %dma_wait3A_1006 = tpu.memref_squeeze %dma_wait3A_1005 : memref<1x16x1024xf32, #tpu.memory_space<hbm>> -> memref<16x1024xf32, #tpu.memory_space<hbm>>
    %dma_wait3A_1007 = arith.constant 0 : i32
    %dma_wait3A_1008 = arith.constant 0 : i32
    %dma_wait3A_1009 = tpu.memref_slice %arg8[%dma_wait3A_995, %dma_wait3A_1007, %dma_wait3A_1008] : memref<5x16x1024xf32, #tpu.memory_space<vmem>> -> memref<1x16x1024xf32, #tpu.memory_space<vmem>>
    %dma_wait3A_1010 = tpu.memref_squeeze %dma_wait3A_1009 : memref<1x16x1024xf32, #tpu.memory_space<vmem>> -> memref<16x1024xf32, #tpu.memory_space<vmem>>
    tpu.wait_dma2 semaphore(%arg18 : memref<!tpu.dma_semaphore, #tpu.memory_space<semaphore_mem>>) src(%dma_wait3A_1010 : memref<16x1024xf32, #tpu.memory_space<vmem>>) dst(%dma_wait3A_1006 : memref<16x1024xf32, #tpu.memory_space<hbm>>)
    %dma_wait3A_1011 = arith.constant 0 : i32
    %dma_wait3A_1012 = arith.constant 3 : i32
    %dma_wait3A_1013 = arith.constant 0 : i32
    %dma_wait3A_1014 = arith.constant 0 : i32
    %dma_wait3A_1015 = tpu.memref_slice %arg8[%dma_wait3A_1011, %dma_wait3A_1013, %dma_wait3A_1014] : memref<5x16x1024xf32, #tpu.memory_space<vmem>> -> memref<1x16x1024xf32, #tpu.memory_space<vmem>>
    %dma_wait3A_1016 = tpu.memref_squeeze %dma_wait3A_1015 : memref<1x16x1024xf32, #tpu.memory_space<vmem>> -> memref<16x1024xf32, #tpu.memory_space<vmem>>
    %dma_wait3A_1017 = arith.constant 0 : i32
    %dma_wait3A_1018 = tpu.memref_slice %arg5[%dma_wait3A_1012, %add3A_930, %dma_wait3A_1017] : memref<4x2048x1024xf32, #tpu.memory_space<hbm>> -> memref<1x16x1024xf32, #tpu.memory_space<hbm>>
    %dma_wait3A_1019 = tpu.memref_squeeze %dma_wait3A_1018 : memref<1x16x1024xf32, #tpu.memory_space<hbm>> -> memref<16x1024xf32, #tpu.memory_space<hbm>>
    %dma_wait3A_1020 = arith.constant 0 : i32
    %dma_wait3A_1021 = tpu.memref_slice %arg5[%dma_wait3A_1012, %add3A_930, %dma_wait3A_1020] : memref<4x2048x1024xf32, #tpu.memory_space<hbm>> -> memref<1x16x1024xf32, #tpu.memory_space<hbm>>
    %dma_wait3A_1022 = tpu.memref_squeeze %dma_wait3A_1021 : memref<1x16x1024xf32, #tpu.memory_space<hbm>> -> memref<16x1024xf32, #tpu.memory_space<hbm>>
    %dma_wait3A_1023 = arith.constant 0 : i32
    %dma_wait3A_1024 = arith.constant 0 : i32
    %dma_wait3A_1025 = tpu.memref_slice %arg8[%dma_wait3A_1011, %dma_wait3A_1023, %dma_wait3A_1024] : memref<5x16x1024xf32, #tpu.memory_space<vmem>> -> memref<1x16x1024xf32, #tpu.memory_space<vmem>>
    %dma_wait3A_1026 = tpu.memref_squeeze %dma_wait3A_1025 : memref<1x16x1024xf32, #tpu.memory_space<vmem>> -> memref<16x1024xf32, #tpu.memory_space<vmem>>
    tpu.wait_dma2 semaphore(%arg14 : memref<!tpu.dma_semaphore, #tpu.memory_space<semaphore_mem>>) src(%dma_wait3A_1026 : memref<16x1024xf32, #tpu.memory_space<vmem>>) dst(%dma_wait3A_1022 : memref<16x1024xf32, #tpu.memory_space<hbm>>)
    return
  }
}

</mosaic_0001>

<sc_bundles>
// kernel: kernel.3.cloned.1.call-start
scs
__scs_entry_jumppad:
0x0: {  	(pc) =	sbr.rel $0x88, $3  }
0x1: {  	(tag) =	ssettag $0x0;
	lr =	simm.s32 $0x1  }
0x2: {  	[smem:$0x3F9E] =	sst lr;
	_ =	strace $0xD0000000  }
0x3: {  	_ = 	snop  }
0x4: {  	_ = 	snop  }
0x5: {  	_ = 	snop  }
0x6: {  	_ = 	snop  }
0x7: {  	_ = 	snop  }
__scs_overlays_trampoline_lowered:
0x8: {  	[smem:$0x3FAD] =	sst s0  }
0x9: {  	[smem:$0x3FAE] =	sst s1  }
0xa: {  	[smem:$0x3FAF] =	sst s2  }
0xb: {  	[smem:$0x3FB0] =	sst s3  }
0xc: {  	[smem:$0x3FB1] =	sst s4  }
0xd: {  	[smem:$0x3FB2] =	sst s5  }
0xe: {  	[smem:$0x3FB3] =	sst s6  }
0xf: {  	[smem:$0x3FB4] =	sst s7  }
0x10: {  	[smem:$0x3FB5] =	sst s8  }
0x11: {  	[smem:$0x3FB6] =	sst s9;
	s0 =	simm.s32 @!p0 $0x0  }
0x12: {  	s1 =	sld [smem:$0x3F9C];
	s0 =	simm.s32 @p0 $0x1  }
0x13: {  	[smem:$0x3FB7] =	sst s0;
	s0 =	simm.s32 @!p1 $0x0  }
0x14: {  	s2 =	sld [smem:$0x3F9B];
	s0 =	simm.s32 @p1 $0x1  }
0x15: {  	[smem:$0x3FB8] =	sst s0;
	s0 =	simm.s32 @!p2 $0x0  }
0x16: {  	s3 =	sld [smem:$0x3FDB];
	s0 =	simm.s32 @p2 $0x1  }
0x17: {  	s4 =	simm.s32 $0x1BF5;
	[smem:$0x3FBA] =	sst s0  }
0x18: {  	s0 =	sld [smem:$0x3F9D];
	_ =	swait.ge [sflag:s4], $0x0  }
0x19: {  	s7 =	sld [smem:$0x3F9E]  }
0x1a: {  	s8 =	sadd.s32 $0xFFFFE003, lr  }
0x1b: {  	s9 =	sadd.s32 $0xFFFFFEF7, lr;
	s5 =	simm.s32 $0xFFFFFFFF;
	p2 =	slt.u32 s8, $0xFFFFF086  }
0x1c: {  	p1 =	slt.u32 s9, $0xF7A;
	s5 =	simm.s32 @!p2 $0x0  }
0x1d: {  	s5 =	simm.s32 @p1 $0x1;
	p0 =	seq.s32 s7, s2  }
0x1e: {  	s7 =	smul.u32 @!p0 $0xF7A, s2;
	p2 =	seq.s32 @!p0 s5, $0x0  }
0x1f: {  	s9 =	smul.u32 $0xF7A, s1;
	s8 =	simm.s32 @!p0 $0x1BF5;
	p2 =	por !p2, p0  }
0x20: {  	[sflag:s8] =	ssyncset.s32 @!p0 $0xFFFFF086;
	s6 =	sadd.s32 @!p0 s3, s7;
	s7 =	simm.s32 @!p0 $0x108  }
0x21: {  	s3 =	sadd.s32 s3, s9;
	s6 =	sadd.s32 @!p0 $0x88, s6;
	s7 =	simm.s32 @p2 $0x1082  }
0x22: {  	[simem:s7], [sflag:s8] =	dma.local @!p0 [hbm:s6], $0xF7A  }
0x23: {  	s9 =	sor.u32 $0xD0000000, s2;
	s6 =	simm.s32 $0x108;
	_ =	swait.ge @!p0 [sflag:s8], $0x0  }
0x24: {  	s3 =	sadd.s32 $0x88, s3;
	s6 =	simm.s32 @!p1 $0x1082;
	[sflag:s4] =	ssyncset.s32 $0xFFFFF086  }
0x25: {  	[simem:s6], [sflag:s4] =	dma.local [hbm:s3], $0xF7A  }
0x26: {  	[smem:$0x3F9E] =	sst s1;
	(tag) =	ssettag s2;
	_ =	strace s9  }
0x27: {  	s1 =	sld [smem:$0x3FAE]  }
0x28: {  	s2 =	sld [smem:$0x3FAF]  }
0x29: {  	s4 =	sld [smem:$0x3FB1]  }
0x2a: {  	p0 =	seq.s32 s5, $0x0;
	s5 =	sld [smem:$0x3FB2]  }
0x2b: {  	s6 =	sld [smem:$0x3FB3]  }
0x2c: {  	s7 =	sld [smem:$0x3FB4]  }
0x2d: {  	s3 =	simm.s32 $0x108;
	s8 =	sld [smem:$0x3FB5]  }
0x2e: {  	s3 =	simm.s32 @!p0 $0x1082;
	s9 =	sld [smem:$0x3FB6]  }
0x2f: {  	lr =	sadd.s32 s0, s3;
	s0 =	sld [smem:$0x3FAD]  }
0x30: {  	s3 =	sld [smem:$0x3FB0]  }
0x31: {  	[smem:$0x3FB9] =	sst s10  }
0x32: {  	s10 =	sld [smem:$0x3FB7];
	_ =	sdelay $0x3  }
0x33: {  	p0 =	seq.s32 s10, $0x1;
	s10 =	sld [smem:$0x3FB9];
	_ =	sdelay $0x3  }
0x34: {  	[smem:$0x3FB9] =	sst s10  }
0x35: {  	s10 =	sld [smem:$0x3FB8];
	_ =	sdelay $0x3  }
0x36: {  	p1 =	seq.s32 s10, $0x1;
	s10 =	sld [smem:$0x3FB9];
	_ =	sdelay $0x3  }
0x37: {  	[smem:$0x3FB9] =	sst s10  }
0x38: {  	s10 =	sld [smem:$0x3FBA]  }
0x39: {  	_ = 	snop;
	(pc) =	sbr.ind lr, $3  }
0x3a: {  	_ = 	snop  }
0x3b: {  	_ = 	snop  }
0x3c: {  	p2 =	seq.s32 s10, $0x1;
	s10 =	sld [smem:$0x3FB9]  }
0x3d: {  	_ =	shalt  }
0x3e: {  	_ =	shalt  }
0x3f: {  	_ =	shalt  }
0x40: {  	_ =	shalt  }
0x41: {  	_ =	shalt  }
0x42: {  	_ =	shalt  }
0x43: {  	_ =	shalt  }
0x44: {  	_ =	shalt  }
0x45: {  	_ =	shalt  }
0x46: {  	_ =	shalt  }
0x47: {  	_ =	shalt  }
0x48: {  	_ =	shalt  }
0x49: {  	_ =	shalt  }
0x4a: {  	_ =	shalt  }
0x4b: {  	_ =	shalt  }
0x4c: {  	_ =	shalt  }
0x4d: {  	_ =	shalt  }
0x4e: {  	_ =	shalt  }
0x4f: {  	_ =	shalt  }
0x50: {  	_ =	shalt  }
0x51: {  	_ =	shalt  }
0x52: {  	_ =	shalt  }
0x53: {  	_ =	shalt  }
0x54: {  	_ =	shalt  }
0x55: {  	_ =	shalt  }
0x56: {  	_ =	shalt  }
0x57: {  	_ =	shalt  }
0x58: {  	_ =	shalt  }
0x59: {  	_ =	shalt  }
0x5a: {  	_ =	shalt  }
0x5b: {  	_ =	shalt  }
0x5c: {  	_ =	shalt  }
0x5d: {  	_ =	shalt  }
0x5e: {  	_ =	shalt  }
0x5f: {  	_ =	shalt  }
0x60: {  	_ =	shalt  }
0x61: {  	_ =	shalt  }
0x62: {  	_ =	shalt  }
0x63: {  	_ =	shalt  }
0x64: {  	_ =	shalt  }
0x65: {  	_ =	shalt  }
0x66: {  	_ =	shalt  }
0x67: {  	_ =	shalt  }
0x68: {  	_ =	shalt  }
0x69: {  	_ =	shalt  }
0x6a: {  	_ =	shalt  }
0x6b: {  	_ =	shalt  }
0x6c: {  	_ =	shalt  }
0x6d: {  	_ =	shalt  }
0x6e: {  	_ =	shalt  }
0x6f: {  	_ =	shalt  }
0x70: {  	_ =	shalt  }
0x71: {  	_ =	shalt  }
0x72: {  	_ =	shalt  }
0x73: {  	_ =	shalt  }
0x74: {  	_ =	shalt  }
0x75: {  	_ =	shalt  }
0x76: {  	_ =	shalt  }
0x77: {  	_ =	shalt  }
0x78: {  	_ =	shalt  }
0x79: {  	_ =	shalt  }
0x7a: {  	_ =	shalt  }
0x7b: {  	_ =	shalt  }
0x7c: {  	_ =	shalt  }
0x7d: {  	_ =	shalt  }
0x7e: {  	_ =	shalt  }
0x7f: {  	_ =	shalt  }
0x80: {  	_ =	shalt  }
0x81: {  	_ =	shalt  }
0x82: {  	_ =	shalt  }
0x83: {  	_ =	shalt  }
0x84: {  	_ =	shalt  }
0x85: {  	_ =	shalt  }
0x86: {  	_ =	shalt  }
0x87: {  	_ =	shalt  }
.Lfunc_end0:
.L_simem_size_0:
called_computation_lowered:
.L_overlay_start_0:
0x88: {  	s2 =	sld [smem:$0x3FD9]  }
0x89: {  	s3 =	sld [smem:$0x3FFE];
	_ =	sdelay $0x1  }
0x8a: {  	s1 =	srdreg.scid  }
0x8b: {  	s0 =	sand.u32 $0x1, s1  }
0x8c: {  	s18 =	sshll.u32 s0, $0xA;
	s2 =	sadd.s32 s3, s2  }
0x8d: {  	s2 =	sadd.s32 s2, s18  }
0x8e: {  	[smem:$0x3FC5] =	sst s2  }
0x8f: {  	_ = 	snop  }
0x90: {  	s2 =	sld [smem:$0x3FC9]  }
0x91: {  	s19 =	sld [smem:$0x3FC8]  }
0x92: {  	s4 =	sld [smem:$0x3FC7]  }
0x93: {  	s5 =	sld [smem:$0x3FD0];
	(tm) =	ssettm $0x1  }
0x94: {  	s6 =	sld [smem:$0x3FFB];
	_ =	sdelay $0x3  }
0x95: {  	_ =	strace s6  }
0x96: {  	s6 =	sld [smem:$0x3FFC];
	_ =	sdelay $0x3  }
0x97: {  	_ =	strace s6  }
0x98: {  	s6 =	sld [smem:$0x3FFD];
	_ =	sdelay $0x3  }
0x99: {  	_ =	strace s6  }
0x9a: {  	_ =	strace $0x8FFFFFFF  }
0x9b: {  	s20 =	sld [smem:$0x3FDB];
	_ =	sdelay $0x1  }
0x9c: {  	s7 =	simm.s32 $_scs_section_size  }
0x9d: {  	s8 =	simm.s32 $_size__tile_overlayer_lowered;
	s9 =	simm.s32 $_tile_overlayer_lowered  }
0x9e: {  	s23 =	simm.s32 $0x1BFF;
	s22 =	sshll.u32 s9, $0x1;
	s6 =	sadd.s32 s7, s20  }
0x9f: {  	s10 =	simm.s32 $0x0;
	s21 =	sshll.u32 s8, $0x1;
	s8 =	sadd.s32 s22, s6  }
0xa0: {  	[timem:s10], [sflag:s23] =	dma.local [hbm:s8], s21  }
0xa1: {  	_ =	swait.ge [sflag:s23], s21  }
0xa2: {  	s7 =	ssub.s32 $0x0, s21;
	[sflag:s23] =	ssyncset.done $0x0  }
0xa3: {  	[sflag:s23] =	ssyncadd.s32 s7;
	_ =	sdelay $0x1  }
0xa4: {  	s24 =	simm.s32 $0x1B8B  }
0xa5: {  	_ =	swait.ge [sflag:s24], $0x1  }
0xa6: {  	[sflag:s24] =	ssyncset.done $0x0  }
0xa7: {  	s25 =	simm.s32 $0x1B8E;
	[sflag:s24] =	ssyncadd.s32 $0xFFFFFFFF  }
0xa8: {  	s26 =	simm.s32 $execute0_lowered;
	[smem:$0x3FD2] =	sst s25  }
0xa9: {  	s7 =	sshll.u32 s26, $0x1;
	_ =	strace $0x80000046;
	[dreg:$0x1] =	wrdreg $0xFFFFFFFF  }
0xaa: {  	s28 =	simm.s32 $_size_execute0_lowered;
	s6 =	sadd.s32 s6, s7;
	[dreg:$0x0] =	wrdreg $0x0  }
0xab: {  	s7 =	sshll.u32 s28, $0x1;
	[dreg:$0x2] =	wrdreg s6  }
0xac: {  	[dreg:$0x3] =	wrdreg s7  }
0xad: {  	[dreg:$0x4] =	wrdreg $0xC0  }
0xae: {  	_ =	task [dreg:s10], $0x5FFFF  }
0xaf: {  	[dreg:$0x1] =	wrdreg $0xFFFFFFFF  }
0xb0: {  	[dreg:$0x0] =	wrdreg $0x60  }
0xb1: {  	[dreg:$0x2] =	wrdreg s2  }
0xb2: {  	[dreg:$0x3] =	wrdreg s19  }
0xb3: {  	[dreg:$0x4] =	wrdreg s4  }
0xb4: {  	[dreg:$0x5] =	wrdreg s5  }
0xb5: {  	[dreg:$0x6] =	wrdreg $0x9  }
0xb6: {  	_ =	task.clear_ibuf [dreg:s10], $0x7FFFF;
	_ =	strace $0x90000046  }
0xb7: {  	s29 =	simm.s32 $0x9;
	_ =	strace $0x80000048  }
0xb8: {  	_ =	swait.ge [sflag:s29], $0x1  }
0xb9: {  	[sflag:s29] =	ssyncadd.s32 $0xFFFFFFFF  }
0xba: {  	_ =	strace $0x90000048  }
0xbb: {  	_ =	sfence  }
0xbc: {  	s30 =	sld [smem:$0x0];
	_ =	sdelay $0x2  }
0xbd: {  	s31 =	sshll.u32 s1, $0xD;
	s1 =	sshrl.u32 s1, $0x2  }
0xbe: {  	s3 =	sand.u32 $0x4000, s31;
	s1 =	sadd.s32 s1, s30  }
0xbf: {  	s0 =	sor.u32 s3, s0;
	s1 =	sshll.u32 s1, $0x11  }
0xc0: {  	s0 =	sor.u32 s1, s0  }
0xc1: {  	s0 =	sadd.s32 $0x8F2B, s0  }
0xc2: {  	[sflag:s0] =	ssyncadd.remote.s32 $0x1  }
0xc3: {  	_ =	sfence.sel $0xFFFF  }
0xc4: {  	[dreg:$0x0] =	wrdreg $0xFFFFFFFF;
	(pc) =	sbr.abs _section_cstart, $3  }
0xc5: {  	[dreg:$0x1] =	wrdreg $0xFFFFFFFF  }
0xc6: {  	_ =	task.clear_ibuf [dreg:s10], $0x2FFFF;
	_ =	strace $0x9FFFFFFF  }
0xc7: {  	(tm) =	ssettm $0x7FFFFFFF  }
tec
execute0_lowered:
.L_overlay_start_1:
0x0: {  	(tag) =	ssettag $0x1  }
0x1: {  	s0 =	rddreg [dreg:$0x0]  }
0x2: {  	s1 =	rddreg [dreg:$0x1]  }
0x3: {  	s2 =	srdreg.scid;
	s4 =	rddreg [dreg:$0x2]  }
0x4: {  	s3 =	stileid.u32;
	s5 =	rddreg [dreg:$0x3]  }
0x5: {  	s28 =	simm.s32 $0x8;
	s2 =	sand.u32 $0x1, s2;
	s7 =	sshll.u32 s3, $0x6  }
0x6: {  	s3 =	simm.s32 $0x0;
	s6 =	sshll.u32 s2, $0xA;
	s2 =	ssub.s32 $0x2, s2  }
0x7: {  	[smem:$0x7FF] =	sst s3;
	s6 =	sor.u32 s7, s6;
	s9 =	sshrl.u32 s2, $0x1  }
0x8: {  	s7 =	sand.u32 $0x40, s7;
	_ =	strace $0x80000047;
	s8 =	sshll.u32 s6, $0x2  }
0x9: {  	s2 =	ssub.s32 s2, s9;
	s17 =	sshll.u32 s6, $0x7;
	s10 =	sand.u32 $0x1E00, s8  }
0xa: {  	s19 =	sadd.s32 s4, s17;
	s21 =	sor.u32 $0x800, s17;
	s26 =	sor.u32 $0x1000, s17  }
0xb: {  	s15 =	sor.u32 $0x1800, s17;
	[dreg:$0x5] =	wrdreg s19;
	s22 =	sadd.s32 s4, s21  }
0xc: {  	s16 =	sor.u32 s7, s10;
	s13 =	sadd.s32 s4, s26;
	[dreg:$0xb] =	wrdreg s22  }
0xd: {  	s7 =	sor.u32 s7, s8;
	s14 =	sadd.s32 s5, s21;
	[dreg:$0xf] =	wrdreg s13  }
0xe: {  	s4 =	sadd.s32 s4, s15;
	s18 =	sshrl.u32 s16, $0x3;
	[dreg:$0x10] =	wrdreg s14  }
0xf: {  	s20 =	sshrl.u32 s7, $0x3;
	[dreg:$0x13] =	wrdreg s4;
	s12 =	sadd.s32 s0, s18  }
0x10: {  	s11 =	sor.u32 $0x20, s20;
	s18 =	sadd.s32 s5, s15;
	[dreg:$0x6] =	wrdreg s12  }
0x11: {  	s9 =	sor.u32 $0x30, s20;
	s20 =	smax.u32 s2, $0x1;
	[dreg:$0x15] =	wrdreg s18  }
0x12: {  	s29 =	simm.s32 $0x4;
	s12 =	sadd.s32 $0x10, s12;
	[dreg:$0x17] =	wrdreg s20  }
0x13: {  	s30 =	simm.s32 $0x9;
	s11 =	sadd.s32 s0, s11;
	[dreg:$0x7] =	wrdreg s12  }
0x14: {  	s31 =	simm.s32 $0xC;
	s0 =	sadd.s32 s0, s9;
	[dreg:$0x8] =	wrdreg s11  }
0x15: {  	s6 =	sadd.s32 $0x100, s1;
	[dreg:$0xa] =	wrdreg s0;
	s0 =	sadd.s32 s5, s26  }
0x16: {  	s8 =	sadd.s32 $0x300, s1;
	s12 =	sadd.s32 s5, s17;
	[dreg:$0x14] =	wrdreg s0  }
0x17: {  	s7 =	sadd.s32 $0x200, s1;
	s23 =	sadd.s32 $0x40000, s12;
	[dreg:$0x9] =	wrdreg s12  }
0x18: {  	s4 =	simm.s32 $0xD;
	s24 =	sadd.s32 $0x80000, s12;
	[dreg:$0xc] =	wrdreg s23  }
0x19: {  	s2 =	simm.s32 $0x5;
	s25 =	sadd.s32 $0xC0000, s12;
	[dreg:$0xd] =	wrdreg s24  }
0x1a: {  	s9 =	simm.s32 $0x8100;
	s16 =	sadd.s32 $0x40800, s12;
	[dreg:$0xe] =	wrdreg s25  }
0x1b: {  	s20 =	simm.s32 $0x1;
	s17 =	sadd.s32 $0x80800, s12;
	[dreg:$0x11] =	wrdreg s16  }
0x1c: {  	s18 =	simm.s32 $0x0;
	s19 =	sadd.s32 $0xC0800, s12;
	[dreg:$0x12] =	wrdreg s17  }
0x1d: {  	s11 =	simm.s32 $0x14100;
	s21 =	sadd.s32 $0x41000, s12;
	[dreg:$0x16] =	wrdreg s19  }
0x1e: {  	s5 =	simm.s32 $0xA;
	s22 =	sadd.s32 $0x81000, s12;
	[dreg:$0x18] =	wrdreg s21  }
0x1f: {  	s26 =	sadd.s32 $0xC1800, s12;
	[dreg:$0x19] =	wrdreg s22;
	s23 =	sadd.s32 $0xC1000, s12  }
0x20: {  	s24 =	sadd.s32 $0x41800, s12;
	s25 =	sadd.s32 $0x81800, s12;
	[dreg:$0x1d] =	wrdreg s26  }
0x21: {  	s16 =	simm.s32 $0xB900;
	s17 =	simm.s32 $0xC100;
	[dreg:$0x1a] =	wrdreg s23  }
0x22: {  	v2 =	vlaneseq.u32;
	s26 =	simm.s32 $0x18100;
	s19 =	simm.s32 $0xB;
	[dreg:$0x1b] =	wrdreg s24  }
0x23: {  	vm0 =	vmmov $0xffff;
	v1 =	vshrl.u32 v2, $0x3;
	s21 =	simm.s32 $0x6;
	s22 =	simm.s32 $0x2;
	[dreg:$0x1c] =	wrdreg s25  }
0x24: {  	v0 =	vand.u32 $0x7, v2;
	v2 =	vor.u32 $0x8, v2;
	v1 =	vmul.u32 $0x8, v1;
	s25 =	simm.s32 $0x10100;
	s23 =	simm.s32 $0x7;
	s24 =	simm.s32 $0x3  }
.LBB2_1:
0x25: {  	s0 =	rddreg [dreg:$0x5];
	s10 =	simm.s32 $0x100  }
0x26: {  	[tilespmem:s10], [sflag:$0xB] =	stream.linear.gather [hbm4b:s0+s3], $0x4000, $0x38;
	[tilespmem:$0x1C100] =	vst v63  }
0x27: {  	s12 =	rddreg [dreg:$0x6]  }
0x28: {  	[tilespmem:s3], [sflag:$0xD] =	stream.linear.gather [hbm4b:s12+s3], $0x40, $0x38;
	[tilespmem:$0x1C100] =	vst v63  }
0x29: {  	_ =	swait.ge [sflag:s4], $0x40  }
0x2a: {  	[sflag:s4] =	ssyncset.done $0x0  }
0x2b: {  	[sflag:s4] =	ssyncadd.s32 $0xFFFFFFC0  }
0x2c: {  	v3 =	vld [tilespmem:$0x0];
	_ =	sdelay $0x4  }
0x2d: {  	v4 =	vshll.u32 v3, $0x3  }
0x2e: {  	v3 =	vand.u32 $0x7, v3;
	v4 =	vand.u32 $0xFFFFFFC0, v4  }
0x2f: {  	v3 =	vor.u32 v3, v4  }
0x30: {  	v4 =	vperm.xlane v3, v0;
	_ =	sdelay $0x1  }
0x31: {  	v4 =	vadd.s32 v1, v4;
	_ =	sdelay $0x4  }
0x32: {  	[tilespmem:s9], [sflag:$0x1] =	stream.indirect_vreg.gather [hbm4b:s1+s3], $0x80, v4, vm0, $0xb8;
	[tilespmem:$0x1C100] =	vst v63  }
0x33: {  	s13 =	simm.s32 $0x8900;
	v3 =	vperm.xlane v3, v2  }
0x34: {  	[tilespmem:s13], [sflag:$0x1] =	stream.indirect_vreg.gather [hbm4b:s6+s3], $0x80, v4, vm0, $0xb8;
	[tilespmem:$0x1C100] =	vst v63  }
0x35: {  	s14 =	simm.s32 $0x9100;
	v3 =	vadd.s32 v1, v3  }
0x36: {  	[tilespmem:s14], [sflag:$0x1] =	stream.indirect_vreg.gather [hbm4b:s7+s3], $0x80, v4, vm0, $0xb8;
	[tilespmem:$0x1C100] =	vst v63  }
0x37: {  	s15 =	simm.s32 $0x9900  }
0x38: {  	[tilespmem:s15], [sflag:$0x1] =	stream.indirect_vreg.gather [hbm4b:s8+s3], $0x80, v4, vm0, $0xb8;
	[tilespmem:$0x1C100] =	vst v63  }
0x39: {  	s10 =	simm.s32 $0xA100  }
0x3a: {  	[tilespmem:s10], [sflag:$0x1] =	stream.indirect_vreg.gather [hbm4b:s1+s3], $0x80, v3, vm0, $0xb8;
	[tilespmem:$0x1C100] =	vst v63  }
0x3b: {  	s12 =	simm.s32 $0xA900  }
0x3c: {  	[tilespmem:s12], [sflag:$0x1] =	stream.indirect_vreg.gather [hbm4b:s6+s3], $0x80, v3, vm0, $0xb8;
	[tilespmem:$0x1C100] =	vst v63  }
0x3d: {  	s13 =	simm.s32 $0xB100  }
0x3e: {  	[tilespmem:s13], [sflag:$0x1] =	stream.indirect_vreg.gather [hbm4b:s7+s3], $0x80, v3, vm0, $0xb8;
	[tilespmem:$0x1C100] =	vst v63  }
0x3f: {  	_ = 	snop  }
0x40: {  	[tilespmem:s16], [sflag:$0x1] =	stream.indirect_vreg.gather [hbm4b:s8+s3], $0x80, v3, vm0, $0xb8;
	[tilespmem:$0x1C100] =	vst v63  }
0x41: {  	s14 =	rddreg [dreg:$0x7];
	s15 =	simm.s32 $0x40  }
0x42: {  	[tilespmem:s15], [sflag:$0xD] =	stream.linear.gather [hbm4b:s14+s3], $0x40, $0x38;
	[tilespmem:$0x1C100] =	vst v63  }
0x43: {  	_ =	swait.ge [sflag:s4], $0x40  }
0x44: {  	[sflag:s4] =	ssyncset.done $0x0  }
0x45: {  	[sflag:s4] =	ssyncadd.s32 $0xFFFFFFC0  }
0x46: {  	v3 =	vld [tilespmem:$0x40];
	_ =	sdelay $0x4  }
0x47: {  	v4 =	vshll.u32 v3, $0x3  }
0x48: {  	v3 =	vand.u32 $0x7, v3;
	v4 =	vand.u32 $0xFFFFFFC0, v4  }
0x49: {  	v3 =	vor.u32 v3, v4  }
0x4a: {  	v4 =	vperm.xlane v3, v0;
	_ =	sdelay $0x1  }
0x4b: {  	v4 =	vadd.s32 v1, v4;
	_ =	sdelay $0x4  }
0x4c: {  	[tilespmem:s17], [sflag:$0x2] =	stream.indirect_vreg.gather [hbm4b:s1+s3], $0x80, v4, vm0, $0xb8;
	[tilespmem:$0x1C100] =	vst v63  }
0x4d: {  	s12 =	simm.s32 $0xC900;
	v3 =	vperm.xlane v3, v2  }
0x4e: {  	[tilespmem:s12], [sflag:$0x2] =	stream.indirect_vreg.gather [hbm4b:s6+s3], $0x80, v4, vm0, $0xb8;
	[tilespmem:$0x1C100] =	vst v63  }
0x4f: {  	s13 =	simm.s32 $0xD100;
	v3 =	vadd.s32 v1, v3  }
0x50: {  	[tilespmem:s13], [sflag:$0x2] =	stream.indirect_vreg.gather [hbm4b:s7+s3], $0x80, v4, vm0, $0xb8;
	[tilespmem:$0x1C100] =	vst v63  }
0x51: {  	s14 =	simm.s32 $0xD900  }
0x52: {  	[tilespmem:s14], [sflag:$0x2] =	stream.indirect_vreg.gather [hbm4b:s8+s3], $0x80, v4, vm0, $0xb8;
	[tilespmem:$0x1C100] =	vst v63  }
0x53: {  	s15 =	simm.s32 $0xE100  }
0x54: {  	[tilespmem:s15], [sflag:$0x2] =	stream.indirect_vreg.gather [hbm4b:s1+s3], $0x80, v3, vm0, $0xb8;
	[tilespmem:$0x1C100] =	vst v63  }
0x55: {  	s10 =	simm.s32 $0xE900  }
0x56: {  	[tilespmem:s10], [sflag:$0x2] =	stream.indirect_vreg.gather [hbm4b:s6+s3], $0x80, v3, vm0, $0xb8;
	[tilespmem:$0x1C100] =	vst v63  }
0x57: {  	s12 =	simm.s32 $0xF100  }
0x58: {  	[tilespmem:s12], [sflag:$0x2] =	stream.indirect_vreg.gather [hbm4b:s7+s3], $0x80, v3, vm0, $0xb8;
	[tilespmem:$0x1C100] =	vst v63  }
0x59: {  	s13 =	simm.s32 $0xF900  }
0x5a: {  	[tilespmem:s13], [sflag:$0x2] =	stream.indirect_vreg.gather [hbm4b:s8+s3], $0x80, v3, vm0, $0xb8;
	[tilespmem:$0x1C100] =	vst v63  }
0x5b: {  	s14 =	rddreg [dreg:$0x8];
	s15 =	simm.s32 $0x80  }
0x5c: {  	[tilespmem:s15], [sflag:$0xD] =	stream.linear.gather [hbm4b:s14+s3], $0x40, $0x38;
	[tilespmem:$0x1C100] =	vst v63  }
0x5d: {  	_ =	swait.ge [sflag:s4], $0x40  }
0x5e: {  	[sflag:s4] =	ssyncset.done $0x0  }
0x5f: {  	[sflag:s4] =	ssyncadd.s32 $0xFFFFFFC0  }
0x60: {  	v3 =	vld [tilespmem:$0x80];
	_ =	sdelay $0x4  }
0x61: {  	v4 =	vshll.u32 v3, $0x3  }
0x62: {  	v3 =	vand.u32 $0x7, v3;
	v4 =	vand.u32 $0xFFFFFFC0, v4  }
0x63: {  	v3 =	vor.u32 v3, v4  }
0x64: {  	v4 =	vperm.xlane v3, v0;
	_ =	sdelay $0x1  }
0x65: {  	v4 =	vadd.s32 v1, v4;
	_ =	sdelay $0x4  }
0x66: {  	[tilespmem:s25], [sflag:$0x3] =	stream.indirect_vreg.gather [hbm4b:s1+s3], $0x80, v4, vm0, $0xb8;
	[tilespmem:$0x1C100] =	vst v63  }
0x67: {  	s12 =	simm.s32 $0x10900;
	v3 =	vperm.xlane v3, v2  }
0x68: {  	[tilespmem:s12], [sflag:$0x3] =	stream.indirect_vreg.gather [hbm4b:s6+s3], $0x80, v4, vm0, $0xb8;
	[tilespmem:$0x1C100] =	vst v63  }
0x69: {  	s13 =	simm.s32 $0x11100;
	v3 =	vadd.s32 v1, v3  }
0x6a: {  	[tilespmem:s13], [sflag:$0x3] =	stream.indirect_vreg.gather [hbm4b:s7+s3], $0x80, v4, vm0, $0xb8;
	[tilespmem:$0x1C100] =	vst v63  }
0x6b: {  	s14 =	simm.s32 $0x11900  }
0x6c: {  	[tilespmem:s14], [sflag:$0x3] =	stream.indirect_vreg.gather [hbm4b:s8+s3], $0x80, v4, vm0, $0xb8;
	[tilespmem:$0x1C100] =	vst v63  }
0x6d: {  	s15 =	simm.s32 $0x12100  }
0x6e: {  	[tilespmem:s15], [sflag:$0x3] =	stream.indirect_vreg.gather [hbm4b:s1+s3], $0x80, v3, vm0, $0xb8;
	[tilespmem:$0x1C100] =	vst v63  }
0x6f: {  	s10 =	simm.s32 $0x12900  }
0x70: {  	[tilespmem:s10], [sflag:$0x3] =	stream.indirect_vreg.gather [hbm4b:s6+s3], $0x80, v3, vm0, $0xb8;
	[tilespmem:$0x1C100] =	vst v63  }
0x71: {  	s12 =	simm.s32 $0x13100  }
0x72: {  	[tilespmem:s12], [sflag:$0x3] =	stream.indirect_vreg.gather [hbm4b:s7+s3], $0x80, v3, vm0, $0xb8;
	[tilespmem:$0x1C100] =	vst v63  }
0x73: {  	s13 =	simm.s32 $0x13900  }
0x74: {  	[tilespmem:s13], [sflag:$0x3] =	stream.indirect_vreg.gather [hbm4b:s8+s3], $0x80, v3, vm0, $0xb8;
	[tilespmem:$0x1C100] =	vst v63  }
0x75: {  	s14 =	rddreg [dreg:$0xa];
	s15 =	simm.s32 $0xC0  }
0x76: {  	[tilespmem:s15], [sflag:$0xD] =	stream.linear.gather [hbm4b:s14+s3], $0x40, $0x38;
	[tilespmem:$0x1C100] =	vst v63  }
0x77: {  	_ =	swait.ge [sflag:s4], $0x40  }
0x78: {  	[sflag:s4] =	ssyncset.done $0x0  }
0x79: {  	[sflag:s4] =	ssyncadd.s32 $0xFFFFFFC0  }
0x7a: {  	v3 =	vld [tilespmem:$0xC0];
	_ =	sdelay $0x4  }
0x7b: {  	v4 =	vshll.u32 v3, $0x3  }
0x7c: {  	v3 =	vand.u32 $0x7, v3;
	v4 =	vand.u32 $0xFFFFFFC0, v4  }
0x7d: {  	v3 =	vor.u32 v3, v4  }
0x7e: {  	v4 =	vperm.xlane v3, v0;
	_ =	sdelay $0x1  }
0x7f: {  	v4 =	vadd.s32 v1, v4;
	_ =	sdelay $0x4  }
0x80: {  	[tilespmem:s11], [sflag:$0x4] =	stream.indirect_vreg.gather [hbm4b:s1+s3], $0x80, v4, vm0, $0xb8;
	[tilespmem:$0x1C100] =	vst v63  }
0x81: {  	s12 =	simm.s32 $0x14900;
	v3 =	vperm.xlane v3, v2  }
0x82: {  	[tilespmem:s12], [sflag:$0x4] =	stream.indirect_vreg.gather [hbm4b:s6+s3], $0x80, v4, vm0, $0xb8;
	[tilespmem:$0x1C100] =	vst v63  }
0x83: {  	s13 =	simm.s32 $0x15100;
	v3 =	vadd.s32 v1, v3  }
0x84: {  	[tilespmem:s13], [sflag:$0x4] =	stream.indirect_vreg.gather [hbm4b:s7+s3], $0x80, v4, vm0, $0xb8;
	[tilespmem:$0x1C100] =	vst v63  }
0x85: {  	s14 =	simm.s32 $0x15900  }
0x86: {  	[tilespmem:s14], [sflag:$0x4] =	stream.indirect_vreg.gather [hbm4b:s8+s3], $0x80, v4, vm0, $0xb8;
	[tilespmem:$0x1C100] =	vst v63  }
0x87: {  	s15 =	simm.s32 $0x16100  }
0x88: {  	[tilespmem:s15], [sflag:$0x4] =	stream.indirect_vreg.gather [hbm4b:s1+s3], $0x80, v3, vm0, $0xb8;
	[tilespmem:$0x1C100] =	vst v63  }
0x89: {  	s10 =	simm.s32 $0x16900  }
0x8a: {  	[tilespmem:s10], [sflag:$0x4] =	stream.indirect_vreg.gather [hbm4b:s6+s3], $0x80, v3, vm0, $0xb8;
	[tilespmem:$0x1C100] =	vst v63  }
0x8b: {  	s12 =	simm.s32 $0x17100  }
0x8c: {  	[tilespmem:s12], [sflag:$0x4] =	stream.indirect_vreg.gather [hbm4b:s7+s3], $0x80, v3, vm0, $0xb8;
	[tilespmem:$0x1C100] =	vst v63  }
0x8d: {  	s13 =	simm.s32 $0x17900  }
0x8e: {  	[tilespmem:s13], [sflag:$0x4] =	stream.indirect_vreg.gather [hbm4b:s8+s3], $0x80, v3, vm0, $0xb8;
	[tilespmem:$0x1C100] =	vst v63  }
0x8f: {  	v3 =	vld [tilespmem:$0x10];
	_ =	sdelay $0x4  }
0x90: {  	v4 =	vshll.u32 v3, $0x3  }
0x91: {  	v3 =	vand.u32 $0x7, v3;
	v4 =	vand.u32 $0xFFFFFFC0, v4  }
0x92: {  	v3 =	vor.u32 v3, v4  }
0x93: {  	v4 =	vperm.xlane v3, v0;
	_ =	sdelay $0x1  }
0x94: {  	v4 =	vadd.s32 v1, v4;
	_ =	sdelay $0x4  }
0x95: {  	[tilespmem:s26], [sflag:$0x5] =	stream.indirect_vreg.gather [hbm4b:s1+s3], $0x80, v4, vm0, $0xb8;
	[tilespmem:$0x1C100] =	vst v63  }
0x96: {  	s14 =	simm.s32 $0x18900;
	v3 =	vperm.xlane v3, v2  }
0x97: {  	[tilespmem:s14], [sflag:$0x5] =	stream.indirect_vreg.gather [hbm4b:s6+s3], $0x80, v4, vm0, $0xb8;
	[tilespmem:$0x1C100] =	vst v63  }
0x98: {  	s15 =	simm.s32 $0x19100;
	v3 =	vadd.s32 v1, v3  }
0x99: {  	[tilespmem:s15], [sflag:$0x5] =	stream.indirect_vreg.gather [hbm4b:s7+s3], $0x80, v4, vm0, $0xb8;
	[tilespmem:$0x1C100] =	vst v63  }
0x9a: {  	s10 =	simm.s32 $0x19900  }
0x9b: {  	[tilespmem:s10], [sflag:$0x5] =	stream.indirect_vreg.gather [hbm4b:s8+s3], $0x80, v4, vm0, $0xb8;
	[tilespmem:$0x1C100] =	vst v63  }
0x9c: {  	s12 =	simm.s32 $0x1A100  }
0x9d: {  	[tilespmem:s12], [sflag:$0x5] =	stream.indirect_vreg.gather [hbm4b:s1+s3], $0x80, v3, vm0, $0xb8;
	[tilespmem:$0x1C100] =	vst v63  }
0x9e: {  	s13 =	simm.s32 $0x1A900  }
0x9f: {  	[tilespmem:s13], [sflag:$0x5] =	stream.indirect_vreg.gather [hbm4b:s6+s3], $0x80, v3, vm0, $0xb8;
	[tilespmem:$0x1C100] =	vst v63  }
0xa0: {  	s14 =	simm.s32 $0x1B100  }
0xa1: {  	[tilespmem:s14], [sflag:$0x5] =	stream.indirect_vreg.gather [hbm4b:s7+s3], $0x80, v3, vm0, $0xb8;
	[tilespmem:$0x1C100] =	vst v63  }
0xa2: {  	s15 =	simm.s32 $0x1B900  }
0xa3: {  	[tilespmem:s15], [sflag:$0x5] =	stream.indirect_vreg.gather [hbm4b:s8+s3], $0x80, v3, vm0, $0xb8;
	[tilespmem:$0x1C100] =	vst v63  }
0xa4: {  	s10 =	rddreg [dreg:$0xb];
	s12 =	simm.s32 $0x4100  }
0xa5: {  	[tilespmem:s12], [sflag:$0xC] =	stream.linear.gather [hbm4b:s10+s3], $0x4000, $0x38;
	[tilespmem:$0x1C100] =	vst v63  }
0xa6: {  	_ =	swait.ge [sflag:s19], $0x4000  }
0xa7: {  	s13 =	simm.s32 $0x0;
	[sflag:s19] =	ssyncset.done $0x0  }
0xa8: {  	s0 =	sand.u32 $0x2000, s13;
	[sflag:s19] =	ssyncadd.s32 $0xFFFFC000  }
0xa9: {  	s14 =	sand.u32 $0x1C00, s3;
	s12 =	simm.s32 $0x0;
	_ =	swait.ge [sflag:s20], $0x4000  }
0xaa: {  	s0 =	sor.u32 s14, s0;
	s15 =	sand.u32 $0x380, s12;
	[sflag:s20] =	ssyncset.done $0x0  }
0xab: {  	s10 =	sor.u32 s15, s0;
	[sflag:s20] =	ssyncadd.s32 $0xFFFFC000  }
0xac: {  	v3 =	vld [tilespmem:s10+$0x170]  }
0xad: {  	v8 =	vld [tilespmem:s10+$0x100]  }
0xae: {  	v9 =	vld [tilespmem:s10+$0x110]  }
0xaf: {  	v7 =	vld [tilespmem:s10+$0x120]  }
0xb0: {  	v6 =	vld [tilespmem:s10+$0x130]  }
0xb1: {  	v5 =	vld [tilespmem:s10+$0x140]  }
0xb2: {  	v4 =	vld [tilespmem:s10+$0x160]  }
0xb3: {  	[tilespmem:s10+$0x8170] =	vst.add.f32.msk $0xffff, v3  }
0xb4: {  	v3 =	vld [tilespmem:s10+$0x150]  }
0xb5: {  	[tilespmem:s10+$0x8100] =	vst.add.f32.msk $0xffff, v8  }
0xb6: {  	s12 =	simm.s32 $0x0;
	s0 =	simm.s32 $0x0;
	[tilespmem:s10+$0x8110] =	vst.add.f32.msk $0xffff, v9  }
.LBB2_2:
0xb7: {  	s0 =	sadd.s32 $0x8, s0;
	[tilespmem:s10+$0x8120] =	vst.add.f32.msk $0xffff, v7  }
0xb8: {  	s12 =	sadd.s32 $0x400, s12;
	s13 =	sshll.u32 s0, $0x4;
	p0 =	slt.u32 s0, $0x3F8;
	[tilespmem:s10+$0x8130] =	vst.add.f32.msk $0xffff, v6  }
0xb9: {  	s14 =	sand.u32 $0x1C00, s12;
	s15 =	sshll.u32 s0, $0x1;
	s13 =	sand.u32 $0x2000, s13;
	[tilespmem:s10+$0x8140] =	vst.add.f32.msk $0xffff, v5  }
0xba: {  	s13 =	sor.u32 s14, s13;
	s14 =	sand.u32 $0x380, s15;
	[tilespmem:s10+$0x8150] =	vst.add.f32.msk $0xffff, v3  }
0xbb: {  	[tilespmem:s10+$0x8160] =	vst.add.f32.msk $0xffff, v4;
	s10 =	sor.u32 s14, s13  }
0xbc: {  	v3 =	vld [tilespmem:s10+$0x170]  }
0xbd: {  	v8 =	vld [tilespmem:s10+$0x100]  }
0xbe: {  	v9 =	vld [tilespmem:s10+$0x110]  }
0xbf: {  	v7 =	vld [tilespmem:s10+$0x120]  }
0xc0: {  	v6 =	vld [tilespmem:s10+$0x130]  }
0xc1: {  	[tilespmem:s10+$0x8170] =	vst.add.f32.msk $0xffff, v3  }
.Ltmp0:
0xc2: {  	v5 =	vld [tilespmem:s10+$0x140];
	(pc) =	sbr.rel @p0 .LBB2_2-.Ltmp0, $4  }
0xc3: {  	v3 =	vld [tilespmem:s10+$0x150]  }
0xc4: {  	v4 =	vld [tilespmem:s10+$0x160]  }
0xc5: {  	[tilespmem:s10+$0x8100] =	vst.add.f32.msk $0xffff, v8  }
0xc6: {  	[tilespmem:s10+$0x8110] =	vst.add.f32.msk $0xffff, v9  }
0xc7: {  	[tilespmem:s10+$0x8120] =	vst.add.f32.msk $0xffff, v7  }
0xc8: {  	[tilespmem:s10+$0x8130] =	vst.add.f32.msk $0xffff, v6  }
0xc9: {  	[tilespmem:s10+$0x8140] =	vst.add.f32.msk $0xffff, v5  }
0xca: {  	[tilespmem:s10+$0x8150] =	vst.add.f32.msk $0xffff, v3  }
0xcb: {  	[tilespmem:s10+$0x8160] =	vst.add.f32.msk $0xffff, v4  }
0xcc: {  	s10 =	simm.s32 $0x0;
	s0 =	rddreg [dreg:$0x9]  }
0xcd: {  	[hbm4b:s0+s10] =	stream.linear.scatter [tilespmem:s9], [sflag:$0x6], $0x4000, $0x38;
	[tilespmem:$0x1C100] =	vst v63  }
0xce: {  	_ =	swait.ge [sflag:s21], $0x4000  }
0xcf: {  	[sflag:s21] =	ssyncset.done $0x0  }
0xd0: {  	[sflag:s21] =	ssyncadd.s32 $0xFFFFC000  }
0xd1: {  	v3 =	vld [tilespmem:$0x50];
	_ =	sdelay $0x4  }
0xd2: {  	v4 =	vshll.u32 v3, $0x3  }
0xd3: {  	v3 =	vand.u32 $0x7, v3;
	v4 =	vand.u32 $0xFFFFFFC0, v4  }
0xd4: {  	v3 =	vor.u32 v3, v4  }
0xd5: {  	v4 =	vperm.xlane v3, v0;
	_ =	sdelay $0x1  }
0xd6: {  	v4 =	vadd.s32 v1, v4;
	_ =	sdelay $0x4  }
0xd7: {  	[tilespmem:s9], [sflag:$0x1] =	stream.indirect_vreg.gather [hbm4b:s1+s10], $0x80, v4, vm0, $0xb8;
	[tilespmem:$0x1C100] =	vst v63  }
0xd8: {  	s13 =	simm.s32 $0x8900;
	v3 =	vperm.xlane v3, v2  }
0xd9: {  	[tilespmem:s13], [sflag:$0x1] =	stream.indirect_vreg.gather [hbm4b:s6+s10], $0x80, v4, vm0, $0xb8;
	[tilespmem:$0x1C100] =	vst v63  }
0xda: {  	s14 =	simm.s32 $0x9100;
	v3 =	vadd.s32 v1, v3  }
0xdb: {  	[tilespmem:s14], [sflag:$0x1] =	stream.indirect_vreg.gather [hbm4b:s7+s10], $0x80, v4, vm0, $0xb8;
	[tilespmem:$0x1C100] =	vst v63  }
0xdc: {  	s15 =	simm.s32 $0x9900  }
0xdd: {  	[tilespmem:s15], [sflag:$0x1] =	stream.indirect_vreg.gather [hbm4b:s8+s10], $0x80, v4, vm0, $0xb8;
	[tilespmem:$0x1C100] =	vst v63  }
0xde: {  	s12 =	simm.s32 $0xA100  }
0xdf: {  	[tilespmem:s12], [sflag:$0x1] =	stream.indirect_vreg.gather [hbm4b:s1+s10], $0x80, v3, vm0, $0xb8;
	[tilespmem:$0x1C100] =	vst v63  }
0xe0: {  	s13 =	simm.s32 $0xA900  }
0xe1: {  	[tilespmem:s13], [sflag:$0x1] =	stream.indirect_vreg.gather [hbm4b:s6+s10], $0x80, v3, vm0, $0xb8;
	[tilespmem:$0x1C100] =	vst v63  }
0xe2: {  	s14 =	simm.s32 $0xB100;
	s15 =	simm.s32 $0x0  }
0xe3: {  	[tilespmem:s14], [sflag:$0x1] =	stream.indirect_vreg.gather [hbm4b:s7+s10], $0x80, v3, vm0, $0xb8;
	[tilespmem:$0x1C100] =	vst v63  }
0xe4: {  	s0 =	sand.u32 $0x2000, s15  }
0xe5: {  	[tilespmem:s16], [sflag:$0x1] =	stream.indirect_vreg.gather [hbm4b:s8+s10], $0x80, v3, vm0, $0xb8;
	[tilespmem:$0x1C100] =	vst v63  }
0xe6: {  	s12 =	sand.u32 $0x1C00, s10;
	s13 =	simm.s32 $0x0;
	_ =	swait.ge [sflag:s22], $0x4000  }
0xe7: {  	s0 =	sor.u32 s12, s0;
	s13 =	sand.u32 $0x380, s13;
	[sflag:s22] =	ssyncset.done $0x0  }
0xe8: {  	s0 =	sor.u32 s13, s0;
	[sflag:s22] =	ssyncadd.s32 $0xFFFFC000  }
0xe9: {  	v3 =	vld [tilespmem:s0+$0x170]  }
0xea: {  	v8 =	vld [tilespmem:s0+$0x100]  }
0xeb: {  	v9 =	vld [tilespmem:s0+$0x110]  }
0xec: {  	v7 =	vld [tilespmem:s0+$0x120]  }
0xed: {  	v6 =	vld [tilespmem:s0+$0x130]  }
0xee: {  	v5 =	vld [tilespmem:s0+$0x140]  }
0xef: {  	v4 =	vld [tilespmem:s0+$0x160]  }
0xf0: {  	[tilespmem:s0+$0xC170] =	vst.add.f32.msk $0xffff, v3  }
0xf1: {  	v3 =	vld [tilespmem:s0+$0x150]  }
0xf2: {  	[tilespmem:s0+$0xC100] =	vst.add.f32.msk $0xffff, v8  }
0xf3: {  	s12 =	simm.s32 $0x0;
	[tilespmem:s0+$0xC110] =	vst.add.f32.msk $0xffff, v9  }
.LBB2_4:
0xf4: {  	s12 =	sadd.s32 $0x8, s12;
	[tilespmem:s0+$0xC120] =	vst.add.f32.msk $0xffff, v7  }
0xf5: {  	s10 =	sadd.s32 $0x400, s10;
	s13 =	sshll.u32 s12, $0x4;
	p0 =	slt.u32 s12, $0x3F8;
	[tilespmem:s0+$0xC130] =	vst.add.f32.msk $0xffff, v6  }
0xf6: {  	s14 =	sand.u32 $0x1C00, s10;
	s15 =	sshll.u32 s12, $0x1;
	s13 =	sand.u32 $0x2000, s13;
	[tilespmem:s0+$0xC140] =	vst.add.f32.msk $0xffff, v5  }
0xf7: {  	s15 =	sand.u32 $0x380, s15;
	s13 =	sor.u32 s14, s13;
	[tilespmem:s0+$0xC150] =	vst.add.f32.msk $0xffff, v3  }
0xf8: {  	[tilespmem:s0+$0xC160] =	vst.add.f32.msk $0xffff, v4;
	s0 =	sor.u32 s15, s13  }
0xf9: {  	v3 =	vld [tilespmem:s0+$0x170]  }
0xfa: {  	v8 =	vld [tilespmem:s0+$0x100]  }
0xfb: {  	v9 =	vld [tilespmem:s0+$0x110]  }
0xfc: {  	v7 =	vld [tilespmem:s0+$0x120]  }
0xfd: {  	v6 =	vld [tilespmem:s0+$0x130]  }
0xfe: {  	[tilespmem:s0+$0xC170] =	vst.add.f32.msk $0xffff, v3  }
.Ltmp1:
0xff: {  	v5 =	vld [tilespmem:s0+$0x140];
	(pc) =	sbr.rel @p0 .LBB2_4-.Ltmp1, $4  }
0x100: {  	v3 =	vld [tilespmem:s0+$0x150]  }
0x101: {  	v4 =	vld [tilespmem:s0+$0x160]  }
0x102: {  	[tilespmem:s0+$0xC100] =	vst.add.f32.msk $0xffff, v8  }
0x103: {  	[tilespmem:s0+$0xC110] =	vst.add.f32.msk $0xffff, v9  }
0x104: {  	[tilespmem:s0+$0xC120] =	vst.add.f32.msk $0xffff, v7  }
0x105: {  	[tilespmem:s0+$0xC130] =	vst.add.f32.msk $0xffff, v6  }
0x106: {  	[tilespmem:s0+$0xC140] =	vst.add.f32.msk $0xffff, v5  }
0x107: {  	[tilespmem:s0+$0xC150] =	vst.add.f32.msk $0xffff, v3  }
0x108: {  	[tilespmem:s0+$0xC160] =	vst.add.f32.msk $0xffff, v4  }
0x109: {  	s10 =	simm.s32 $0x0;
	s0 =	rddreg [dreg:$0xc]  }
0x10a: {  	[hbm4b:s0+s10] =	stream.linear.scatter [tilespmem:s17], [sflag:$0x7], $0x4000, $0x38;
	[tilespmem:$0x1C100] =	vst v63  }
0x10b: {  	_ =	swait.ge [sflag:s23], $0x4000  }
0x10c: {  	[sflag:s23] =	ssyncset.done $0x0  }
0x10d: {  	[sflag:s23] =	ssyncadd.s32 $0xFFFFC000  }
0x10e: {  	v3 =	vld [tilespmem:$0x90];
	_ =	sdelay $0x4  }
0x10f: {  	v4 =	vshll.u32 v3, $0x3  }
0x110: {  	v3 =	vand.u32 $0x7, v3;
	v4 =	vand.u32 $0xFFFFFFC0, v4  }
0x111: {  	v3 =	vor.u32 v3, v4  }
0x112: {  	v4 =	vperm.xlane v3, v0;
	_ =	sdelay $0x1  }
0x113: {  	v4 =	vadd.s32 v1, v4;
	_ =	sdelay $0x4  }
0x114: {  	[tilespmem:s17], [sflag:$0x2] =	stream.indirect_vreg.gather [hbm4b:s1+s10], $0x80, v4, vm0, $0xb8;
	[tilespmem:$0x1C100] =	vst v63  }
0x115: {  	s12 =	simm.s32 $0xC900;
	v3 =	vperm.xlane v3, v2  }
0x116: {  	[tilespmem:s12], [sflag:$0x2] =	stream.indirect_vreg.gather [hbm4b:s6+s10], $0x80, v4, vm0, $0xb8;
	[tilespmem:$0x1C100] =	vst v63  }
0x117: {  	s13 =	simm.s32 $0xD100;
	v3 =	vadd.s32 v1, v3  }
0x118: {  	[tilespmem:s13], [sflag:$0x2] =	stream.indirect_vreg.gather [hbm4b:s7+s10], $0x80, v4, vm0, $0xb8;
	[tilespmem:$0x1C100] =	vst v63  }
0x119: {  	s14 =	simm.s32 $0xD900  }
0x11a: {  	[tilespmem:s14], [sflag:$0x2] =	stream.indirect_vreg.gather [hbm4b:s8+s10], $0x80, v4, vm0, $0xb8;
	[tilespmem:$0x1C100] =	vst v63  }
0x11b: {  	s15 =	simm.s32 $0xE100  }
0x11c: {  	[tilespmem:s15], [sflag:$0x2] =	stream.indirect_vreg.gather [hbm4b:s1+s10], $0x80, v3, vm0, $0xb8;
	[tilespmem:$0x1C100] =	vst v63  }
0x11d: {  	s12 =	simm.s32 $0xE900  }
0x11e: {  	[tilespmem:s12], [sflag:$0x2] =	stream.indirect_vreg.gather [hbm4b:s6+s10], $0x80, v3, vm0, $0xb8;
	[tilespmem:$0x1C100] =	vst v63  }
0x11f: {  	s13 =	simm.s32 $0xF100;
	s15 =	simm.s32 $0x0  }
0x120: {  	[tilespmem:s13], [sflag:$0x2] =	stream.indirect_vreg.gather [hbm4b:s7+s10], $0x80, v3, vm0, $0xb8;
	[tilespmem:$0x1C100] =	vst v63  }
0x121: {  	s14 =	simm.s32 $0xF900;
	s0 =	sand.u32 $0x2000, s15  }
0x122: {  	[tilespmem:s14], [sflag:$0x2] =	stream.indirect_vreg.gather [hbm4b:s8+s10], $0x80, v3, vm0, $0xb8;
	[tilespmem:$0x1C100] =	vst v63  }
0x123: {  	s12 =	sand.u32 $0x1C00, s10;
	s13 =	simm.s32 $0x0;
	_ =	swait.ge [sflag:s24], $0x4000  }
0x124: {  	s0 =	sor.u32 s12, s0;
	s13 =	sand.u32 $0x380, s13;
	[sflag:s24] =	ssyncset.done $0x0  }
0x125: {  	s12 =	sor.u32 s13, s0;
	[sflag:s24] =	ssyncadd.s32 $0xFFFFC000  }
0x126: {  	v3 =	vld [tilespmem:s12+$0x170]  }
0x127: {  	v8 =	vld [tilespmem:s12+$0x100]  }
0x128: {  	v9 =	vld [tilespmem:s12+$0x110]  }
0x129: {  	v6 =	vld [tilespmem:s12+$0x120]  }
0x12a: {  	v7 =	vld [tilespmem:s12+$0x130]  }
0x12b: {  	v5 =	vld [tilespmem:s12+$0x140]  }
0x12c: {  	s0 =	sadd.s32 $0x8100, s12;
	v4 =	vld [tilespmem:s12+$0x150]  }
0x12d: {  	[tilespmem:s0+$0x8070] =	vst.add.f32.msk $0xffff, v3  }
0x12e: {  	v3 =	vld [tilespmem:s12+$0x160]  }
0x12f: {  	[tilespmem:s12+$0x10100] =	vst.add.f32.msk $0xffff, v8  }
0x130: {  	s12 =	simm.s32 $0x0;
	[tilespmem:s0+$0x8010] =	vst.add.f32.msk $0xffff, v9  }
.LBB2_6:
0x131: {  	s12 =	sadd.s32 $0x8, s12;
	[tilespmem:s0+$0x8020] =	vst.add.f32.msk $0xffff, v6  }
0x132: {  	s10 =	sadd.s32 $0x400, s10;
	s13 =	sshll.u32 s12, $0x4;
	p0 =	slt.u32 s12, $0x3F8;
	[tilespmem:s0+$0x8030] =	vst.add.f32.msk $0xffff, v7  }
0x133: {  	s14 =	sand.u32 $0x1C00, s10;
	s15 =	sshll.u32 s12, $0x1;
	s13 =	sand.u32 $0x2000, s13;
	[tilespmem:s0+$0x8040] =	vst.add.f32.msk $0xffff, v5  }
0x134: {  	s15 =	sand.u32 $0x380, s15;
	s13 =	sor.u32 s14, s13;
	[tilespmem:s0+$0x8050] =	vst.add.f32.msk $0xffff, v4  }
0x135: {  	s13 =	sor.u32 s15, s13;
	[tilespmem:s0+$0x8060] =	vst.add.f32.msk $0xffff, v3  }
0x136: {  	v3 =	vld [tilespmem:s13+$0x170]  }
0x137: {  	v8 =	vld [tilespmem:s13+$0x100]  }
0x138: {  	v9 =	vld [tilespmem:s13+$0x110]  }
0x139: {  	v6 =	vld [tilespmem:s13+$0x120]  }
0x13a: {  	s0 =	sadd.s32 $0x8100, s13;
	v7 =	vld [tilespmem:s13+$0x130]  }
0x13b: {  	[tilespmem:s0+$0x8070] =	vst.add.f32.msk $0xffff, v3  }
.Ltmp2:
0x13c: {  	v5 =	vld [tilespmem:s13+$0x140];
	(pc) =	sbr.rel @p0 .LBB2_6-.Ltmp2, $4  }
0x13d: {  	v4 =	vld [tilespmem:s13+$0x150]  }
0x13e: {  	v3 =	vld [tilespmem:s13+$0x160]  }
0x13f: {  	[tilespmem:s13+$0x10100] =	vst.add.f32.msk $0xffff, v8  }
0x140: {  	[tilespmem:s0+$0x8010] =	vst.add.f32.msk $0xffff, v9  }
0x141: {  	[tilespmem:s0+$0x8020] =	vst.add.f32.msk $0xffff, v6  }
0x142: {  	[tilespmem:s0+$0x8030] =	vst.add.f32.msk $0xffff, v7  }
0x143: {  	[tilespmem:s0+$0x8040] =	vst.add.f32.msk $0xffff, v5  }
0x144: {  	[tilespmem:s0+$0x8050] =	vst.add.f32.msk $0xffff, v4  }
0x145: {  	[tilespmem:s0+$0x8060] =	vst.add.f32.msk $0xffff, v3  }
0x146: {  	s10 =	simm.s32 $0x0;
	s0 =	rddreg [dreg:$0xd]  }
0x147: {  	[hbm4b:s0+s10] =	stream.linear.scatter [tilespmem:s25], [sflag:$0x8], $0x4000, $0x38;
	[tilespmem:$0x1C100] =	vst v63  }
0x148: {  	_ =	swait.ge [sflag:s28], $0x4000  }
0x149: {  	[sflag:s28] =	ssyncset.done $0x0  }
0x14a: {  	[sflag:s28] =	ssyncadd.s32 $0xFFFFC000  }
0x14b: {  	v3 =	vld [tilespmem:$0xD0];
	_ =	sdelay $0x4  }
0x14c: {  	v4 =	vshll.u32 v3, $0x3  }
0x14d: {  	v3 =	vand.u32 $0x7, v3;
	v4 =	vand.u32 $0xFFFFFFC0, v4  }
0x14e: {  	v3 =	vor.u32 v3, v4  }
0x14f: {  	v4 =	vperm.xlane v3, v0;
	_ =	sdelay $0x1  }
0x150: {  	v4 =	vadd.s32 v1, v4;
	_ =	sdelay $0x4  }
0x151: {  	[tilespmem:s25], [sflag:$0x3] =	stream.indirect_vreg.gather [hbm4b:s1+s10], $0x80, v4, vm0, $0xb8;
	[tilespmem:$0x1C100] =	vst v63  }
0x152: {  	s12 =	simm.s32 $0x10900;
	v3 =	vperm.xlane v3, v2  }
0x153: {  	[tilespmem:s12], [sflag:$0x3] =	stream.indirect_vreg.gather [hbm4b:s6+s10], $0x80, v4, vm0, $0xb8;
	[tilespmem:$0x1C100] =	vst v63  }
0x154: {  	s13 =	simm.s32 $0x11100;
	v3 =	vadd.s32 v1, v3  }
0x155: {  	[tilespmem:s13], [sflag:$0x3] =	stream.indirect_vreg.gather [hbm4b:s7+s10], $0x80, v4, vm0, $0xb8;
	[tilespmem:$0x1C100] =	vst v63  }
0x156: {  	s14 =	simm.s32 $0x11900  }
0x157: {  	[tilespmem:s14], [sflag:$0x3] =	stream.indirect_vreg.gather [hbm4b:s8+s10], $0x80, v4, vm0, $0xb8;
	[tilespmem:$0x1C100] =	vst v63  }
0x158: {  	s15 =	simm.s32 $0x12100  }
0x159: {  	[tilespmem:s15], [sflag:$0x3] =	stream.indirect_vreg.gather [hbm4b:s1+s10], $0x80, v3, vm0, $0xb8;
	[tilespmem:$0x1C100] =	vst v63  }
0x15a: {  	s12 =	simm.s32 $0x12900  }
0x15b: {  	[tilespmem:s12], [sflag:$0x3] =	stream.indirect_vreg.gather [hbm4b:s6+s10], $0x80, v3, vm0, $0xb8;
	[tilespmem:$0x1C100] =	vst v63  }
0x15c: {  	s13 =	simm.s32 $0x13100;
	s15 =	simm.s32 $0x0  }
0x15d: {  	[tilespmem:s13], [sflag:$0x3] =	stream.indirect_vreg.gather [hbm4b:s7+s10], $0x80, v3, vm0, $0xb8;
	[tilespmem:$0x1C100] =	vst v63  }
0x15e: {  	s14 =	simm.s32 $0x13900;
	s0 =	sand.u32 $0x2000, s15  }
0x15f: {  	[tilespmem:s14], [sflag:$0x3] =	stream.indirect_vreg.gather [hbm4b:s8+s10], $0x80, v3, vm0, $0xb8;
	[tilespmem:$0x1C100] =	vst v63  }
0x160: {  	s12 =	sand.u32 $0x1C00, s10;
	s13 =	simm.s32 $0x0;
	_ =	swait.ge [sflag:s29], $0x4000  }
0x161: {  	s0 =	sor.u32 s12, s0;
	s13 =	sand.u32 $0x380, s13;
	[sflag:s29] =	ssyncset.done $0x0  }
0x162: {  	s12 =	sor.u32 s13, s0;
	[sflag:s29] =	ssyncadd.s32 $0xFFFFC000  }
0x163: {  	v3 =	vld [tilespmem:s12+$0x170]  }
0x164: {  	v8 =	vld [tilespmem:s12+$0x100]  }
0x165: {  	v9 =	vld [tilespmem:s12+$0x110]  }
0x166: {  	v6 =	vld [tilespmem:s12+$0x120]  }
0x167: {  	v7 =	vld [tilespmem:s12+$0x130]  }
0x168: {  	v5 =	vld [tilespmem:s12+$0x140]  }
0x169: {  	s0 =	sadd.s32 $0x8100, s12;
	v4 =	vld [tilespmem:s12+$0x150]  }
0x16a: {  	[tilespmem:s0+$0xC070] =	vst.add.f32.msk $0xffff, v3  }
0x16b: {  	v3 =	vld [tilespmem:s12+$0x160]  }
0x16c: {  	[tilespmem:s12+$0x14100] =	vst.add.f32.msk $0xffff, v8  }
0x16d: {  	s12 =	simm.s32 $0x0;
	[tilespmem:s0+$0xC010] =	vst.add.f32.msk $0xffff, v9  }
.LBB2_8:
0x16e: {  	s12 =	sadd.s32 $0x8, s12;
	[tilespmem:s0+$0xC020] =	vst.add.f32.msk $0xffff, v6  }
0x16f: {  	s10 =	sadd.s32 $0x400, s10;
	s13 =	sshll.u32 s12, $0x4;
	p0 =	slt.u32 s12, $0x3F8;
	[tilespmem:s0+$0xC030] =	vst.add.f32.msk $0xffff, v7  }
0x170: {  	s14 =	sand.u32 $0x1C00, s10;
	s15 =	sshll.u32 s12, $0x1;
	s13 =	sand.u32 $0x2000, s13;
	[tilespmem:s0+$0xC040] =	vst.add.f32.msk $0xffff, v5  }
0x171: {  	s15 =	sand.u32 $0x380, s15;
	s13 =	sor.u32 s14, s13;
	[tilespmem:s0+$0xC050] =	vst.add.f32.msk $0xffff, v4  }
0x172: {  	s13 =	sor.u32 s15, s13;
	[tilespmem:s0+$0xC060] =	vst.add.f32.msk $0xffff, v3  }
0x173: {  	v3 =	vld [tilespmem:s13+$0x170]  }
0x174: {  	v8 =	vld [tilespmem:s13+$0x100]  }
0x175: {  	v9 =	vld [tilespmem:s13+$0x110]  }
0x176: {  	v6 =	vld [tilespmem:s13+$0x120]  }
0x177: {  	s0 =	sadd.s32 $0x8100, s13;
	v7 =	vld [tilespmem:s13+$0x130]  }
0x178: {  	[tilespmem:s0+$0xC070] =	vst.add.f32.msk $0xffff, v3  }
.Ltmp3:
0x179: {  	v5 =	vld [tilespmem:s13+$0x140];
	(pc) =	sbr.rel @p0 .LBB2_8-.Ltmp3, $4  }
0x17a: {  	v4 =	vld [tilespmem:s13+$0x150]  }
0x17b: {  	v3 =	vld [tilespmem:s13+$0x160]  }
0x17c: {  	[tilespmem:s13+$0x14100] =	vst.add.f32.msk $0xffff, v8  }
0x17d: {  	[tilespmem:s0+$0xC010] =	vst.add.f32.msk $0xffff, v9  }
0x17e: {  	[tilespmem:s0+$0xC020] =	vst.add.f32.msk $0xffff, v6  }
0x17f: {  	[tilespmem:s0+$0xC030] =	vst.add.f32.msk $0xffff, v7  }
0x180: {  	[tilespmem:s0+$0xC040] =	vst.add.f32.msk $0xffff, v5  }
0x181: {  	[tilespmem:s0+$0xC050] =	vst.add.f32.msk $0xffff, v4  }
0x182: {  	[tilespmem:s0+$0xC060] =	vst.add.f32.msk $0xffff, v3  }
0x183: {  	s10 =	simm.s32 $0x0;
	s0 =	rddreg [dreg:$0xe]  }
0x184: {  	[hbm4b:s0+s10] =	stream.linear.scatter [tilespmem:s11], [sflag:$0x9], $0x4000, $0x38;
	[tilespmem:$0x1C100] =	vst v63  }
0x185: {  	_ =	swait.ge [sflag:s30], $0x4000  }
0x186: {  	[sflag:s30] =	ssyncset.done $0x0  }
0x187: {  	[sflag:s30] =	ssyncadd.s32 $0xFFFFC000  }
0x188: {  	v3 =	vld [tilespmem:$0x20];
	_ =	sdelay $0x4  }
0x189: {  	v4 =	vshll.u32 v3, $0x3  }
0x18a: {  	v3 =	vand.u32 $0x7, v3;
	v4 =	vand.u32 $0xFFFFFFC0, v4  }
0x18b: {  	v3 =	vor.u32 v3, v4  }
0x18c: {  	v4 =	vperm.xlane v3, v0;
	_ =	sdelay $0x1  }
0x18d: {  	v4 =	vadd.s32 v1, v4;
	_ =	sdelay $0x4  }
0x18e: {  	[tilespmem:s11], [sflag:$0x4] =	stream.indirect_vreg.gather [hbm4b:s1+s10], $0x80, v4, vm0, $0xb8;
	[tilespmem:$0x1C100] =	vst v63  }
0x18f: {  	s14 =	simm.s32 $0x14900;
	v3 =	vperm.xlane v3, v2  }
0x190: {  	[tilespmem:s14], [sflag:$0x4] =	stream.indirect_vreg.gather [hbm4b:s6+s10], $0x80, v4, vm0, $0xb8;
	[tilespmem:$0x1C100] =	vst v63  }
0x191: {  	s15 =	simm.s32 $0x15100;
	v3 =	vadd.s32 v1, v3  }
0x192: {  	[tilespmem:s15], [sflag:$0x4] =	stream.indirect_vreg.gather [hbm4b:s7+s10], $0x80, v4, vm0, $0xb8;
	[tilespmem:$0x1C100] =	vst v63  }
0x193: {  	s12 =	simm.s32 $0x15900  }
0x194: {  	[tilespmem:s12], [sflag:$0x4] =	stream.indirect_vreg.gather [hbm4b:s8+s10], $0x80, v4, vm0, $0xb8;
	[tilespmem:$0x1C100] =	vst v63  }
0x195: {  	s13 =	simm.s32 $0x16100  }
0x196: {  	[tilespmem:s13], [sflag:$0x4] =	stream.indirect_vreg.gather [hbm4b:s1+s10], $0x80, v3, vm0, $0xb8;
	[tilespmem:$0x1C100] =	vst v63  }
0x197: {  	s14 =	simm.s32 $0x16900  }
0x198: {  	[tilespmem:s14], [sflag:$0x4] =	stream.indirect_vreg.gather [hbm4b:s6+s10], $0x80, v3, vm0, $0xb8;
	[tilespmem:$0x1C100] =	vst v63  }
0x199: {  	s15 =	simm.s32 $0x17100  }
0x19a: {  	[tilespmem:s15], [sflag:$0x4] =	stream.indirect_vreg.gather [hbm4b:s7+s10], $0x80, v3, vm0, $0xb8;
	[tilespmem:$0x1C100] =	vst v63  }
0x19b: {  	s12 =	simm.s32 $0x17900  }
0x19c: {  	[tilespmem:s12], [sflag:$0x4] =	stream.indirect_vreg.gather [hbm4b:s8+s10], $0x80, v3, vm0, $0xb8;
	[tilespmem:$0x1C100] =	vst v63  }
0x19d: {  	s13 =	rddreg [dreg:$0xf];
	s12 =	simm.s32 $0x100  }
0x19e: {  	[tilespmem:s12], [sflag:$0xB] =	stream.linear.gather [hbm4b:s13+s10], $0x4000, $0x38;
	[tilespmem:$0x1C100] =	vst v63  }
0x19f: {  	_ =	swait.ge [sflag:s31], $0x4000  }
0x1a0: {  	s14 =	simm.s32 $0x0;
	[sflag:s31] =	ssyncset.done $0x0  }
0x1a1: {  	s0 =	sand.u32 $0x2000, s14;
	[sflag:s31] =	ssyncadd.s32 $0xFFFFC000  }
0x1a2: {  	s15 =	sand.u32 $0x1C00, s10;
	s13 =	simm.s32 $0x0;
	_ =	swait.ge [sflag:s2], $0x4000  }
0x1a3: {  	s0 =	sor.u32 s15, s0;
	s13 =	sand.u32 $0x380, s13;
	[sflag:s2] =	ssyncset.done $0x0  }
0x1a4: {  	s0 =	sor.u32 s13, s0;
	[sflag:s2] =	ssyncadd.s32 $0xFFFFC000  }
0x1a5: {  	v3 =	vld [tilespmem:s0+$0x4170]  }
0x1a6: {  	v8 =	vld [tilespmem:s0+$0x4100]  }
0x1a7: {  	v9 =	vld [tilespmem:s0+$0x4110]  }
0x1a8: {  	v7 =	vld [tilespmem:s0+$0x4120]  }
0x1a9: {  	v6 =	vld [tilespmem:s0+$0x4130]  }
0x1aa: {  	v5 =	vld [tilespmem:s0+$0x4140]  }
0x1ab: {  	v4 =	vld [tilespmem:s0+$0x4160]  }
0x1ac: {  	[tilespmem:s0+$0x18170] =	vst.add.f32.msk $0xffff, v3  }
0x1ad: {  	v3 =	vld [tilespmem:s0+$0x4150]  }
0x1ae: {  	[tilespmem:s0+$0x18100] =	vst.add.f32.msk $0xffff, v8  }
0x1af: {  	s12 =	simm.s32 $0x0;
	[tilespmem:s0+$0x18110] =	vst.add.f32.msk $0xffff, v9  }
.LBB2_10:
0x1b0: {  	s12 =	sadd.s32 $0x8, s12;
	[tilespmem:s0+$0x18120] =	vst.add.f32.msk $0xffff, v7  }
0x1b1: {  	s10 =	sadd.s32 $0x400, s10;
	s13 =	sshll.u32 s12, $0x4;
	p0 =	slt.u32 s12, $0x3F8;
	[tilespmem:s0+$0x18130] =	vst.add.f32.msk $0xffff, v6  }
0x1b2: {  	s14 =	sand.u32 $0x1C00, s10;
	s15 =	sshll.u32 s12, $0x1;
	s13 =	sand.u32 $0x2000, s13;
	[tilespmem:s0+$0x18140] =	vst.add.f32.msk $0xffff, v5  }
0x1b3: {  	s15 =	sand.u32 $0x380, s15;
	s13 =	sor.u32 s14, s13;
	[tilespmem:s0+$0x18150] =	vst.add.f32.msk $0xffff, v3  }
0x1b4: {  	[tilespmem:s0+$0x18160] =	vst.add.f32.msk $0xffff, v4;
	s0 =	sor.u32 s15, s13  }
0x1b5: {  	v3 =	vld [tilespmem:s0+$0x4170]  }
0x1b6: {  	v8 =	vld [tilespmem:s0+$0x4100]  }
0x1b7: {  	v9 =	vld [tilespmem:s0+$0x4110]  }
0x1b8: {  	v7 =	vld [tilespmem:s0+$0x4120]  }
0x1b9: {  	v6 =	vld [tilespmem:s0+$0x4130]  }
0x1ba: {  	[tilespmem:s0+$0x18170] =	vst.add.f32.msk $0xffff, v3  }
.Ltmp4:
0x1bb: {  	v5 =	vld [tilespmem:s0+$0x4140];
	(pc) =	sbr.rel @p0 .LBB2_10-.Ltmp4, $4  }
0x1bc: {  	v3 =	vld [tilespmem:s0+$0x4150]  }
0x1bd: {  	v4 =	vld [tilespmem:s0+$0x4160]  }
0x1be: {  	[tilespmem:s0+$0x18100] =	vst.add.f32.msk $0xffff, v8  }
0x1bf: {  	[tilespmem:s0+$0x18110] =	vst.add.f32.msk $0xffff, v9  }
0x1c0: {  	[tilespmem:s0+$0x18120] =	vst.add.f32.msk $0xffff, v7  }
0x1c1: {  	[tilespmem:s0+$0x18130] =	vst.add.f32.msk $0xffff, v6  }
0x1c2: {  	[tilespmem:s0+$0x18140] =	vst.add.f32.msk $0xffff, v5  }
0x1c3: {  	[tilespmem:s0+$0x18150] =	vst.add.f32.msk $0xffff, v3  }
0x1c4: {  	[tilespmem:s0+$0x18160] =	vst.add.f32.msk $0xffff, v4  }
0x1c5: {  	s10 =	simm.s32 $0x0;
	s0 =	rddreg [dreg:$0x10]  }
0x1c6: {  	[hbm4b:s0+s10] =	stream.linear.scatter [tilespmem:s26], [sflag:$0xA], $0x4000, $0x38;
	[tilespmem:$0x1C100] =	vst v63  }
0x1c7: {  	_ =	swait.ge [sflag:s5], $0x4000  }
0x1c8: {  	[sflag:s5] =	ssyncset.done $0x0  }
0x1c9: {  	[sflag:s5] =	ssyncadd.s32 $0xFFFFC000  }
0x1ca: {  	v3 =	vld [tilespmem:$0x60];
	_ =	sdelay $0x4  }
0x1cb: {  	v4 =	vshll.u32 v3, $0x3  }
0x1cc: {  	v3 =	vand.u32 $0x7, v3;
	v4 =	vand.u32 $0xFFFFFFC0, v4  }
0x1cd: {  	v3 =	vor.u32 v3, v4  }
0x1ce: {  	v4 =	vperm.xlane v3, v0;
	_ =	sdelay $0x1  }
0x1cf: {  	v4 =	vadd.s32 v1, v4;
	_ =	sdelay $0x4  }
0x1d0: {  	[tilespmem:s26], [sflag:$0x5] =	stream.indirect_vreg.gather [hbm4b:s1+s10], $0x80, v4, vm0, $0xb8;
	[tilespmem:$0x1C100] =	vst v63  }
0x1d1: {  	s12 =	simm.s32 $0x18900;
	v3 =	vperm.xlane v3, v2  }
0x1d2: {  	[tilespmem:s12], [sflag:$0x5] =	stream.indirect_vreg.gather [hbm4b:s6+s10], $0x80, v4, vm0, $0xb8;
	[tilespmem:$0x1C100] =	vst v63  }
0x1d3: {  	s13 =	simm.s32 $0x19100;
	v3 =	vadd.s32 v1, v3  }
0x1d4: {  	[tilespmem:s13], [sflag:$0x5] =	stream.indirect_vreg.gather [hbm4b:s7+s10], $0x80, v4, vm0, $0xb8;
	[tilespmem:$0x1C100] =	vst v63  }
0x1d5: {  	s14 =	simm.s32 $0x19900  }
0x1d6: {  	[tilespmem:s14], [sflag:$0x5] =	stream.indirect_vreg.gather [hbm4b:s8+s10], $0x80, v4, vm0, $0xb8;
	[tilespmem:$0x1C100] =	vst v63  }
0x1d7: {  	s15 =	simm.s32 $0x1A100  }
0x1d8: {  	[tilespmem:s15], [sflag:$0x5] =	stream.indirect_vreg.gather [hbm4b:s1+s10], $0x80, v3, vm0, $0xb8;
	[tilespmem:$0x1C100] =	vst v63  }
0x1d9: {  	s12 =	simm.s32 $0x1A900  }
0x1da: {  	[tilespmem:s12], [sflag:$0x5] =	stream.indirect_vreg.gather [hbm4b:s6+s10], $0x80, v3, vm0, $0xb8;
	[tilespmem:$0x1C100] =	vst v63  }
0x1db: {  	s13 =	simm.s32 $0x1B100;
	s15 =	simm.s32 $0x0  }
0x1dc: {  	[tilespmem:s13], [sflag:$0x5] =	stream.indirect_vreg.gather [hbm4b:s7+s10], $0x80, v3, vm0, $0xb8;
	[tilespmem:$0x1C100] =	vst v63  }
0x1dd: {  	s14 =	simm.s32 $0x1B900;
	s0 =	sand.u32 $0x2000, s15  }
0x1de: {  	[tilespmem:s14], [sflag:$0x5] =	stream.indirect_vreg.gather [hbm4b:s8+s10], $0x80, v3, vm0, $0xb8;
	[tilespmem:$0x1C100] =	vst v63  }
0x1df: {  	s12 =	sand.u32 $0x1C00, s10;
	s13 =	simm.s32 $0x0;
	_ =	swait.ge [sflag:s20], $0x4000  }
0x1e0: {  	s0 =	sor.u32 s12, s0;
	s13 =	sand.u32 $0x380, s13;
	[sflag:s20] =	ssyncset.done $0x0  }
0x1e1: {  	s0 =	sor.u32 s13, s0;
	[sflag:s20] =	ssyncadd.s32 $0xFFFFC000  }
0x1e2: {  	v3 =	vld [tilespmem:s0+$0x4170]  }
0x1e3: {  	v8 =	vld [tilespmem:s0+$0x4100]  }
0x1e4: {  	v9 =	vld [tilespmem:s0+$0x4110]  }
0x1e5: {  	v7 =	vld [tilespmem:s0+$0x4120]  }
0x1e6: {  	v6 =	vld [tilespmem:s0+$0x4130]  }
0x1e7: {  	v5 =	vld [tilespmem:s0+$0x4140]  }
0x1e8: {  	v4 =	vld [tilespmem:s0+$0x4160]  }
0x1e9: {  	[tilespmem:s0+$0x8170] =	vst.add.f32.msk $0xffff, v3  }
0x1ea: {  	v3 =	vld [tilespmem:s0+$0x4150]  }
0x1eb: {  	[tilespmem:s0+$0x8100] =	vst.add.f32.msk $0xffff, v8  }
0x1ec: {  	s12 =	simm.s32 $0x0;
	[tilespmem:s0+$0x8110] =	vst.add.f32.msk $0xffff, v9  }
.LBB2_12:
0x1ed: {  	s12 =	sadd.s32 $0x8, s12;
	[tilespmem:s0+$0x8120] =	vst.add.f32.msk $0xffff, v7  }
0x1ee: {  	s10 =	sadd.s32 $0x400, s10;
	s13 =	sshll.u32 s12, $0x4;
	p0 =	slt.u32 s12, $0x3F8;
	[tilespmem:s0+$0x8130] =	vst.add.f32.msk $0xffff, v6  }
0x1ef: {  	s14 =	sand.u32 $0x1C00, s10;
	s15 =	sshll.u32 s12, $0x1;
	s13 =	sand.u32 $0x2000, s13;
	[tilespmem:s0+$0x8140] =	vst.add.f32.msk $0xffff, v5  }
0x1f0: {  	s15 =	sand.u32 $0x380, s15;
	s13 =	sor.u32 s14, s13;
	[tilespmem:s0+$0x8150] =	vst.add.f32.msk $0xffff, v3  }
0x1f1: {  	[tilespmem:s0+$0x8160] =	vst.add.f32.msk $0xffff, v4;
	s0 =	sor.u32 s15, s13  }
0x1f2: {  	v3 =	vld [tilespmem:s0+$0x4170]  }
0x1f3: {  	v8 =	vld [tilespmem:s0+$0x4100]  }
0x1f4: {  	v9 =	vld [tilespmem:s0+$0x4110]  }
0x1f5: {  	v7 =	vld [tilespmem:s0+$0x4120]  }
0x1f6: {  	v6 =	vld [tilespmem:s0+$0x4130]  }
0x1f7: {  	[tilespmem:s0+$0x8170] =	vst.add.f32.msk $0xffff, v3  }
.Ltmp5:
0x1f8: {  	v5 =	vld [tilespmem:s0+$0x4140];
	(pc) =	sbr.rel @p0 .LBB2_12-.Ltmp5, $4  }
0x1f9: {  	v3 =	vld [tilespmem:s0+$0x4150]  }
0x1fa: {  	v4 =	vld [tilespmem:s0+$0x4160]  }
0x1fb: {  	[tilespmem:s0+$0x8100] =	vst.add.f32.msk $0xffff, v8  }
0x1fc: {  	[tilespmem:s0+$0x8110] =	vst.add.f32.msk $0xffff, v9  }
0x1fd: {  	[tilespmem:s0+$0x8120] =	vst.add.f32.msk $0xffff, v7  }
0x1fe: {  	[tilespmem:s0+$0x8130] =	vst.add.f32.msk $0xffff, v6  }
0x1ff: {  	[tilespmem:s0+$0x8140] =	vst.add.f32.msk $0xffff, v5  }
0x200: {  	[tilespmem:s0+$0x8150] =	vst.add.f32.msk $0xffff, v3  }
0x201: {  	[tilespmem:s0+$0x8160] =	vst.add.f32.msk $0xffff, v4  }
0x202: {  	s10 =	simm.s32 $0x0;
	s0 =	rddreg [dreg:$0x11]  }
0x203: {  	[hbm4b:s0+s10] =	stream.linear.scatter [tilespmem:s9], [sflag:$0x6], $0x4000, $0x38;
	[tilespmem:$0x1C100] =	vst v63  }
0x204: {  	_ =	swait.ge [sflag:s21], $0x4000  }
0x205: {  	[sflag:s21] =	ssyncset.done $0x0  }
0x206: {  	[sflag:s21] =	ssyncadd.s32 $0xFFFFC000  }
0x207: {  	v3 =	vld [tilespmem:$0xA0];
	_ =	sdelay $0x4  }
0x208: {  	v4 =	vshll.u32 v3, $0x3  }
0x209: {  	v3 =	vand.u32 $0x7, v3;
	v4 =	vand.u32 $0xFFFFFFC0, v4  }
0x20a: {  	v3 =	vor.u32 v3, v4  }
0x20b: {  	v4 =	vperm.xlane v3, v0;
	_ =	sdelay $0x1  }
0x20c: {  	v4 =	vadd.s32 v1, v4;
	_ =	sdelay $0x4  }
0x20d: {  	[tilespmem:s9], [sflag:$0x1] =	stream.indirect_vreg.gather [hbm4b:s1+s10], $0x80, v4, vm0, $0xb8;
	[tilespmem:$0x1C100] =	vst v63  }
0x20e: {  	s12 =	simm.s32 $0x8900;
	v3 =	vperm.xlane v3, v2  }
0x20f: {  	[tilespmem:s12], [sflag:$0x1] =	stream.indirect_vreg.gather [hbm4b:s6+s10], $0x80, v4, vm0, $0xb8;
	[tilespmem:$0x1C100] =	vst v63  }
0x210: {  	s13 =	simm.s32 $0x9100;
	v3 =	vadd.s32 v1, v3  }
0x211: {  	[tilespmem:s13], [sflag:$0x1] =	stream.indirect_vreg.gather [hbm4b:s7+s10], $0x80, v4, vm0, $0xb8;
	[tilespmem:$0x1C100] =	vst v63  }
0x212: {  	s14 =	simm.s32 $0x9900  }
0x213: {  	[tilespmem:s14], [sflag:$0x1] =	stream.indirect_vreg.gather [hbm4b:s8+s10], $0x80, v4, vm0, $0xb8;
	[tilespmem:$0x1C100] =	vst v63  }
0x214: {  	s15 =	simm.s32 $0xA100  }
0x215: {  	[tilespmem:s15], [sflag:$0x1] =	stream.indirect_vreg.gather [hbm4b:s1+s10], $0x80, v3, vm0, $0xb8;
	[tilespmem:$0x1C100] =	vst v63  }
0x216: {  	s12 =	simm.s32 $0xA900  }
0x217: {  	[tilespmem:s12], [sflag:$0x1] =	stream.indirect_vreg.gather [hbm4b:s6+s10], $0x80, v3, vm0, $0xb8;
	[tilespmem:$0x1C100] =	vst v63  }
0x218: {  	s13 =	simm.s32 $0xB100;
	s14 =	simm.s32 $0x0  }
0x219: {  	[tilespmem:s13], [sflag:$0x1] =	stream.indirect_vreg.gather [hbm4b:s7+s10], $0x80, v3, vm0, $0xb8;
	[tilespmem:$0x1C100] =	vst v63  }
0x21a: {  	s0 =	sand.u32 $0x2000, s14  }
0x21b: {  	[tilespmem:s16], [sflag:$0x1] =	stream.indirect_vreg.gather [hbm4b:s8+s10], $0x80, v3, vm0, $0xb8;
	[tilespmem:$0x1C100] =	vst v63  }
0x21c: {  	s12 =	sand.u32 $0x1C00, s10;
	s13 =	simm.s32 $0x0;
	_ =	swait.ge [sflag:s22], $0x4000  }
0x21d: {  	s0 =	sor.u32 s12, s0;
	s15 =	sand.u32 $0x380, s13;
	[sflag:s22] =	ssyncset.done $0x0  }
0x21e: {  	s0 =	sor.u32 s15, s0;
	[sflag:s22] =	ssyncadd.s32 $0xFFFFC000  }
0x21f: {  	v3 =	vld [tilespmem:s0+$0x4170]  }
0x220: {  	v8 =	vld [tilespmem:s0+$0x4100]  }
0x221: {  	v9 =	vld [tilespmem:s0+$0x4110]  }
0x222: {  	v7 =	vld [tilespmem:s0+$0x4120]  }
0x223: {  	v6 =	vld [tilespmem:s0+$0x4130]  }
0x224: {  	v5 =	vld [tilespmem:s0+$0x4140]  }
0x225: {  	v4 =	vld [tilespmem:s0+$0x4160]  }
0x226: {  	[tilespmem:s0+$0xC170] =	vst.add.f32.msk $0xffff, v3  }
0x227: {  	v3 =	vld [tilespmem:s0+$0x4150]  }
0x228: {  	[tilespmem:s0+$0xC100] =	vst.add.f32.msk $0xffff, v8  }
0x229: {  	s12 =	simm.s32 $0x0;
	[tilespmem:s0+$0xC110] =	vst.add.f32.msk $0xffff, v9  }
.LBB2_14:
0x22a: {  	s12 =	sadd.s32 $0x8, s12;
	[tilespmem:s0+$0xC120] =	vst.add.f32.msk $0xffff, v7  }
0x22b: {  	s10 =	sadd.s32 $0x400, s10;
	s13 =	sshll.u32 s12, $0x4;
	p0 =	slt.u32 s12, $0x3F8;
	[tilespmem:s0+$0xC130] =	vst.add.f32.msk $0xffff, v6  }
0x22c: {  	s14 =	sand.u32 $0x1C00, s10;
	s15 =	sshll.u32 s12, $0x1;
	s13 =	sand.u32 $0x2000, s13;
	[tilespmem:s0+$0xC140] =	vst.add.f32.msk $0xffff, v5  }
0x22d: {  	s13 =	sor.u32 s14, s13;
	s14 =	sand.u32 $0x380, s15;
	[tilespmem:s0+$0xC150] =	vst.add.f32.msk $0xffff, v3  }
0x22e: {  	[tilespmem:s0+$0xC160] =	vst.add.f32.msk $0xffff, v4;
	s0 =	sor.u32 s14, s13  }
0x22f: {  	v3 =	vld [tilespmem:s0+$0x4170]  }
0x230: {  	v8 =	vld [tilespmem:s0+$0x4100]  }
0x231: {  	v9 =	vld [tilespmem:s0+$0x4110]  }
0x232: {  	v7 =	vld [tilespmem:s0+$0x4120]  }
0x233: {  	v6 =	vld [tilespmem:s0+$0x4130]  }
0x234: {  	[tilespmem:s0+$0xC170] =	vst.add.f32.msk $0xffff, v3  }
.Ltmp6:
0x235: {  	v5 =	vld [tilespmem:s0+$0x4140];
	(pc) =	sbr.rel @p0 .LBB2_14-.Ltmp6, $4  }
0x236: {  	v3 =	vld [tilespmem:s0+$0x4150]  }
0x237: {  	v4 =	vld [tilespmem:s0+$0x4160]  }
0x238: {  	[tilespmem:s0+$0xC100] =	vst.add.f32.msk $0xffff, v8  }
0x239: {  	[tilespmem:s0+$0xC110] =	vst.add.f32.msk $0xffff, v9  }
0x23a: {  	[tilespmem:s0+$0xC120] =	vst.add.f32.msk $0xffff, v7  }
0x23b: {  	[tilespmem:s0+$0xC130] =	vst.add.f32.msk $0xffff, v6  }
0x23c: {  	[tilespmem:s0+$0xC140] =	vst.add.f32.msk $0xffff, v5  }
0x23d: {  	[tilespmem:s0+$0xC150] =	vst.add.f32.msk $0xffff, v3  }
0x23e: {  	[tilespmem:s0+$0xC160] =	vst.add.f32.msk $0xffff, v4  }
0x23f: {  	s10 =	simm.s32 $0x0;
	s0 =	rddreg [dreg:$0x12]  }
0x240: {  	[hbm4b:s0+s10] =	stream.linear.scatter [tilespmem:s17], [sflag:$0x7], $0x4000, $0x38;
	[tilespmem:$0x1C100] =	vst v63  }
0x241: {  	_ =	swait.ge [sflag:s23], $0x4000  }
0x242: {  	[sflag:s23] =	ssyncset.done $0x0  }
0x243: {  	[sflag:s23] =	ssyncadd.s32 $0xFFFFC000  }
0x244: {  	v3 =	vld [tilespmem:$0xE0];
	_ =	sdelay $0x4  }
0x245: {  	v4 =	vshll.u32 v3, $0x3  }
0x246: {  	v3 =	vand.u32 $0x7, v3;
	v4 =	vand.u32 $0xFFFFFFC0, v4  }
0x247: {  	v3 =	vor.u32 v3, v4  }
0x248: {  	v4 =	vperm.xlane v3, v0;
	_ =	sdelay $0x1  }
0x249: {  	v4 =	vadd.s32 v1, v4;
	_ =	sdelay $0x4  }
0x24a: {  	[tilespmem:s17], [sflag:$0x2] =	stream.indirect_vreg.gather [hbm4b:s1+s10], $0x80, v4, vm0, $0xb8;
	[tilespmem:$0x1C100] =	vst v63  }
0x24b: {  	s12 =	simm.s32 $0xC900;
	v3 =	vperm.xlane v3, v2  }
0x24c: {  	[tilespmem:s12], [sflag:$0x2] =	stream.indirect_vreg.gather [hbm4b:s6+s10], $0x80, v4, vm0, $0xb8;
	[tilespmem:$0x1C100] =	vst v63  }
0x24d: {  	s13 =	simm.s32 $0xD100;
	v3 =	vadd.s32 v1, v3  }
0x24e: {  	[tilespmem:s13], [sflag:$0x2] =	stream.indirect_vreg.gather [hbm4b:s7+s10], $0x80, v4, vm0, $0xb8;
	[tilespmem:$0x1C100] =	vst v63  }
0x24f: {  	s14 =	simm.s32 $0xD900  }
0x250: {  	[tilespmem:s14], [sflag:$0x2] =	stream.indirect_vreg.gather [hbm4b:s8+s10], $0x80, v4, vm0, $0xb8;
	[tilespmem:$0x1C100] =	vst v63  }
0x251: {  	s15 =	simm.s32 $0xE100  }
0x252: {  	[tilespmem:s15], [sflag:$0x2] =	stream.indirect_vreg.gather [hbm4b:s1+s10], $0x80, v3, vm0, $0xb8;
	[tilespmem:$0x1C100] =	vst v63  }
0x253: {  	s12 =	simm.s32 $0xE900  }
0x254: {  	[tilespmem:s12], [sflag:$0x2] =	stream.indirect_vreg.gather [hbm4b:s6+s10], $0x80, v3, vm0, $0xb8;
	[tilespmem:$0x1C100] =	vst v63  }
0x255: {  	s13 =	simm.s32 $0xF100;
	s15 =	simm.s32 $0x0  }
0x256: {  	[tilespmem:s13], [sflag:$0x2] =	stream.indirect_vreg.gather [hbm4b:s7+s10], $0x80, v3, vm0, $0xb8;
	[tilespmem:$0x1C100] =	vst v63  }
0x257: {  	s14 =	simm.s32 $0xF900;
	s0 =	sand.u32 $0x2000, s15  }
0x258: {  	[tilespmem:s14], [sflag:$0x2] =	stream.indirect_vreg.gather [hbm4b:s8+s10], $0x80, v3, vm0, $0xb8;
	[tilespmem:$0x1C100] =	vst v63  }
0x259: {  	s12 =	sand.u32 $0x1C00, s10;
	s13 =	simm.s32 $0x0;
	_ =	swait.ge [sflag:s24], $0x4000  }
0x25a: {  	s0 =	sor.u32 s12, s0;
	s13 =	sand.u32 $0x380, s13;
	[sflag:s24] =	ssyncset.done $0x0  }
0x25b: {  	s12 =	sor.u32 s13, s0;
	[sflag:s24] =	ssyncadd.s32 $0xFFFFC000  }
0x25c: {  	v3 =	vld [tilespmem:s12+$0x4170]  }
0x25d: {  	v8 =	vld [tilespmem:s12+$0x4100]  }
0x25e: {  	v9 =	vld [tilespmem:s12+$0x4110]  }
0x25f: {  	v6 =	vld [tilespmem:s12+$0x4120]  }
0x260: {  	v7 =	vld [tilespmem:s12+$0x4130]  }
0x261: {  	v5 =	vld [tilespmem:s12+$0x4140]  }
0x262: {  	s0 =	sadd.s32 $0x8100, s12;
	v4 =	vld [tilespmem:s12+$0x4150]  }
0x263: {  	[tilespmem:s0+$0x8070] =	vst.add.f32.msk $0xffff, v3  }
0x264: {  	v3 =	vld [tilespmem:s12+$0x4160]  }
0x265: {  	[tilespmem:s12+$0x10100] =	vst.add.f32.msk $0xffff, v8  }
0x266: {  	s12 =	simm.s32 $0x0;
	[tilespmem:s0+$0x8010] =	vst.add.f32.msk $0xffff, v9  }
.LBB2_16:
0x267: {  	s12 =	sadd.s32 $0x8, s12;
	[tilespmem:s0+$0x8020] =	vst.add.f32.msk $0xffff, v6  }
0x268: {  	s10 =	sadd.s32 $0x400, s10;
	s13 =	sshll.u32 s12, $0x4;
	p0 =	slt.u32 s12, $0x3F8;
	[tilespmem:s0+$0x8030] =	vst.add.f32.msk $0xffff, v7  }
0x269: {  	s14 =	sand.u32 $0x1C00, s10;
	s15 =	sshll.u32 s12, $0x1;
	s13 =	sand.u32 $0x2000, s13;
	[tilespmem:s0+$0x8040] =	vst.add.f32.msk $0xffff, v5  }
0x26a: {  	s15 =	sand.u32 $0x380, s15;
	s13 =	sor.u32 s14, s13;
	[tilespmem:s0+$0x8050] =	vst.add.f32.msk $0xffff, v4  }
0x26b: {  	s13 =	sor.u32 s15, s13;
	[tilespmem:s0+$0x8060] =	vst.add.f32.msk $0xffff, v3  }
0x26c: {  	v3 =	vld [tilespmem:s13+$0x4170]  }
0x26d: {  	v8 =	vld [tilespmem:s13+$0x4100]  }
0x26e: {  	v9 =	vld [tilespmem:s13+$0x4110]  }
0x26f: {  	v6 =	vld [tilespmem:s13+$0x4120]  }
0x270: {  	s0 =	sadd.s32 $0x8100, s13;
	v7 =	vld [tilespmem:s13+$0x4130]  }
0x271: {  	[tilespmem:s0+$0x8070] =	vst.add.f32.msk $0xffff, v3  }
.Ltmp7:
0x272: {  	v5 =	vld [tilespmem:s13+$0x4140];
	(pc) =	sbr.rel @p0 .LBB2_16-.Ltmp7, $4  }
0x273: {  	v4 =	vld [tilespmem:s13+$0x4150]  }
0x274: {  	v3 =	vld [tilespmem:s13+$0x4160]  }
0x275: {  	[tilespmem:s13+$0x10100] =	vst.add.f32.msk $0xffff, v8  }
0x276: {  	[tilespmem:s0+$0x8010] =	vst.add.f32.msk $0xffff, v9  }
0x277: {  	[tilespmem:s0+$0x8020] =	vst.add.f32.msk $0xffff, v6  }
0x278: {  	[tilespmem:s0+$0x8030] =	vst.add.f32.msk $0xffff, v7  }
0x279: {  	[tilespmem:s0+$0x8040] =	vst.add.f32.msk $0xffff, v5  }
0x27a: {  	[tilespmem:s0+$0x8050] =	vst.add.f32.msk $0xffff, v4  }
0x27b: {  	[tilespmem:s0+$0x8060] =	vst.add.f32.msk $0xffff, v3  }
0x27c: {  	s10 =	simm.s32 $0x0;
	s0 =	rddreg [dreg:$0x16]  }
0x27d: {  	[hbm4b:s0+s10] =	stream.linear.scatter [tilespmem:s25], [sflag:$0x8], $0x4000, $0x38;
	[tilespmem:$0x1C100] =	vst v63  }
0x27e: {  	_ =	swait.ge [sflag:s28], $0x4000  }
0x27f: {  	[sflag:s28] =	ssyncset.done $0x0  }
0x280: {  	[sflag:s28] =	ssyncadd.s32 $0xFFFFC000  }
0x281: {  	v3 =	vld [tilespmem:$0x30];
	_ =	sdelay $0x4  }
0x282: {  	v4 =	vshll.u32 v3, $0x3  }
0x283: {  	v3 =	vand.u32 $0x7, v3;
	v4 =	vand.u32 $0xFFFFFFC0, v4  }
0x284: {  	v3 =	vor.u32 v3, v4  }
0x285: {  	v4 =	vperm.xlane v3, v0;
	_ =	sdelay $0x1  }
0x286: {  	v4 =	vadd.s32 v1, v4;
	_ =	sdelay $0x4  }
0x287: {  	[tilespmem:s25], [sflag:$0x3] =	stream.indirect_vreg.gather [hbm4b:s1+s10], $0x80, v4, vm0, $0xb8;
	[tilespmem:$0x1C100] =	vst v63  }
0x288: {  	s14 =	simm.s32 $0x10900;
	v3 =	vperm.xlane v3, v2  }
0x289: {  	[tilespmem:s14], [sflag:$0x3] =	stream.indirect_vreg.gather [hbm4b:s6+s10], $0x80, v4, vm0, $0xb8;
	[tilespmem:$0x1C100] =	vst v63  }
0x28a: {  	s15 =	simm.s32 $0x11100;
	v3 =	vadd.s32 v1, v3  }
0x28b: {  	[tilespmem:s15], [sflag:$0x3] =	stream.indirect_vreg.gather [hbm4b:s7+s10], $0x80, v4, vm0, $0xb8;
	[tilespmem:$0x1C100] =	vst v63  }
0x28c: {  	s12 =	simm.s32 $0x11900  }
0x28d: {  	[tilespmem:s12], [sflag:$0x3] =	stream.indirect_vreg.gather [hbm4b:s8+s10], $0x80, v4, vm0, $0xb8;
	[tilespmem:$0x1C100] =	vst v63  }
0x28e: {  	s13 =	simm.s32 $0x12100  }
0x28f: {  	[tilespmem:s13], [sflag:$0x3] =	stream.indirect_vreg.gather [hbm4b:s1+s10], $0x80, v3, vm0, $0xb8;
	[tilespmem:$0x1C100] =	vst v63  }
0x290: {  	s14 =	simm.s32 $0x12900  }
0x291: {  	[tilespmem:s14], [sflag:$0x3] =	stream.indirect_vreg.gather [hbm4b:s6+s10], $0x80, v3, vm0, $0xb8;
	[tilespmem:$0x1C100] =	vst v63  }
0x292: {  	s15 =	simm.s32 $0x13100  }
0x293: {  	[tilespmem:s15], [sflag:$0x3] =	stream.indirect_vreg.gather [hbm4b:s7+s10], $0x80, v3, vm0, $0xb8;
	[tilespmem:$0x1C100] =	vst v63  }
0x294: {  	s12 =	simm.s32 $0x13900  }
0x295: {  	[tilespmem:s12], [sflag:$0x3] =	stream.indirect_vreg.gather [hbm4b:s8+s10], $0x80, v3, vm0, $0xb8;
	[tilespmem:$0x1C100] =	vst v63  }
0x296: {  	s13 =	rddreg [dreg:$0x13];
	s12 =	simm.s32 $0x4100  }
0x297: {  	[tilespmem:s12], [sflag:$0xC] =	stream.linear.gather [hbm4b:s13+s10], $0x4000, $0x38;
	[tilespmem:$0x1C100] =	vst v63  }
0x298: {  	_ =	swait.ge [sflag:s19], $0x4000  }
0x299: {  	s14 =	simm.s32 $0x0;
	[sflag:s19] =	ssyncset.done $0x0  }
0x29a: {  	s0 =	sand.u32 $0x2000, s14;
	[sflag:s19] =	ssyncadd.s32 $0xFFFFC000  }
0x29b: {  	s15 =	sand.u32 $0x1C00, s10;
	s13 =	simm.s32 $0x0;
	_ =	swait.ge [sflag:s29], $0x4000  }
0x29c: {  	s0 =	sor.u32 s15, s0;
	s13 =	sand.u32 $0x380, s13;
	[sflag:s29] =	ssyncset.done $0x0  }
0x29d: {  	s12 =	sor.u32 s13, s0;
	[sflag:s29] =	ssyncadd.s32 $0xFFFFC000  }
0x29e: {  	v3 =	vld [tilespmem:s12+$0x170]  }
0x29f: {  	v8 =	vld [tilespmem:s12+$0x100]  }
0x2a0: {  	v9 =	vld [tilespmem:s12+$0x110]  }
0x2a1: {  	v6 =	vld [tilespmem:s12+$0x120]  }
0x2a2: {  	v7 =	vld [tilespmem:s12+$0x130]  }
0x2a3: {  	v5 =	vld [tilespmem:s12+$0x140]  }
0x2a4: {  	s0 =	sadd.s32 $0x8100, s12;
	v4 =	vld [tilespmem:s12+$0x150]  }
0x2a5: {  	[tilespmem:s0+$0xC070] =	vst.add.f32.msk $0xffff, v3  }
0x2a6: {  	v3 =	vld [tilespmem:s12+$0x160]  }
0x2a7: {  	[tilespmem:s12+$0x14100] =	vst.add.f32.msk $0xffff, v8  }
0x2a8: {  	s12 =	simm.s32 $0x0;
	[tilespmem:s0+$0xC010] =	vst.add.f32.msk $0xffff, v9  }
.LBB2_18:
0x2a9: {  	s12 =	sadd.s32 $0x8, s12;
	[tilespmem:s0+$0xC020] =	vst.add.f32.msk $0xffff, v6  }
0x2aa: {  	s10 =	sadd.s32 $0x400, s10;
	s13 =	sshll.u32 s12, $0x4;
	p0 =	slt.u32 s12, $0x3F8;
	[tilespmem:s0+$0xC030] =	vst.add.f32.msk $0xffff, v7  }
0x2ab: {  	s14 =	sand.u32 $0x1C00, s10;
	s15 =	sshll.u32 s12, $0x1;
	s13 =	sand.u32 $0x2000, s13;
	[tilespmem:s0+$0xC040] =	vst.add.f32.msk $0xffff, v5  }
0x2ac: {  	s15 =	sand.u32 $0x380, s15;
	s13 =	sor.u32 s14, s13;
	[tilespmem:s0+$0xC050] =	vst.add.f32.msk $0xffff, v4  }
0x2ad: {  	s13 =	sor.u32 s15, s13;
	[tilespmem:s0+$0xC060] =	vst.add.f32.msk $0xffff, v3  }
0x2ae: {  	v3 =	vld [tilespmem:s13+$0x170]  }
0x2af: {  	v8 =	vld [tilespmem:s13+$0x100]  }
0x2b0: {  	v9 =	vld [tilespmem:s13+$0x110]  }
0x2b1: {  	v6 =	vld [tilespmem:s13+$0x120]  }
0x2b2: {  	s0 =	sadd.s32 $0x8100, s13;
	v7 =	vld [tilespmem:s13+$0x130]  }
0x2b3: {  	[tilespmem:s0+$0xC070] =	vst.add.f32.msk $0xffff, v3  }
.Ltmp8:
0x2b4: {  	v5 =	vld [tilespmem:s13+$0x140];
	(pc) =	sbr.rel @p0 .LBB2_18-.Ltmp8, $4  }
0x2b5: {  	v4 =	vld [tilespmem:s13+$0x150]  }
0x2b6: {  	v3 =	vld [tilespmem:s13+$0x160]  }
0x2b7: {  	[tilespmem:s13+$0x14100] =	vst.add.f32.msk $0xffff, v8  }
0x2b8: {  	[tilespmem:s0+$0xC010] =	vst.add.f32.msk $0xffff, v9  }
0x2b9: {  	[tilespmem:s0+$0xC020] =	vst.add.f32.msk $0xffff, v6  }
0x2ba: {  	[tilespmem:s0+$0xC030] =	vst.add.f32.msk $0xffff, v7  }
0x2bb: {  	[tilespmem:s0+$0xC040] =	vst.add.f32.msk $0xffff, v5  }
0x2bc: {  	[tilespmem:s0+$0xC050] =	vst.add.f32.msk $0xffff, v4  }
0x2bd: {  	[tilespmem:s0+$0xC060] =	vst.add.f32.msk $0xffff, v3  }
0x2be: {  	s10 =	simm.s32 $0x0;
	s0 =	rddreg [dreg:$0x14]  }
0x2bf: {  	[hbm4b:s0+s10] =	stream.linear.scatter [tilespmem:s11], [sflag:$0x9], $0x4000, $0x38;
	[tilespmem:$0x1C100] =	vst v63  }
0x2c0: {  	_ =	swait.ge [sflag:s30], $0x4000  }
0x2c1: {  	[sflag:s30] =	ssyncset.done $0x0  }
0x2c2: {  	[sflag:s30] =	ssyncadd.s32 $0xFFFFC000  }
0x2c3: {  	v3 =	vld [tilespmem:$0x70];
	_ =	sdelay $0x4  }
0x2c4: {  	v4 =	vshll.u32 v3, $0x3  }
0x2c5: {  	v3 =	vand.u32 $0x7, v3;
	v4 =	vand.u32 $0xFFFFFFC0, v4  }
0x2c6: {  	v3 =	vor.u32 v3, v4  }
0x2c7: {  	v4 =	vperm.xlane v3, v0;
	_ =	sdelay $0x1  }
0x2c8: {  	v4 =	vadd.s32 v1, v4;
	_ =	sdelay $0x4  }
0x2c9: {  	[tilespmem:s11], [sflag:$0x4] =	stream.indirect_vreg.gather [hbm4b:s1+s10], $0x80, v4, vm0, $0xb8;
	[tilespmem:$0x1C100] =	vst v63  }
0x2ca: {  	s12 =	simm.s32 $0x14900;
	v3 =	vperm.xlane v3, v2  }
0x2cb: {  	[tilespmem:s12], [sflag:$0x4] =	stream.indirect_vreg.gather [hbm4b:s6+s10], $0x80, v4, vm0, $0xb8;
	[tilespmem:$0x1C100] =	vst v63  }
0x2cc: {  	s13 =	simm.s32 $0x15100;
	v3 =	vadd.s32 v1, v3  }
0x2cd: {  	[tilespmem:s13], [sflag:$0x4] =	stream.indirect_vreg.gather [hbm4b:s7+s10], $0x80, v4, vm0, $0xb8;
	[tilespmem:$0x1C100] =	vst v63  }
0x2ce: {  	s14 =	simm.s32 $0x15900  }
0x2cf: {  	[tilespmem:s14], [sflag:$0x4] =	stream.indirect_vreg.gather [hbm4b:s8+s10], $0x80, v4, vm0, $0xb8;
	[tilespmem:$0x1C100] =	vst v63  }
0x2d0: {  	s15 =	simm.s32 $0x16100  }
0x2d1: {  	[tilespmem:s15], [sflag:$0x4] =	stream.indirect_vreg.gather [hbm4b:s1+s10], $0x80, v3, vm0, $0xb8;
	[tilespmem:$0x1C100] =	vst v63  }
0x2d2: {  	s12 =	simm.s32 $0x16900  }
0x2d3: {  	[tilespmem:s12], [sflag:$0x4] =	stream.indirect_vreg.gather [hbm4b:s6+s10], $0x80, v3, vm0, $0xb8;
	[tilespmem:$0x1C100] =	vst v63  }
0x2d4: {  	s13 =	simm.s32 $0x17100;
	s15 =	simm.s32 $0x0  }
0x2d5: {  	[tilespmem:s13], [sflag:$0x4] =	stream.indirect_vreg.gather [hbm4b:s7+s10], $0x80, v3, vm0, $0xb8;
	[tilespmem:$0x1C100] =	vst v63  }
0x2d6: {  	s14 =	simm.s32 $0x17900;
	s0 =	sand.u32 $0x2000, s15  }
0x2d7: {  	[tilespmem:s14], [sflag:$0x4] =	stream.indirect_vreg.gather [hbm4b:s8+s10], $0x80, v3, vm0, $0xb8;
	[tilespmem:$0x1C100] =	vst v63  }
0x2d8: {  	s12 =	sand.u32 $0x1C00, s10;
	s13 =	simm.s32 $0x0;
	_ =	swait.ge [sflag:s2], $0x4000  }
0x2d9: {  	s0 =	sor.u32 s12, s0;
	s13 =	sand.u32 $0x380, s13;
	[sflag:s2] =	ssyncset.done $0x0  }
0x2da: {  	s0 =	sor.u32 s13, s0;
	[sflag:s2] =	ssyncadd.s32 $0xFFFFC000  }
0x2db: {  	v3 =	vld [tilespmem:s0+$0x170]  }
0x2dc: {  	v8 =	vld [tilespmem:s0+$0x100]  }
0x2dd: {  	v9 =	vld [tilespmem:s0+$0x110]  }
0x2de: {  	v7 =	vld [tilespmem:s0+$0x120]  }
0x2df: {  	v6 =	vld [tilespmem:s0+$0x130]  }
0x2e0: {  	v5 =	vld [tilespmem:s0+$0x140]  }
0x2e1: {  	v4 =	vld [tilespmem:s0+$0x160]  }
0x2e2: {  	[tilespmem:s0+$0x18170] =	vst.add.f32.msk $0xffff, v3  }
0x2e3: {  	v3 =	vld [tilespmem:s0+$0x150]  }
0x2e4: {  	[tilespmem:s0+$0x18100] =	vst.add.f32.msk $0xffff, v8  }
0x2e5: {  	s12 =	simm.s32 $0x0;
	[tilespmem:s0+$0x18110] =	vst.add.f32.msk $0xffff, v9  }
.LBB2_20:
0x2e6: {  	s12 =	sadd.s32 $0x8, s12;
	[tilespmem:s0+$0x18120] =	vst.add.f32.msk $0xffff, v7  }
0x2e7: {  	s10 =	sadd.s32 $0x400, s10;
	s13 =	sshll.u32 s12, $0x4;
	p0 =	slt.u32 s12, $0x3F8;
	[tilespmem:s0+$0x18130] =	vst.add.f32.msk $0xffff, v6  }
0x2e8: {  	s14 =	sand.u32 $0x1C00, s10;
	s15 =	sshll.u32 s12, $0x1;
	s13 =	sand.u32 $0x2000, s13;
	[tilespmem:s0+$0x18140] =	vst.add.f32.msk $0xffff, v5  }
0x2e9: {  	s15 =	sand.u32 $0x380, s15;
	s13 =	sor.u32 s14, s13;
	[tilespmem:s0+$0x18150] =	vst.add.f32.msk $0xffff, v3  }
0x2ea: {  	[tilespmem:s0+$0x18160] =	vst.add.f32.msk $0xffff, v4;
	s0 =	sor.u32 s15, s13  }
0x2eb: {  	v3 =	vld [tilespmem:s0+$0x170]  }
0x2ec: {  	v8 =	vld [tilespmem:s0+$0x100]  }
0x2ed: {  	v9 =	vld [tilespmem:s0+$0x110]  }
0x2ee: {  	v7 =	vld [tilespmem:s0+$0x120]  }
0x2ef: {  	v6 =	vld [tilespmem:s0+$0x130]  }
0x2f0: {  	[tilespmem:s0+$0x18170] =	vst.add.f32.msk $0xffff, v3  }
.Ltmp9:
0x2f1: {  	v5 =	vld [tilespmem:s0+$0x140];
	(pc) =	sbr.rel @p0 .LBB2_20-.Ltmp9, $4  }
0x2f2: {  	v3 =	vld [tilespmem:s0+$0x150]  }
0x2f3: {  	v4 =	vld [tilespmem:s0+$0x160]  }
0x2f4: {  	[tilespmem:s0+$0x18100] =	vst.add.f32.msk $0xffff, v8  }
0x2f5: {  	[tilespmem:s0+$0x18110] =	vst.add.f32.msk $0xffff, v9  }
0x2f6: {  	[tilespmem:s0+$0x18120] =	vst.add.f32.msk $0xffff, v7  }
0x2f7: {  	[tilespmem:s0+$0x18130] =	vst.add.f32.msk $0xffff, v6  }
0x2f8: {  	[tilespmem:s0+$0x18140] =	vst.add.f32.msk $0xffff, v5  }
0x2f9: {  	[tilespmem:s0+$0x18150] =	vst.add.f32.msk $0xffff, v3  }
0x2fa: {  	[tilespmem:s0+$0x18160] =	vst.add.f32.msk $0xffff, v4  }
0x2fb: {  	s10 =	simm.s32 $0x0;
	s0 =	rddreg [dreg:$0x18]  }
0x2fc: {  	[hbm4b:s0+s10] =	stream.linear.scatter [tilespmem:s26], [sflag:$0xA], $0x4000, $0x38;
	[tilespmem:$0x1C100] =	vst v63  }
0x2fd: {  	_ =	swait.ge [sflag:s5], $0x4000  }
0x2fe: {  	[sflag:s5] =	ssyncset.done $0x0  }
0x2ff: {  	[sflag:s5] =	ssyncadd.s32 $0xFFFFC000  }
0x300: {  	v3 =	vld [tilespmem:$0xB0];
	_ =	sdelay $0x4  }
0x301: {  	v4 =	vshll.u32 v3, $0x3  }
0x302: {  	v3 =	vand.u32 $0x7, v3;
	v4 =	vand.u32 $0xFFFFFFC0, v4  }
0x303: {  	v3 =	vor.u32 v3, v4  }
0x304: {  	v4 =	vperm.xlane v3, v0;
	_ =	sdelay $0x1  }
0x305: {  	v4 =	vadd.s32 v1, v4;
	_ =	sdelay $0x4  }
0x306: {  	[tilespmem:s26], [sflag:$0x5] =	stream.indirect_vreg.gather [hbm4b:s1+s10], $0x80, v4, vm0, $0xb8;
	[tilespmem:$0x1C100] =	vst v63  }
0x307: {  	s15 =	simm.s32 $0x18900;
	v3 =	vperm.xlane v3, v2  }
0x308: {  	[tilespmem:s15], [sflag:$0x5] =	stream.indirect_vreg.gather [hbm4b:s6+s10], $0x80, v4, vm0, $0xb8;
	[tilespmem:$0x1C100] =	vst v63  }
0x309: {  	s12 =	simm.s32 $0x19100;
	v3 =	vadd.s32 v1, v3  }
0x30a: {  	[tilespmem:s12], [sflag:$0x5] =	stream.indirect_vreg.gather [hbm4b:s7+s10], $0x80, v4, vm0, $0xb8;
	[tilespmem:$0x1C100] =	vst v63  }
0x30b: {  	s13 =	simm.s32 $0x19900  }
0x30c: {  	[tilespmem:s13], [sflag:$0x5] =	stream.indirect_vreg.gather [hbm4b:s8+s10], $0x80, v4, vm0, $0xb8;
	[tilespmem:$0x1C100] =	vst v63  }
0x30d: {  	s14 =	simm.s32 $0x1A100  }
0x30e: {  	[tilespmem:s14], [sflag:$0x5] =	stream.indirect_vreg.gather [hbm4b:s1+s10], $0x80, v3, vm0, $0xb8;
	[tilespmem:$0x1C100] =	vst v63  }
0x30f: {  	s15 =	simm.s32 $0x1A900  }
0x310: {  	[tilespmem:s15], [sflag:$0x5] =	stream.indirect_vreg.gather [hbm4b:s6+s10], $0x80, v3, vm0, $0xb8;
	[tilespmem:$0x1C100] =	vst v63  }
0x311: {  	s12 =	simm.s32 $0x1B100;
	s14 =	simm.s32 $0x0  }
0x312: {  	[tilespmem:s12], [sflag:$0x5] =	stream.indirect_vreg.gather [hbm4b:s7+s10], $0x80, v3, vm0, $0xb8;
	[tilespmem:$0x1C100] =	vst v63  }
0x313: {  	s13 =	simm.s32 $0x1B900;
	s0 =	sand.u32 $0x2000, s14  }
0x314: {  	[tilespmem:s13], [sflag:$0x5] =	stream.indirect_vreg.gather [hbm4b:s8+s10], $0x80, v3, vm0, $0xb8;
	[tilespmem:$0x1C100] =	vst v63  }
0x315: {  	s12 =	sand.u32 $0x1C00, s10;
	s13 =	simm.s32 $0x0;
	_ =	swait.ge [sflag:s20], $0x4000  }
0x316: {  	s0 =	sor.u32 s12, s0;
	s15 =	sand.u32 $0x380, s13;
	[sflag:s20] =	ssyncset.done $0x0  }
0x317: {  	s0 =	sor.u32 s15, s0;
	[sflag:s20] =	ssyncadd.s32 $0xFFFFC000  }
0x318: {  	v3 =	vld [tilespmem:s0+$0x170]  }
0x319: {  	v8 =	vld [tilespmem:s0+$0x100]  }
0x31a: {  	v9 =	vld [tilespmem:s0+$0x110]  }
0x31b: {  	v7 =	vld [tilespmem:s0+$0x120]  }
0x31c: {  	v6 =	vld [tilespmem:s0+$0x130]  }
0x31d: {  	v5 =	vld [tilespmem:s0+$0x140]  }
0x31e: {  	v4 =	vld [tilespmem:s0+$0x160]  }
0x31f: {  	[tilespmem:s0+$0x8170] =	vst.add.f32.msk $0xffff, v3  }
0x320: {  	v3 =	vld [tilespmem:s0+$0x150]  }
0x321: {  	[tilespmem:s0+$0x8100] =	vst.add.f32.msk $0xffff, v8  }
0x322: {  	s12 =	simm.s32 $0x0;
	[tilespmem:s0+$0x8110] =	vst.add.f32.msk $0xffff, v9  }
.LBB2_22:
0x323: {  	s12 =	sadd.s32 $0x8, s12;
	[tilespmem:s0+$0x8120] =	vst.add.f32.msk $0xffff, v7  }
0x324: {  	s10 =	sadd.s32 $0x400, s10;
	s13 =	sshll.u32 s12, $0x4;
	p0 =	slt.u32 s12, $0x3F8;
	[tilespmem:s0+$0x8130] =	vst.add.f32.msk $0xffff, v6  }
0x325: {  	s14 =	sand.u32 $0x1C00, s10;
	s15 =	sshll.u32 s12, $0x1;
	s13 =	sand.u32 $0x2000, s13;
	[tilespmem:s0+$0x8140] =	vst.add.f32.msk $0xffff, v5  }
0x326: {  	s13 =	sor.u32 s14, s13;
	s14 =	sand.u32 $0x380, s15;
	[tilespmem:s0+$0x8150] =	vst.add.f32.msk $0xffff, v3  }
0x327: {  	[tilespmem:s0+$0x8160] =	vst.add.f32.msk $0xffff, v4;
	s0 =	sor.u32 s14, s13  }
0x328: {  	v3 =	vld [tilespmem:s0+$0x170]  }
0x329: {  	v8 =	vld [tilespmem:s0+$0x100]  }
0x32a: {  	v9 =	vld [tilespmem:s0+$0x110]  }
0x32b: {  	v7 =	vld [tilespmem:s0+$0x120]  }
0x32c: {  	v6 =	vld [tilespmem:s0+$0x130]  }
0x32d: {  	[tilespmem:s0+$0x8170] =	vst.add.f32.msk $0xffff, v3  }
.Ltmp10:
0x32e: {  	v5 =	vld [tilespmem:s0+$0x140];
	(pc) =	sbr.rel @p0 .LBB2_22-.Ltmp10, $4  }
0x32f: {  	v3 =	vld [tilespmem:s0+$0x150]  }
0x330: {  	v4 =	vld [tilespmem:s0+$0x160]  }
0x331: {  	[tilespmem:s0+$0x8100] =	vst.add.f32.msk $0xffff, v8  }
0x332: {  	[tilespmem:s0+$0x8110] =	vst.add.f32.msk $0xffff, v9  }
0x333: {  	[tilespmem:s0+$0x8120] =	vst.add.f32.msk $0xffff, v7  }
0x334: {  	[tilespmem:s0+$0x8130] =	vst.add.f32.msk $0xffff, v6  }
0x335: {  	[tilespmem:s0+$0x8140] =	vst.add.f32.msk $0xffff, v5  }
0x336: {  	[tilespmem:s0+$0x8150] =	vst.add.f32.msk $0xffff, v3  }
0x337: {  	[tilespmem:s0+$0x8160] =	vst.add.f32.msk $0xffff, v4  }
0x338: {  	s10 =	simm.s32 $0x0;
	s0 =	rddreg [dreg:$0x19]  }
0x339: {  	[hbm4b:s0+s10] =	stream.linear.scatter [tilespmem:s9], [sflag:$0x6], $0x4000, $0x38;
	[tilespmem:$0x1C100] =	vst v63  }
0x33a: {  	_ =	swait.ge [sflag:s21], $0x4000  }
0x33b: {  	[sflag:s21] =	ssyncset.done $0x0  }
0x33c: {  	[sflag:s21] =	ssyncadd.s32 $0xFFFFC000  }
0x33d: {  	v3 =	vld [tilespmem:$0xF0];
	_ =	sdelay $0x4  }
0x33e: {  	v4 =	vshll.u32 v3, $0x3  }
0x33f: {  	v3 =	vand.u32 $0x7, v3;
	v4 =	vand.u32 $0xFFFFFFC0, v4  }
0x340: {  	v3 =	vor.u32 v3, v4  }
0x341: {  	v4 =	vperm.xlane v3, v0;
	_ =	sdelay $0x1  }
0x342: {  	v4 =	vadd.s32 v1, v4;
	_ =	sdelay $0x4  }
0x343: {  	[tilespmem:s9], [sflag:$0x1] =	stream.indirect_vreg.gather [hbm4b:s1+s10], $0x80, v4, vm0, $0xb8;
	[tilespmem:$0x1C100] =	vst v63  }
0x344: {  	s13 =	simm.s32 $0x8900;
	v3 =	vperm.xlane v3, v2  }
0x345: {  	[tilespmem:s13], [sflag:$0x1] =	stream.indirect_vreg.gather [hbm4b:s6+s10], $0x80, v4, vm0, $0xb8;
	[tilespmem:$0x1C100] =	vst v63  }
0x346: {  	s14 =	simm.s32 $0x9100;
	v3 =	vadd.s32 v1, v3  }
0x347: {  	[tilespmem:s14], [sflag:$0x1] =	stream.indirect_vreg.gather [hbm4b:s7+s10], $0x80, v4, vm0, $0xb8;
	[tilespmem:$0x1C100] =	vst v63  }
0x348: {  	s15 =	simm.s32 $0x9900  }
0x349: {  	[tilespmem:s15], [sflag:$0x1] =	stream.indirect_vreg.gather [hbm4b:s8+s10], $0x80, v4, vm0, $0xb8;
	[tilespmem:$0x1C100] =	vst v63  }
0x34a: {  	s12 =	simm.s32 $0xA100  }
0x34b: {  	[tilespmem:s12], [sflag:$0x1] =	stream.indirect_vreg.gather [hbm4b:s1+s10], $0x80, v3, vm0, $0xb8;
	[tilespmem:$0x1C100] =	vst v63  }
0x34c: {  	s13 =	simm.s32 $0xA900  }
0x34d: {  	[tilespmem:s13], [sflag:$0x1] =	stream.indirect_vreg.gather [hbm4b:s6+s10], $0x80, v3, vm0, $0xb8;
	[tilespmem:$0x1C100] =	vst v63  }
0x34e: {  	s14 =	simm.s32 $0xB100;
	s15 =	simm.s32 $0x0  }
0x34f: {  	[tilespmem:s14], [sflag:$0x1] =	stream.indirect_vreg.gather [hbm4b:s7+s10], $0x80, v3, vm0, $0xb8;
	[tilespmem:$0x1C100] =	vst v63  }
0x350: {  	s0 =	sand.u32 $0x2000, s15  }
0x351: {  	[tilespmem:s16], [sflag:$0x1] =	stream.indirect_vreg.gather [hbm4b:s8+s10], $0x80, v3, vm0, $0xb8;
	[tilespmem:$0x1C100] =	vst v63  }
0x352: {  	s12 =	sand.u32 $0x1C00, s10;
	s13 =	simm.s32 $0x0;
	_ =	swait.ge [sflag:s22], $0x4000  }
0x353: {  	s0 =	sor.u32 s12, s0;
	s13 =	sand.u32 $0x380, s13;
	[sflag:s22] =	ssyncset.done $0x0  }
0x354: {  	s0 =	sor.u32 s13, s0;
	[sflag:s22] =	ssyncadd.s32 $0xFFFFC000  }
0x355: {  	v3 =	vld [tilespmem:s0+$0x170]  }
0x356: {  	v8 =	vld [tilespmem:s0+$0x100]  }
0x357: {  	v9 =	vld [tilespmem:s0+$0x110]  }
0x358: {  	v7 =	vld [tilespmem:s0+$0x120]  }
0x359: {  	v6 =	vld [tilespmem:s0+$0x130]  }
0x35a: {  	v5 =	vld [tilespmem:s0+$0x140]  }
0x35b: {  	v4 =	vld [tilespmem:s0+$0x160]  }
0x35c: {  	[tilespmem:s0+$0xC170] =	vst.add.f32.msk $0xffff, v3  }
0x35d: {  	v3 =	vld [tilespmem:s0+$0x150]  }
0x35e: {  	[tilespmem:s0+$0xC100] =	vst.add.f32.msk $0xffff, v8  }
0x35f: {  	s12 =	simm.s32 $0x0;
	[tilespmem:s0+$0xC110] =	vst.add.f32.msk $0xffff, v9  }
.LBB2_24:
0x360: {  	s12 =	sadd.s32 $0x8, s12;
	[tilespmem:s0+$0xC120] =	vst.add.f32.msk $0xffff, v7  }
0x361: {  	s10 =	sadd.s32 $0x400, s10;
	s13 =	sshll.u32 s12, $0x4;
	p0 =	slt.u32 s12, $0x3F8;
	[tilespmem:s0+$0xC130] =	vst.add.f32.msk $0xffff, v6  }
0x362: {  	s14 =	sand.u32 $0x1C00, s10;
	s15 =	sshll.u32 s12, $0x1;
	s13 =	sand.u32 $0x2000, s13;
	[tilespmem:s0+$0xC140] =	vst.add.f32.msk $0xffff, v5  }
0x363: {  	s15 =	sand.u32 $0x380, s15;
	s13 =	sor.u32 s14, s13;
	[tilespmem:s0+$0xC150] =	vst.add.f32.msk $0xffff, v3  }
0x364: {  	[tilespmem:s0+$0xC160] =	vst.add.f32.msk $0xffff, v4;
	s0 =	sor.u32 s15, s13  }
0x365: {  	v3 =	vld [tilespmem:s0+$0x170]  }
0x366: {  	v8 =	vld [tilespmem:s0+$0x100]  }
0x367: {  	v9 =	vld [tilespmem:s0+$0x110]  }
0x368: {  	v7 =	vld [tilespmem:s0+$0x120]  }
0x369: {  	v6 =	vld [tilespmem:s0+$0x130]  }
0x36a: {  	[tilespmem:s0+$0xC170] =	vst.add.f32.msk $0xffff, v3  }
.Ltmp11:
0x36b: {  	v5 =	vld [tilespmem:s0+$0x140];
	(pc) =	sbr.rel @p0 .LBB2_24-.Ltmp11, $4  }
0x36c: {  	v3 =	vld [tilespmem:s0+$0x150]  }
0x36d: {  	v4 =	vld [tilespmem:s0+$0x160]  }
0x36e: {  	[tilespmem:s0+$0xC100] =	vst.add.f32.msk $0xffff, v8  }
0x36f: {  	[tilespmem:s0+$0xC110] =	vst.add.f32.msk $0xffff, v9  }
0x370: {  	[tilespmem:s0+$0xC120] =	vst.add.f32.msk $0xffff, v7  }
0x371: {  	[tilespmem:s0+$0xC130] =	vst.add.f32.msk $0xffff, v6  }
0x372: {  	[tilespmem:s0+$0xC140] =	vst.add.f32.msk $0xffff, v5  }
0x373: {  	[tilespmem:s0+$0xC150] =	vst.add.f32.msk $0xffff, v3  }
0x374: {  	[tilespmem:s0+$0xC160] =	vst.add.f32.msk $0xffff, v4  }
0x375: {  	s10 =	simm.s32 $0x0;
	s0 =	rddreg [dreg:$0x1a]  }
0x376: {  	[hbm4b:s0+s10] =	stream.linear.scatter [tilespmem:s17], [sflag:$0x7], $0x4000, $0x38;
	[tilespmem:$0x1C100] =	vst v63  }
0x377: {  	_ =	swait.ge [sflag:s31], $0x4000  }
0x378: {  	[sflag:s31] =	ssyncset.done $0x0  }
0x379: {  	s15 =	simm.s32 $0x0;
	s13 =	simm.s32 $0x0;
	[sflag:s31] =	ssyncadd.s32 $0xFFFFC000  }
0x37a: {  	s12 =	sand.u32 $0x1C00, s10;
	s0 =	sand.u32 $0x2000, s15;
	_ =	swait.ge [sflag:s24], $0x4000  }
0x37b: {  	s13 =	sand.u32 $0x380, s13;
	s0 =	sor.u32 s12, s0;
	[sflag:s24] =	ssyncset.done $0x0  }
0x37c: {  	s12 =	sor.u32 s13, s0;
	[sflag:s24] =	ssyncadd.s32 $0xFFFFC000  }
0x37d: {  	v3 =	vld [tilespmem:s12+$0x4170]  }
0x37e: {  	v8 =	vld [tilespmem:s12+$0x4100]  }
0x37f: {  	v9 =	vld [tilespmem:s12+$0x4110]  }
0x380: {  	v6 =	vld [tilespmem:s12+$0x4120]  }
0x381: {  	v7 =	vld [tilespmem:s12+$0x4130]  }
0x382: {  	v5 =	vld [tilespmem:s12+$0x4140]  }
0x383: {  	s0 =	sadd.s32 $0x8100, s12;
	v4 =	vld [tilespmem:s12+$0x4150]  }
0x384: {  	[tilespmem:s0+$0x8070] =	vst.add.f32.msk $0xffff, v3  }
0x385: {  	v3 =	vld [tilespmem:s12+$0x4160]  }
0x386: {  	[tilespmem:s12+$0x10100] =	vst.add.f32.msk $0xffff, v8  }
0x387: {  	s12 =	simm.s32 $0x0;
	[tilespmem:s0+$0x8010] =	vst.add.f32.msk $0xffff, v9  }
.LBB2_26:
0x388: {  	s12 =	sadd.s32 $0x8, s12;
	[tilespmem:s0+$0x8020] =	vst.add.f32.msk $0xffff, v6  }
0x389: {  	s10 =	sadd.s32 $0x400, s10;
	s13 =	sshll.u32 s12, $0x4;
	p0 =	slt.u32 s12, $0x3F8;
	[tilespmem:s0+$0x8030] =	vst.add.f32.msk $0xffff, v7  }
0x38a: {  	s14 =	sand.u32 $0x1C00, s10;
	s15 =	sshll.u32 s12, $0x1;
	s13 =	sand.u32 $0x2000, s13;
	[tilespmem:s0+$0x8040] =	vst.add.f32.msk $0xffff, v5  }
0x38b: {  	s15 =	sand.u32 $0x380, s15;
	s13 =	sor.u32 s14, s13;
	[tilespmem:s0+$0x8050] =	vst.add.f32.msk $0xffff, v4  }
0x38c: {  	s13 =	sor.u32 s15, s13;
	[tilespmem:s0+$0x8060] =	vst.add.f32.msk $0xffff, v3  }
0x38d: {  	v3 =	vld [tilespmem:s13+$0x4170]  }
0x38e: {  	v8 =	vld [tilespmem:s13+$0x4100]  }
0x38f: {  	v9 =	vld [tilespmem:s13+$0x4110]  }
0x390: {  	v6 =	vld [tilespmem:s13+$0x4120]  }
0x391: {  	s0 =	sadd.s32 $0x8100, s13;
	v7 =	vld [tilespmem:s13+$0x4130]  }
0x392: {  	[tilespmem:s0+$0x8070] =	vst.add.f32.msk $0xffff, v3  }
.Ltmp12:
0x393: {  	v5 =	vld [tilespmem:s13+$0x4140];
	(pc) =	sbr.rel @p0 .LBB2_26-.Ltmp12, $4  }
0x394: {  	v4 =	vld [tilespmem:s13+$0x4150]  }
0x395: {  	v3 =	vld [tilespmem:s13+$0x4160]  }
0x396: {  	[tilespmem:s13+$0x10100] =	vst.add.f32.msk $0xffff, v8  }
0x397: {  	[tilespmem:s0+$0x8010] =	vst.add.f32.msk $0xffff, v9  }
0x398: {  	[tilespmem:s0+$0x8020] =	vst.add.f32.msk $0xffff, v6  }
0x399: {  	[tilespmem:s0+$0x8030] =	vst.add.f32.msk $0xffff, v7  }
0x39a: {  	[tilespmem:s0+$0x8040] =	vst.add.f32.msk $0xffff, v5  }
0x39b: {  	[tilespmem:s0+$0x8050] =	vst.add.f32.msk $0xffff, v4  }
0x39c: {  	s10 =	simm.s32 $0x0;
	[tilespmem:s0+$0x8060] =	vst.add.f32.msk $0xffff, v3  }
0x39d: {  	s15 =	simm.s32 $0x0;
	s13 =	simm.s32 $0x0;
	s0 =	rddreg [dreg:$0x15]  }
0x39e: {  	[hbm4b:s0+s10] =	stream.linear.scatter [tilespmem:s25], [sflag:$0x8], $0x4000, $0x38;
	[tilespmem:$0x1C100] =	vst v63  }
0x39f: {  	s12 =	sand.u32 $0x1C00, s10;
	s0 =	sand.u32 $0x2000, s15;
	_ =	swait.ge [sflag:s29], $0x4000  }
0x3a0: {  	s13 =	sand.u32 $0x380, s13;
	s0 =	sor.u32 s12, s0;
	[sflag:s29] =	ssyncset.done $0x0  }
0x3a1: {  	s12 =	sor.u32 s13, s0;
	[sflag:s29] =	ssyncadd.s32 $0xFFFFC000  }
0x3a2: {  	v3 =	vld [tilespmem:s12+$0x4170]  }
0x3a3: {  	v8 =	vld [tilespmem:s12+$0x4100]  }
0x3a4: {  	v9 =	vld [tilespmem:s12+$0x4110]  }
0x3a5: {  	v6 =	vld [tilespmem:s12+$0x4120]  }
0x3a6: {  	v7 =	vld [tilespmem:s12+$0x4130]  }
0x3a7: {  	v5 =	vld [tilespmem:s12+$0x4140]  }
0x3a8: {  	s0 =	sadd.s32 $0x8100, s12;
	v4 =	vld [tilespmem:s12+$0x4150]  }
0x3a9: {  	[tilespmem:s0+$0xC070] =	vst.add.f32.msk $0xffff, v3  }
0x3aa: {  	v3 =	vld [tilespmem:s12+$0x4160]  }
0x3ab: {  	[tilespmem:s12+$0x14100] =	vst.add.f32.msk $0xffff, v8  }
0x3ac: {  	s12 =	simm.s32 $0x0;
	[tilespmem:s0+$0xC010] =	vst.add.f32.msk $0xffff, v9  }
.LBB2_28:
0x3ad: {  	s12 =	sadd.s32 $0x8, s12;
	[tilespmem:s0+$0xC020] =	vst.add.f32.msk $0xffff, v6  }
0x3ae: {  	s10 =	sadd.s32 $0x400, s10;
	s13 =	sshll.u32 s12, $0x4;
	p0 =	slt.u32 s12, $0x3F8;
	[tilespmem:s0+$0xC030] =	vst.add.f32.msk $0xffff, v7  }
0x3af: {  	s14 =	sand.u32 $0x1C00, s10;
	s15 =	sshll.u32 s12, $0x1;
	s13 =	sand.u32 $0x2000, s13;
	[tilespmem:s0+$0xC040] =	vst.add.f32.msk $0xffff, v5  }
0x3b0: {  	s15 =	sand.u32 $0x380, s15;
	s13 =	sor.u32 s14, s13;
	[tilespmem:s0+$0xC050] =	vst.add.f32.msk $0xffff, v4  }
0x3b1: {  	s13 =	sor.u32 s15, s13;
	[tilespmem:s0+$0xC060] =	vst.add.f32.msk $0xffff, v3  }
0x3b2: {  	v3 =	vld [tilespmem:s13+$0x4170]  }
0x3b3: {  	v8 =	vld [tilespmem:s13+$0x4100]  }
0x3b4: {  	v9 =	vld [tilespmem:s13+$0x4110]  }
0x3b5: {  	v6 =	vld [tilespmem:s13+$0x4120]  }
0x3b6: {  	s0 =	sadd.s32 $0x8100, s13;
	v7 =	vld [tilespmem:s13+$0x4130]  }
0x3b7: {  	[tilespmem:s0+$0xC070] =	vst.add.f32.msk $0xffff, v3  }
.Ltmp13:
0x3b8: {  	v5 =	vld [tilespmem:s13+$0x4140];
	(pc) =	sbr.rel @p0 .LBB2_28-.Ltmp13, $4  }
0x3b9: {  	v4 =	vld [tilespmem:s13+$0x4150]  }
0x3ba: {  	v3 =	vld [tilespmem:s13+$0x4160]  }
0x3bb: {  	[tilespmem:s13+$0x14100] =	vst.add.f32.msk $0xffff, v8  }
0x3bc: {  	[tilespmem:s0+$0xC010] =	vst.add.f32.msk $0xffff, v9  }
0x3bd: {  	[tilespmem:s0+$0xC020] =	vst.add.f32.msk $0xffff, v6  }
0x3be: {  	[tilespmem:s0+$0xC030] =	vst.add.f32.msk $0xffff, v7  }
0x3bf: {  	[tilespmem:s0+$0xC040] =	vst.add.f32.msk $0xffff, v5  }
0x3c0: {  	[tilespmem:s0+$0xC050] =	vst.add.f32.msk $0xffff, v4  }
0x3c1: {  	s10 =	simm.s32 $0x0;
	[tilespmem:s0+$0xC060] =	vst.add.f32.msk $0xffff, v3  }
0x3c2: {  	s15 =	simm.s32 $0x0;
	s13 =	simm.s32 $0x0;
	s0 =	rddreg [dreg:$0x1b]  }
0x3c3: {  	[hbm4b:s0+s10] =	stream.linear.scatter [tilespmem:s11], [sflag:$0x9], $0x4000, $0x38;
	[tilespmem:$0x1C100] =	vst v63  }
0x3c4: {  	s12 =	sand.u32 $0x1C00, s10;
	s0 =	sand.u32 $0x2000, s15;
	_ =	swait.ge [sflag:s2], $0x4000  }
0x3c5: {  	s13 =	sand.u32 $0x380, s13;
	s0 =	sor.u32 s12, s0;
	[sflag:s2] =	ssyncset.done $0x0  }
0x3c6: {  	s0 =	sor.u32 s13, s0;
	[sflag:s2] =	ssyncadd.s32 $0xFFFFC000  }
0x3c7: {  	v3 =	vld [tilespmem:s0+$0x4170]  }
0x3c8: {  	v8 =	vld [tilespmem:s0+$0x4100]  }
0x3c9: {  	v9 =	vld [tilespmem:s0+$0x4110]  }
0x3ca: {  	v7 =	vld [tilespmem:s0+$0x4120]  }
0x3cb: {  	v6 =	vld [tilespmem:s0+$0x4130]  }
0x3cc: {  	v5 =	vld [tilespmem:s0+$0x4140]  }
0x3cd: {  	v4 =	vld [tilespmem:s0+$0x4160]  }
0x3ce: {  	[tilespmem:s0+$0x18170] =	vst.add.f32.msk $0xffff, v3  }
0x3cf: {  	v3 =	vld [tilespmem:s0+$0x4150]  }
0x3d0: {  	[tilespmem:s0+$0x18100] =	vst.add.f32.msk $0xffff, v8  }
0x3d1: {  	s12 =	simm.s32 $0x0;
	[tilespmem:s0+$0x18110] =	vst.add.f32.msk $0xffff, v9  }
.LBB2_30:
0x3d2: {  	s12 =	sadd.s32 $0x8, s12;
	[tilespmem:s0+$0x18120] =	vst.add.f32.msk $0xffff, v7  }
0x3d3: {  	s10 =	sadd.s32 $0x400, s10;
	s13 =	sshll.u32 s12, $0x4;
	p0 =	slt.u32 s12, $0x3F8;
	[tilespmem:s0+$0x18130] =	vst.add.f32.msk $0xffff, v6  }
0x3d4: {  	s14 =	sand.u32 $0x1C00, s10;
	s15 =	sshll.u32 s12, $0x1;
	s13 =	sand.u32 $0x2000, s13;
	[tilespmem:s0+$0x18140] =	vst.add.f32.msk $0xffff, v5  }
0x3d5: {  	s15 =	sand.u32 $0x380, s15;
	s13 =	sor.u32 s14, s13;
	[tilespmem:s0+$0x18150] =	vst.add.f32.msk $0xffff, v3  }
0x3d6: {  	[tilespmem:s0+$0x18160] =	vst.add.f32.msk $0xffff, v4;
	s0 =	sor.u32 s15, s13  }
0x3d7: {  	v3 =	vld [tilespmem:s0+$0x4170]  }
0x3d8: {  	v8 =	vld [tilespmem:s0+$0x4100]  }
0x3d9: {  	v9 =	vld [tilespmem:s0+$0x4110]  }
0x3da: {  	v7 =	vld [tilespmem:s0+$0x4120]  }
0x3db: {  	v6 =	vld [tilespmem:s0+$0x4130]  }
0x3dc: {  	[tilespmem:s0+$0x18170] =	vst.add.f32.msk $0xffff, v3  }
.Ltmp14:
0x3dd: {  	v5 =	vld [tilespmem:s0+$0x4140];
	(pc) =	sbr.rel @p0 .LBB2_30-.Ltmp14, $4  }
0x3de: {  	v3 =	vld [tilespmem:s0+$0x4150]  }
0x3df: {  	v4 =	vld [tilespmem:s0+$0x4160]  }
0x3e0: {  	[tilespmem:s0+$0x18100] =	vst.add.f32.msk $0xffff, v8  }
0x3e1: {  	[tilespmem:s0+$0x18110] =	vst.add.f32.msk $0xffff, v9  }
0x3e2: {  	[tilespmem:s0+$0x18120] =	vst.add.f32.msk $0xffff, v7  }
0x3e3: {  	[tilespmem:s0+$0x18130] =	vst.add.f32.msk $0xffff, v6  }
0x3e4: {  	[tilespmem:s0+$0x18140] =	vst.add.f32.msk $0xffff, v5  }
0x3e5: {  	[tilespmem:s0+$0x18150] =	vst.add.f32.msk $0xffff, v3  }
0x3e6: {  	s10 =	simm.s32 $0x0;
	[tilespmem:s0+$0x18160] =	vst.add.f32.msk $0xffff, v4  }
0x3e7: {  	s15 =	simm.s32 $0x0;
	s13 =	simm.s32 $0x0;
	s0 =	rddreg [dreg:$0x1c]  }
0x3e8: {  	[hbm4b:s0+s10] =	stream.linear.scatter [tilespmem:s26], [sflag:$0xA], $0x4000, $0x38;
	[tilespmem:$0x1C100] =	vst v63  }
0x3e9: {  	s12 =	sand.u32 $0x1C00, s10;
	s0 =	sand.u32 $0x2000, s15;
	_ =	swait.ge [sflag:s20], $0x4000  }
0x3ea: {  	s13 =	sand.u32 $0x380, s13;
	s0 =	sor.u32 s12, s0;
	[sflag:s20] =	ssyncset.done $0x0  }
0x3eb: {  	s0 =	sor.u32 s13, s0;
	[sflag:s20] =	ssyncadd.s32 $0xFFFFC000  }
0x3ec: {  	v3 =	vld [tilespmem:s0+$0x4170]  }
0x3ed: {  	v8 =	vld [tilespmem:s0+$0x4100]  }
0x3ee: {  	v9 =	vld [tilespmem:s0+$0x4110]  }
0x3ef: {  	v7 =	vld [tilespmem:s0+$0x4120]  }
0x3f0: {  	v6 =	vld [tilespmem:s0+$0x4130]  }
0x3f1: {  	v5 =	vld [tilespmem:s0+$0x4140]  }
0x3f2: {  	v4 =	vld [tilespmem:s0+$0x4160]  }
0x3f3: {  	[tilespmem:s0+$0x8170] =	vst.add.f32.msk $0xffff, v3  }
0x3f4: {  	v3 =	vld [tilespmem:s0+$0x4150]  }
0x3f5: {  	[tilespmem:s0+$0x8100] =	vst.add.f32.msk $0xffff, v8  }
0x3f6: {  	s12 =	simm.s32 $0x0;
	[tilespmem:s0+$0x8110] =	vst.add.f32.msk $0xffff, v9  }
.LBB2_32:
0x3f7: {  	s12 =	sadd.s32 $0x8, s12;
	[tilespmem:s0+$0x8120] =	vst.add.f32.msk $0xffff, v7  }
0x3f8: {  	s10 =	sadd.s32 $0x400, s10;
	s13 =	sshll.u32 s12, $0x4;
	p0 =	slt.u32 s12, $0x3F8;
	[tilespmem:s0+$0x8130] =	vst.add.f32.msk $0xffff, v6  }
0x3f9: {  	s14 =	sand.u32 $0x1C00, s10;
	s15 =	sshll.u32 s12, $0x1;
	s13 =	sand.u32 $0x2000, s13;
	[tilespmem:s0+$0x8140] =	vst.add.f32.msk $0xffff, v5  }
0x3fa: {  	s15 =	sand.u32 $0x380, s15;
	s13 =	sor.u32 s14, s13;
	[tilespmem:s0+$0x8150] =	vst.add.f32.msk $0xffff, v3  }
0x3fb: {  	[tilespmem:s0+$0x8160] =	vst.add.f32.msk $0xffff, v4;
	s0 =	sor.u32 s15, s13  }
0x3fc: {  	v3 =	vld [tilespmem:s0+$0x4170]  }
0x3fd: {  	v8 =	vld [tilespmem:s0+$0x4100]  }
0x3fe: {  	v9 =	vld [tilespmem:s0+$0x4110]  }
0x3ff: {  	v7 =	vld [tilespmem:s0+$0x4120]  }
0x400: {  	v6 =	vld [tilespmem:s0+$0x4130]  }
0x401: {  	[tilespmem:s0+$0x8170] =	vst.add.f32.msk $0xffff, v3  }
.Ltmp15:
0x402: {  	v5 =	vld [tilespmem:s0+$0x4140];
	(pc) =	sbr.rel @p0 .LBB2_32-.Ltmp15, $4  }
0x403: {  	v3 =	vld [tilespmem:s0+$0x4150]  }
0x404: {  	v4 =	vld [tilespmem:s0+$0x4160]  }
0x405: {  	[tilespmem:s0+$0x8100] =	vst.add.f32.msk $0xffff, v8  }
0x406: {  	[tilespmem:s0+$0x8110] =	vst.add.f32.msk $0xffff, v9  }
0x407: {  	[tilespmem:s0+$0x8120] =	vst.add.f32.msk $0xffff, v7  }
0x408: {  	[tilespmem:s0+$0x8130] =	vst.add.f32.msk $0xffff, v6  }
0x409: {  	[tilespmem:s0+$0x8140] =	vst.add.f32.msk $0xffff, v5  }
0x40a: {  	[tilespmem:s0+$0x8150] =	vst.add.f32.msk $0xffff, v3  }
0x40b: {  	[tilespmem:s0+$0x8160] =	vst.add.f32.msk $0xffff, v4  }
0x40c: {  	s0 =	rddreg [dreg:$0x1d]  }
0x40d: {  	[hbm4b:s0+s3] =	stream.linear.scatter [tilespmem:s9], [sflag:$0x6], $0x4000, $0x38;
	[tilespmem:$0x1C100] =	vst v63  }
0x40e: {  	_ =	swait.ge [sflag:s23], $0x4000  }
0x40f: {  	[sflag:s23] =	ssyncset.done $0x0  }
0x410: {  	[sflag:s23] =	ssyncadd.s32 $0xFFFFC000  }
0x411: {  	_ =	swait.ge [sflag:s28], $0x4000  }
0x412: {  	[sflag:s28] =	ssyncset.done $0x0  }
0x413: {  	[sflag:s28] =	ssyncadd.s32 $0xFFFFC000  }
0x414: {  	_ =	swait.ge [sflag:s30], $0x4000  }
0x415: {  	[sflag:s30] =	ssyncset.done $0x0  }
0x416: {  	[sflag:s30] =	ssyncadd.s32 $0xFFFFC000  }
0x417: {  	_ =	swait.ge [sflag:s5], $0x4000  }
0x418: {  	[sflag:s5] =	ssyncset.done $0x0  }
0x419: {  	[sflag:s5] =	ssyncadd.s32 $0xFFFFC000  }
0x41a: {  	_ =	swait.ge [sflag:s21], $0x4000  }
0x41b: {  	s18 =	sadd.s32 $0x1, s18;
	s15 =	rddreg [dreg:$0x17]  }
0x41c: {  	p0 =	sne.s32 s18, s15  }
.Ltmp16:
0x41d: {  	_ = 	snop;
	(pc) =	sbr.rel @p0 .LBB2_1-.Ltmp16, $3  }
0x41e: {  	_ =	sdelay $0x1  }
0x41f: {  	[sflag:s21] =	ssyncset.done $0x0  }
0x420: {  	[sflag:s21] =	ssyncadd.s32 $0xFFFFC000  }
0x421: {  	_ =	sfence.sel $0x180000  }
0x422: {  	[bflag:$0x0] =	sbarrier.arrive $0xFFFF  }
0x423: {  	_ =	strace $0x90000047  }
0x424: {  	s0 =	stileid.u32;
	[bflag:$0x2] =	sbarrier.arrive $0xFFFF  }
0x425: {  	p0 =	sne.s32 s0, $0x0;
	s0 =	rddreg [dreg:$0x4]  }
0x426: {  	s0 =	sadd.s32 @!p0 $0x100000, s0  }
0x427: {  	[sflag:s0] =	ssyncadd.tile.s32 @!p0 $0x1;
	_ =	shalt  }
.Lfunc_end2:
_tile_overlayer_lowered:
.L_overlay_start_2:
0x428: {  	(tag) =	ssettag $0x2  }
0x429: {  	s0 =	rddreg [dreg:$0x0];
	s2 =	stileid.u32  }
0x42a: {  	s1 =	rddreg [dreg:$0x1];
	p0 =	sne.s32 s2, $0x0  }
0x42b: {  	s3 =	rddreg [dreg:$0x2];
	[bflag:$0x3] =	sbarrier.arrive $0xFFFF;
	s2 =	simm.s32 @!p0 $0x1C0D  }
0x42c: {  	[timem:s3], [sflag:s2] =	dma.local @!p0 [hbm:s0], s1  }
0x42d: {  	s0 =	simm.s32 @!p0 $0xD  }
0x42e: {  	_ =	swait.ge @!p0 [sflag:s0], s1  }
0x42f: {  	s1 =	ssub.s32 @!p0 $0x0, s1;
	[sflag:s0] =	ssyncset.done @!p0 $0x0  }
0x430: {  	[sflag:s0] =	ssyncadd.s32 @!p0 s1  }
0x431: {  	[bflag:$0x3] =	sbarrier.arrive $0xFFFF  }
0x432: {  	_ =	shalt  }

</sc_bundles>
